<compile_context>
chip_gen: v7x
topology: tpu7x:2x2x1
jax: 0.10.2.dev20260603
libtpu: 0.0.44.dev20260713+nightly
codegen_flags: <defaults>
</compile_context>

<pallas_src>
import jax
import jax.numpy as jnp
from jax import lax
from jax.experimental import pallas as pl
from jax.experimental.pallas import tpu as pltpu
from jax.experimental.pallas import tpu_sc as plsc

N = 10000
D = 128
G = 100
C = 100
E = 320000
NACC = 10240
EPAD = 327680
EPW = EPAD // 32
EB = 128
NB = EPW // EB
RPS = NACC // 16
IW = 16
BLK = 400
GRID = N // BLK



def _sc_mesh():
    return plsc.VectorSubcoreMesh(core_axis_name="c", subcore_axis_name="s",
                                  num_cores=2, num_subcores=16)


def _edge_pass_body(table_h, src_h, dst_h, zeros_h, out_h,
                    src_v, dst_v, rows_v, acc_s, gsem):
    c = lax.axis_index("c")
    s = lax.axis_index("s")

    @pl.when(s == 0)
    def _():
        pltpu.sync_copy(zeros_h, acc_s)

        def body(k, carry):
            base = (2 * (k // NB) + c) * EPW + (k % NB) * EB
            pltpu.sync_copy(src_h.at[pl.ds(base, EB)], src_v)
            pltpu.sync_copy(dst_h.at[pl.ds(base, EB)], dst_v)
            pltpu.async_copy(table_h.at[src_v], rows_v, gsem).wait()
            pltpu.sync_copy(rows_v, acc_s.at[dst_v], add=True)
            return carry

        lax.fori_loop(0, 16 * NB, body, 0)
        pltpu.sync_copy(acc_s, out_h.at[c])


def _edge_pass(table, src2d, dst2d, zeros):
    return pl.kernel(
        _edge_pass_body,
        out_type=jax.ShapeDtypeStruct((2, NACC, D), jnp.float32),
        mesh=_sc_mesh(),
        scratch_types=[
            pltpu.VMEM((EB,), jnp.int32),
            pltpu.VMEM((EB,), jnp.int32),
            pltpu.VMEM((EB, D), jnp.float32),
            pltpu.VMEM_SHARED((NACC, D), jnp.float32),
            pltpu.SemaphoreType.DMA,
        ],
    )(table, src2d, dst2d, zeros)


def _ones_pass_body(dst_h, zi_h, ones_h, dst_v, ones_v, ind_s, ind_h):
    c = lax.axis_index("c")
    s = lax.axis_index("s")

    @pl.when(s == 0)
    def _():
        pltpu.sync_copy(zi_h, ind_s)
        pltpu.sync_copy(ones_h, ones_v)

        def body(k, carry):
            base = (2 * (k // NB) + c) * EPW + (k % NB) * EB
            pltpu.sync_copy(dst_h.at[pl.ds(base, EB)], dst_v)
            pltpu.sync_copy(ones_v, ind_s.at[dst_v], add=True)
            return carry

        lax.fori_loop(0, 16 * NB, body, 0)
        pltpu.sync_copy(ind_s, ind_h.at[c])


def _ones_pass(dst2d, zi, ones):
    def body(dst_h, zi_h, ones_h, ind_h, dst_v, ones_v, ind_s):
        _ones_pass_body(dst_h, zi_h, ones_h, dst_v, ones_v, ind_s, ind_h)

    return pl.kernel(
        body,
        out_type=jax.ShapeDtypeStruct((2, NACC, IW), jnp.float32),
        mesh=_sc_mesh(),
        scratch_types=[
            pltpu.VMEM((EB,), jnp.int32),
            pltpu.VMEM((EB, IW), jnp.float32),
            pltpu.VMEM_SHARED((NACC, IW), jnp.float32),
        ],
    )(dst2d, zi, ones)


def _center_gather_body(enc_h, idx_h, out_h, idx_v, rows_v, sem):
    c = lax.axis_index("c")
    s = lax.axis_index("s")

    @pl.when(jnp.logical_and(c == 0, s == 0))
    def _():
        pltpu.sync_copy(idx_h, idx_v)
        pltpu.async_copy(enc_h.at[idx_v], rows_v, sem).wait()
        pltpu.sync_copy(rows_v, out_h)


def _center_gather(enc, cidx_pad):
    return pl.kernel(
        _center_gather_body,
        out_type=jax.ShapeDtypeStruct((128, 2 * D), jnp.float32),
        mesh=_sc_mesh(),
        scratch_types=[
            pltpu.VMEM((128,), jnp.int32),
            pltpu.VMEM((128, 2 * D), jnp.float32),
            pltpu.SemaphoreType.DMA,
        ],
    )(enc, cidx_pad)



def _ka_body(x_ref, w0_ref, b0_ref, y_ref, st_ref):
    i = pl.program_id(0)
    y = jnp.dot(x_ref[...], w0_ref[...],
                preferred_element_type=jnp.float32) + b0_ref[...]
    y_ref[...] = y
    st = jnp.concatenate([jnp.sum(y, 0, keepdims=True),
                          jnp.sum(y * y, 0, keepdims=True)], axis=0)

    @pl.when(i == 0)
    def _():
        st_ref[...] = jnp.zeros_like(st_ref)

    st_ref[...] += st


def _ka(x, w0, b0):
    return pl.pallas_call(
        _ka_body,
        grid=(GRID,),
        in_specs=[
            pl.BlockSpec((BLK, D), lambda i: (i, 0)),
            pl.BlockSpec((D, D), lambda i: (0, 0)),
            pl.BlockSpec((1, D), lambda i: (0, 0)),
        ],
        out_specs=[
            pl.BlockSpec((BLK, D), lambda i: (i, 0)),
            pl.BlockSpec((2, D), lambda i: (0, 0)),
        ],
        out_shape=[
            jax.ShapeDtypeStruct((N, D), jnp.float32),
            jax.ShapeDtypeStruct((2, D), jnp.float32),
        ],
    )(x, w0, b0)


def _kb_body(y_ref, p0_ref, p1_ref, i0_ref, i1_ref, st_ref, gam_ref, bet_ref,
             w1_ref, b1_ref, w2_ref, b2_ref, x0_ref, ind_ref):
    mu = st_ref[0:1, :] / N
    var = st_ref[1:2, :] / N - mu * mu
    sc = gam_ref[...] * lax.rsqrt(var + 1e-5)
    y = y_ref[...]
    indeg = i0_ref[...] + i1_ref[...]
    ind_ref[...] = indeg
    aggy = p0_ref[...] + p1_ref[...]
    xbn = (y - mu) * sc + bet_ref[...]
    agg1 = (aggy - indeg * mu) * sc + indeg * bet_ref[...]
    h = xbn + agg1
    t = jax.nn.relu(jnp.dot(h, w1_ref[...],
                            preferred_element_type=jnp.float32) + b1_ref[...])
    x0_ref[...] = jnp.dot(t, w2_ref[...],
                          preferred_element_type=jnp.float32) + b2_ref[...]


def _kb(y, p0, p1, i0, i1, st, gam, bet, w1, b1, w2, b2):
    return pl.pallas_call(
        _kb_body,
        grid=(GRID,),
        in_specs=[
            pl.BlockSpec((BLK, D), lambda i: (i, 0)),
            pl.BlockSpec((BLK, D), lambda i: (i, 0)),
            pl.BlockSpec((BLK, D), lambda i: (i, 0)),
            pl.BlockSpec((BLK, 1), lambda i: (i, 0)),
            pl.BlockSpec((BLK, 1), lambda i: (i, 0)),
            pl.BlockSpec((2, D), lambda i: (0, 0)),
            pl.BlockSpec((1, D), lambda i: (0, 0)),
            pl.BlockSpec((1, D), lambda i: (0, 0)),
            pl.BlockSpec((D, D), lambda i: (0, 0)),
            pl.BlockSpec((1, D), lambda i: (0, 0)),
            pl.BlockSpec((D, D), lambda i: (0, 0)),
            pl.BlockSpec((1, D), lambda i: (0, 0)),
        ],
        out_specs=[
            pl.BlockSpec((BLK, D), lambda i: (i, 0)),
            pl.BlockSpec((BLK, 1), lambda i: (i, 0)),
        ],
        out_shape=[
            jax.ShapeDtypeStruct((N, D), jnp.float32),
            jax.ShapeDtypeStruct((N, 1), jnp.float32),
        ],
    )(y, p0, p1, i0, i1, st, gam, bet, w1, b1, w2, b2)


def _kc_body(x0_ref, q0_ref, q1_ref, ind_ref, ie_ref,
             w1a_ref, w1b_ref, b1_ref, w2_ref, b2_ref, enc_ref):
    u = jnp.dot(ie_ref[...], w1a_ref[...],
                preferred_element_type=jnp.float32)
    indeg = ind_ref[...]
    h2b = x0_ref[...] + q0_ref[...] + q1_ref[...]
    z = jax.nn.relu((1.0 + indeg) * u +
                    jnp.dot(h2b, w1b_ref[...],
                            preferred_element_type=jnp.float32) + b1_ref[...])
    enc_ref[...] = jnp.dot(z, w2_ref[...],
                           preferred_element_type=jnp.float32) + b2_ref[...]


def _kc(x0, q0, q1, ind, ie, w1a, w1b, b1, w2, b2):
    return pl.pallas_call(
        _kc_body,
        grid=(GRID,),
        in_specs=[
            pl.BlockSpec((BLK, D), lambda i: (i, 0)),
            pl.BlockSpec((BLK, D), lambda i: (i, 0)),
            pl.BlockSpec((BLK, D), lambda i: (i, 0)),
            pl.BlockSpec((BLK, 1), lambda i: (i, 0)),
            pl.BlockSpec((1, D), lambda i: (0, 0)),
            pl.BlockSpec((D, 2 * D), lambda i: (0, 0)),
            pl.BlockSpec((D, 2 * D), lambda i: (0, 0)),
            pl.BlockSpec((1, 2 * D), lambda i: (0, 0)),
            pl.BlockSpec((2 * D, 2 * D), lambda i: (0, 0)),
            pl.BlockSpec((1, 2 * D), lambda i: (0, 0)),
        ],
        out_specs=pl.BlockSpec((BLK, 2 * D), lambda i: (i, 0)),
        out_shape=jax.ShapeDtypeStruct((N, 2 * D), jnp.float32),
    )(x0, q0, q1, ind, ie, w1a, w1b, b1, w2, b2)


def _kd_body(enc_ref, x_ref, cen_ref, oh_ref, a_ref, b_ref, l1b_ref,
             wa_ref, wb_ref, l2b_ref, m_ref, lg_ref):
    cen = cen_ref[0]
    cg = jnp.dot(cen, a_ref[...], preferred_element_type=jnp.float32)
    cgpart = jnp.dot(oh_ref[...], cg, preferred_element_type=jnp.float32)
    h = jax.nn.relu(cgpart +
                    jnp.dot(enc_ref[...], b_ref[...],
                            preferred_element_type=jnp.float32) + l1b_ref[...])
    lg = (jnp.dot(x_ref[...], wa_ref[...],
                  preferred_element_type=jnp.float32) +
          jnp.dot(h, wb_ref[...], preferred_element_type=jnp.float32) +
          l2b_ref[...] - (1.0 - m_ref[...]) * 1e6)
    lg_ref[...] = lg


def _kd(enc, x, cen3, oh, a, b, l1b, wa, wb, l2b, m):
    return pl.pallas_call(
        _kd_body,
        grid=(GRID,),
        in_specs=[
            pl.BlockSpec((BLK, 2 * D), lambda i: (i, 0)),
            pl.BlockSpec((BLK, D), lambda i: (i, 0)),
            pl.BlockSpec((1, 8, 2 * D), lambda i: (i, 0, 0)),
            pl.BlockSpec((BLK, 8), lambda i: (0, 0)),
            pl.BlockSpec((2 * D, D), lambda i: (0, 0)),
            pl.BlockSpec((2 * D, D), lambda i: (0, 0)),
            pl.BlockSpec((1, D), lambda i: (0, 0)),
            pl.BlockSpec((D, 1), lambda i: (0, 0)),
            pl.BlockSpec((D, 1), lambda i: (0, 0)),
            pl.BlockSpec((1, 1), lambda i: (0, 0)),
            pl.BlockSpec((BLK, 1), lambda i: (i, 0)),
        ],
        out_specs=pl.BlockSpec((BLK, 1), lambda i: (i, 0)),
        out_shape=jax.ShapeDtypeStruct((N, 1), jnp.float32),
    )(enc, x, cen3, oh, a, b, l1b, wa, wb, l2b, m)


def _ke_body(lg_ref, gid_ref, samp_ref, la_ref):
    lg = lg_ref[...]
    mx = jnp.max(lg, axis=1, keepdims=True)
    ex = jnp.exp(lg - mx)
    sm = jnp.sum(ex, axis=1, keepdims=True)
    probs = ex / sm
    samp = jnp.argmax(probs, axis=1).astype(jnp.int32)
    la = jnp.log(jnp.max(probs, axis=1))
    samp_ref[...] = samp[:, None] + gid_ref[...]
    la_ref[...] = la[:, None]


def _ke(lg2, gid2):
    return pl.pallas_call(
        _ke_body,
        out_shape=[
            jax.ShapeDtypeStruct((G, 1), jnp.int32),
            jax.ShapeDtypeStruct((G, 1), jnp.float32),
        ],
    )(lg2, gid2)



def kernel(x, edge_index, mask, center_node_index, graph_id_index,
           W0, b0, gamma, beta,
           ge_W1, ge_b1, ge_W2, ge_b2,
           initial_embed,
           g_W1, g_b1, g_W2, g_b2,
           l1_W, l1_b, l2_W, l2_b):
    f32 = jnp.float32
    i32 = jnp.int32
    src = edge_index[0].astype(i32)
    dst = edge_index[1].astype(i32)
    srcp = jnp.concatenate([src, jnp.zeros((EPAD - E,), i32)])
    dstp = jnp.concatenate([dst, jnp.full((EPAD - E,), NACC - 1, i32)])
    zeros128 = jnp.zeros((NACC, D), f32)
    maskf = mask.astype(f32).reshape(N, 1)
    cidxp = jnp.concatenate([center_node_index.astype(i32),
                             jnp.zeros((128 - G,), i32)])
    oh = (jnp.arange(BLK, dtype=i32)[:, None] // C ==
          jnp.arange(8, dtype=i32)[None, :]).astype(f32)
    gid2 = graph_id_index.astype(i32).reshape(G, 1)

    ones_blk = jnp.ones((EB, IW), f32)
    zeros_ind = jnp.zeros((NACC, IW), f32)

    y, stats = _ka(x, W0, b0.reshape(1, D))
    p0 = jax.ops.segment_sum(y[src], dst, num_segments=N)
    p1 = jnp.zeros_like(p0)
    i0 = jax.ops.segment_sum(jnp.ones((E, 1), f32), dst, num_segments=N)
    i1 = jnp.zeros_like(i0)
    x0, indeg = _kb(y, p0, p1, i0, i1, stats,
                    gamma.reshape(1, D), beta.reshape(1, D),
                    ge_W1, ge_b1.reshape(1, D), ge_W2, ge_b2.reshape(1, D))
    q0 = jax.ops.segment_sum(x0[src], dst, num_segments=N)
    q1 = jnp.zeros_like(q0)
    enc = _kc(x0, q0, q1, indeg, initial_embed.reshape(1, D),
              g_W1[:D, :], g_W1[D:, :], g_b1.reshape(1, 2 * D),
              g_W2, g_b2.reshape(1, 2 * D))
    cen = _center_gather(enc, cidxp)
    cen3 = jnp.concatenate([cen.reshape(32, 4, 2 * D),
                            jnp.zeros((32, 4, 2 * D), f32)], axis=1)
    lg = _kd(enc, x, cen3, oh, l1_W[:2 * D, :], l1_W[2 * D:, :],
             l1_b.reshape(1, D), l2_W[:D, :], l2_W[D:, :],
             l2_b.reshape(1, 1), maskf)
    lgp = jnp.pad(lg.reshape(G, C), ((0, 0), (0, 128 - C)),
                  constant_values=-1e9)
    samp2, la2 = _ke(lgp, gid2)
    return (samp2[:, 0], la2[:, 0], x0)

# --- scband reference (transcript-rebuilt; emitter-appended) ---
"""Pipeline reference for scband-actor-13743895347442 (READ-ONLY COPY).

The authoritative reference and input builder live on the scoring server;
editing this copy changes nothing except your own understanding.
"""

import jax, jax.numpy as jnp
import numpy as np

N = 10000
E = 320000
D = 128
G = 100


def _linear(x, W, b):
    return x @ W + b


def _batchnorm(x, gamma, beta, eps=1e-5):
    mean = x.mean(axis=0)
    var = x.var(axis=0)
    return (x - mean) / jnp.sqrt(var + eps) * gamma + beta


def _gin_conv(x, edge_index, W1, b1, W2, b2, eps=0.0):
    # GINConv: h_i = MLP((1+eps)*x_i + sum_{j->i} x_j)
    src = edge_index[0]
    dst = edge_index[1]
    agg = jnp.zeros_like(x).at[dst].add(x[src])
    h = (1.0 + eps) * x + agg
    h = jax.nn.relu(h @ W1 + b1)
    return h @ W2 + b2


def setup_inputs(seed: int = 0) -> dict:
    key = jax.random.key(seed)
    ks = jax.random.split(key, 24)
    s = 0.05
    inp = {}
    inp['x'] = jax.random.normal(ks[0], (N, D), dtype=jnp.float32)
    inp['edge_index'] = jax.random.randint(ks[1], (2, E), 0, N, dtype=jnp.int64) if jax.config.read('jax_enable_x64') else jax.random.randint(ks[1], (2, E), 0, N).astype(jnp.int32)
    inp['mask'] = jax.random.randint(ks[2], (N,), 0, 2) > 0
    inp['center_node_index'] = jax.random.randint(ks[3], (G,), 0, N)
    inp['graph_id_index'] = jnp.arange(G)
    # parameters
    inp['W0'] = jax.random.normal(ks[4], (D, D), dtype=jnp.float32) * s
    inp['b0'] = jnp.zeros((D,), dtype=jnp.float32)
    inp['gamma'] = jnp.ones((D,), dtype=jnp.float32)
    inp['beta'] = jnp.zeros((D,), dtype=jnp.float32)
    inp['ge_W1'] = jax.random.normal(ks[5], (D, D), dtype=jnp.float32) * s
    inp['ge_b1'] = jnp.zeros((D,), dtype=jnp.float32)
    inp['ge_W2'] = jax.random.normal(ks[6], (D, D), dtype=jnp.float32) * s
    inp['ge_b2'] = jnp.zeros((D,), dtype=jnp.float32)
    inp['initial_embed'] = jax.random.normal(ks[7], (D,), dtype=jnp.float32)
    inp['g_W1'] = jax.random.normal(ks[8], (2 * D, 2 * D), dtype=jnp.float32) * s
    inp['g_b1'] = jnp.zeros((2 * D,), dtype=jnp.float32)
    inp['g_W2'] = jax.random.normal(ks[9], (2 * D, 2 * D), dtype=jnp.float32) * s
    inp['g_b2'] = jnp.zeros((2 * D,), dtype=jnp.float32)
    inp['l1_W'] = jax.random.normal(ks[10], (4 * D, D), dtype=jnp.float32) * s
    inp['l1_b'] = jnp.zeros((D,), dtype=jnp.float32)
    inp['l2_W'] = jax.random.normal(ks[11], (2 * D, 1), dtype=jnp.float32) * s
    inp['l2_b'] = jnp.zeros((1,), dtype=jnp.float32)
    return inp


def reference(x, edge_index, mask, center_node_index, graph_id_index,
              W0, b0, gamma, beta,
              ge_W1, ge_b1, ge_W2, ge_b2,
              initial_embed,
              g_W1, g_b1, g_W2, g_b2,
              l1_W, l1_b, l2_W, l2_b):
    num_graphs = center_node_index.shape[0]
    n_nodes = x.shape[0]
    cities = n_nodes // num_graphs
    inf = 10 ** 6
    # x0 = GIN_embed(bn1(linear0(x)))
    x0 = _linear(x, W0, b0)
    x0 = _batchnorm(x0, gamma, beta)
    x0 = _gin_conv(x0, edge_index, ge_W1, ge_b1, ge_W2, ge_b2)
    # prev_node is None -> prepend initial_embed
    x_in = jnp.concatenate([jnp.tile(initial_embed[None, :], (n_nodes, 1)), x0], axis=1)
    enc_out = _gin_conv(x_in, edge_index, g_W1, g_b1, g_W2, g_b2)
    center = enc_out[center_node_index]
    center = jnp.repeat(center, cities, axis=0)
    h = jax.nn.relu(_linear(jnp.concatenate([center, enc_out], axis=1), l1_W, l1_b))
    logits = _linear(jnp.concatenate([x, h], axis=1), l2_W, l2_b).squeeze(-1)
    logits = logits - jnp.where(mask, 0.0, float(inf))
    # per-graph softmax (equal-size graphs batched contiguously)
    probs = jax.nn.softmax(logits.reshape(num_graphs, cities), axis=1)
    # eval path: argmax sampling
    sample = jnp.argmax(probs, axis=1)
    log_action = jnp.log(jnp.take_along_axis(probs, sample[:, None], axis=1)).squeeze(-1)
    return (sample + graph_id_index, log_action, x0)

if __name__ == "__main__":
    import jax
    _d = setup_inputs()
    print(jax.jit(kernel)(*tuple(_d.values())))

</pallas_src>

<mosaic_0001>
#map = affine_map<(d0, d1) -> (0, 0)>
#map1 = affine_map<(d0, d1) -> (0)>
module attributes {stable_mosaic.version = 14 : i64} {
  func.func @_center_gather_body(%arg0: i32, %arg1: i32, %arg2: memref<10000x256xf32, #tpu.memory_space<hbm>>, %arg3: memref<128xi32, #tpu.memory_space<hbm>>, %arg4: memref<128x256xf32, #tpu.memory_space<hbm>>, %arg5: memref<128xi32, #tpu.memory_space<vmem>>, %arg6: memref<128x256xf32, #tpu.memory_space<vmem>>, %arg7: memref<!tpu.dma_semaphore, #tpu.memory_space<semaphore_mem>>) attributes {dimension_semantics = [#tpu.dimension_semantics<core_parallel>, #tpu.dimension_semantics<subcore_parallel>], iteration_bounds = array<i64: 2, 16>, scalar_prefetch = 0 : i64, scratch_operands = 3 : i64, tpu.core_type = #tpu.core_type<sc_vector_subcore>, window_params = [{transform_indices = #map}, {transform_indices = #map1}, {transform_indices = #map}]} {
    %eq3A = arith.constant 0 : i32
    %eq3A_0 = arith.cmpi eq, %arg0, %eq3A : i32
    %eq3A_1 = arith.constant 0 : i32
    %eq3A_2 = arith.cmpi eq, %arg1, %eq3A_1 : i32
    %and3A = arith.andi %eq3A_0, %eq3A_2 : i1
    %convert_element_type3A = arith.extui %and3A : i1 to i32
    %cond3A = arith.constant 0 : i32
    %cond3A_3 = arith.cmpi ne, %convert_element_type3A, %cond3A : i32
    scf.if %cond3A_3 {
      "tpu.region"() ({
        %run_scoped3A = tpu.sem_alloc : memref<!tpu.dma_semaphore, #tpu.memory_space<semaphore_mem>>
        tpu.enqueue_dma source(%arg3 : memref<128xi32, #tpu.memory_space<hbm>>) target(%arg5 : memref<128xi32, #tpu.memory_space<vmem>>) target_semaphore(%run_scoped3A : memref<!tpu.dma_semaphore, #tpu.memory_space<semaphore_mem>>)
        tpu.wait_dma2 semaphore(%run_scoped3A : memref<!tpu.dma_semaphore, #tpu.memory_space<semaphore_mem>>) src(%arg3 : memref<128xi32, #tpu.memory_space<hbm>>) dst(%arg5 : memref<128xi32, #tpu.memory_space<vmem>>)
        tpu.yield
      }) : () -> ()
      %dma_start3A = arith.constant 0 : i32
      %dma_start3A_4 = arith.constant 0 : i32
      %dma_start3A_5 = tpu.memref_slice %arg2[%dma_start3A, %dma_start3A_4] : memref<10000x256xf32, #tpu.memory_space<hbm>> -> memref<10000x256xf32, #tpu.memory_space<hbm>>
      tpu.enqueue_indirect_dma source(%dma_start3A_5 : memref<10000x256xf32, #tpu.memory_space<hbm>>) target(%arg6 : memref<128x256xf32, #tpu.memory_space<vmem>>) offsets(%arg5 : memref<128xi32, #tpu.memory_space<vmem>>) semaphore(%arg7 : memref<!tpu.dma_semaphore, #tpu.memory_space<semaphore_mem>>)
      %dma_wait3A = arith.constant 0 : i32
      %dma_wait3A_6 = arith.constant 0 : i32
      %dma_wait3A_7 = tpu.memref_slice %arg2[%dma_wait3A, %dma_wait3A_6] : memref<10000x256xf32, #tpu.memory_space<hbm>> -> memref<10000x256xf32, #tpu.memory_space<hbm>>
      tpu.wait_indirect_dma semaphore(%arg7 : memref<!tpu.dma_semaphore, #tpu.memory_space<semaphore_mem>>) src(%dma_wait3A_7 : memref<10000x256xf32, #tpu.memory_space<hbm>>) dst(%arg6 : memref<128x256xf32, #tpu.memory_space<vmem>>)
      "tpu.region"() ({
        %run_scoped3A = tpu.sem_alloc : memref<!tpu.dma_semaphore, #tpu.memory_space<semaphore_mem>>
        tpu.enqueue_dma source(%arg6 : memref<128x256xf32, #tpu.memory_space<vmem>>) target(%arg4 : memref<128x256xf32, #tpu.memory_space<hbm>>) target_semaphore(%run_scoped3A : memref<!tpu.dma_semaphore, #tpu.memory_space<semaphore_mem>>)
        tpu.wait_dma2 semaphore(%run_scoped3A : memref<!tpu.dma_semaphore, #tpu.memory_space<semaphore_mem>>) src(%arg6 : memref<128x256xf32, #tpu.memory_space<vmem>>) dst(%arg4 : memref<128x256xf32, #tpu.memory_space<hbm>>)
        tpu.yield
      }) : () -> ()
    } else {
    }
    return
  }
}

module attributes {stable_mosaic.version = 14 : i64} {
  func.func @_ka_body(%arg0: i32, %arg1: memref<400x128xf32, #tpu.memory_space<vmem>>, %arg2: memref<128x128xf32, #tpu.memory_space<vmem>>, %arg3: memref<1x128xf32, #tpu.memory_space<vmem>>, %arg4: memref<400x128xf32, #tpu.memory_space<vmem>>, %arg5: memref<2x128xf32, #tpu.memory_space<vmem>>) attributes {dimension_semantics = [#tpu.dimension_semantics<arbitrary>], iteration_bounds = array<i64: 25>, scalar_prefetch = 0 : i64, scratch_operands = 0 : i64, tpu.core_type = #tpu.core_type<tc>, window_params = [{transform_indices = @transform_0, window_bounds = array<i64: 400, 128>}, {pipeline_mode = #tpu.pipeline_mode<synchronous>, transform_indices = @transform_1, window_bounds = array<i64: 128, 128>}, {pipeline_mode = #tpu.pipeline_mode<synchronous>, transform_indices = @transform_2, window_bounds = array<i64: 1, 128>}, {transform_indices = @transform_3, window_bounds = array<i64: 400, 128>}, {pipeline_mode = #tpu.pipeline_mode<synchronous>, transform_indices = @transform_4, window_bounds = array<i64: 2, 128>}]} {
    %get3A = arith.constant 0 : index
    %get3A_0 = arith.constant 0 : index
    %get3A_1 = vector.load %arg1[%get3A, %get3A_0] : memref<400x128xf32, #tpu.memory_space<vmem>>, vector<400x128xf32>
    %get3A_2 = arith.constant 0 : index
    %get3A_3 = arith.constant 0 : index
    %get3A_4 = vector.load %arg2[%get3A_2, %get3A_3] : memref<128x128xf32, #tpu.memory_space<vmem>>, vector<128x128xf32>
    %dot_general3A = arith.constant dense<0.000000e+00> : vector<400x128xf32>
    %dot_general3A_5 = tpu.matmul %get3A_1, %get3A_4, %dot_general3A {dimension_numbers = #tpu.dot_dimension_numbers<[1], [0], [0], [1], [0, 0, 1, 1], [], []>, transpose_lhs_hint = false} : vector<400x128xf32>, vector<128x128xf32>, vector<400x128xf32> -> vector<400x128xf32>
    %get3A_6 = arith.constant 0 : index
    %get3A_7 = arith.constant 0 : index
    %get3A_8 = vector.load %arg3[%get3A_6, %get3A_7] : memref<1x128xf32, #tpu.memory_space<vmem>>, vector<1x128xf32>
    %add3A = vector.broadcast %get3A_8 : vector<1x128xf32> to vector<400x128xf32>
    %add3A_9 = arith.addf %dot_general3A_5, %add3A : vector<400x128xf32>
    %swap3A = arith.constant 0 : index
    %swap3A_10 = arith.constant 0 : index
    %swap3A_11 = vector.load %arg4[%swap3A, %swap3A_10] : memref<400x128xf32, #tpu.memory_space<vmem>>, vector<400x128xf32>
    tpu.vector_store %arg4[%swap3A, %swap3A_10], %add3A_9 {strides = array<i32>} : memref<400x128xf32, #tpu.memory_space<vmem>>, vector<400x128xf32>,
    %reduce_sum3A = arith.constant dense<0.000000e+00> : vector<128xf32>
    %reduce_sum3A_12 = vector.multi_reduction <add>, %add3A_9, %reduce_sum3A [0] : vector<400x128xf32> to vector<128xf32>
    %broadcast_in_dim3A = vector.shape_cast %reduce_sum3A_12 : vector<128xf32> to vector<1x128xf32>
    %mul3A = arith.mulf %add3A_9, %add3A_9 : vector<400x128xf32>
    %reduce_sum3A_13 = arith.constant dense<0.000000e+00> : vector<128xf32>
    %reduce_sum3A_14 = vector.multi_reduction <add>, %mul3A, %reduce_sum3A_13 [0] : vector<400x128xf32> to vector<128xf32>
    %broadcast_in_dim3A_15 = vector.shape_cast %reduce_sum3A_14 : vector<128xf32> to vector<1x128xf32>
    %concatenate3A = tpu.concatenate %broadcast_in_dim3A, %broadcast_in_dim3A_15 in 0 : vector<1x128xf32>, vector<1x128xf32> -> vector<2x128xf32>
    %eq3A = arith.constant 0 : i32
    %eq3A_16 = arith.cmpi eq, %arg0, %eq3A : i32
    %convert_element_type3A = arith.extui %eq3A_16 : i1 to i32
    %cond3A = arith.constant 0 : i32
    %cond3A_17 = arith.cmpi ne, %convert_element_type3A, %cond3A : i32
    scf.if %cond3A_17 {
      %broadcast_in_dim3A_25 = arith.constant 0.000000e+00 : f32
      %broadcast_in_dim3A_26 = vector.broadcast %broadcast_in_dim3A_25 : f32 to vector<2x128xf32>
      %swap3A_27 = arith.constant 0 : index
      %swap3A_28 = arith.constant 0 : index
      %swap3A_29 = vector.load %arg5[%swap3A_27, %swap3A_28] : memref<2x128xf32, #tpu.memory_space<vmem>>, vector<2x128xf32>
      tpu.vector_store %arg5[%swap3A_27, %swap3A_28], %broadcast_in_dim3A_26 {strides = array<i32>} : memref<2x128xf32, #tpu.memory_space<vmem>>, vector<2x128xf32>,
    } else {
    }
    %get3A_18 = arith.constant 0 : index
    %get3A_19 = arith.constant 0 : index
    %get3A_20 = vector.load %arg5[%get3A_18, %get3A_19] : memref<2x128xf32, #tpu.memory_space<vmem>>, vector<2x128xf32>
    %add3A_21 = arith.addf %get3A_20, %concatenate3A : vector<2x128xf32>
    %swap3A_22 = arith.constant 0 : index
    %swap3A_23 = arith.constant 0 : index
    %swap3A_24 = vector.load %arg5[%swap3A_22, %swap3A_23] : memref<2x128xf32, #tpu.memory_space<vmem>>, vector<2x128xf32>
    tpu.vector_store %arg5[%swap3A_22, %swap3A_23], %add3A_21 {strides = array<i32>} : memref<2x128xf32, #tpu.memory_space<vmem>>, vector<2x128xf32>,
    return
  }
  func.func @transform_0(%arg0: i32) -> (i32, i32) {
    %c0_i32 = arith.constant 0 : i32
    %c0_i32_0 = arith.constant 0 : i32
    return %arg0, %c0_i32 : i32, i32
  }
  func.func @transform_1(%arg0: i32) -> (i32, i32) {
    %c0_i32 = arith.constant 0 : i32
    %c0_i32_0 = arith.constant 0 : i32
    %c0_i32_1 = arith.constant 0 : i32
    return %c0_i32, %c0_i32_0 : i32, i32
  }
  func.func @transform_2(%arg0: i32) -> (i32, i32) {
    %c0_i32 = arith.constant 0 : i32
    %c0_i32_0 = arith.constant 0 : i32
    %c0_i32_1 = arith.constant 0 : i32
    return %c0_i32, %c0_i32_0 : i32, i32
  }
  func.func @transform_3(%arg0: i32) -> (i32, i32) {
    %c0_i32 = arith.constant 0 : i32
    %c0_i32_0 = arith.constant 0 : i32
    return %arg0, %c0_i32 : i32, i32
  }
  func.func @transform_4(%arg0: i32) -> (i32, i32) {
    %c0_i32 = arith.constant 0 : i32
    %c0_i32_0 = arith.constant 0 : i32
    %c0_i32_1 = arith.constant 0 : i32
    return %c0_i32, %c0_i32_0 : i32, i32
  }
}

module attributes {stable_mosaic.version = 14 : i64} {
  func.func @_kb_body(%arg0: i32, %arg1: memref<400x128xf32, #tpu.memory_space<vmem>>, %arg2: memref<400x128xf32, #tpu.memory_space<vmem>>, %arg3: memref<400x128xf32, #tpu.memory_space<vmem>>, %arg4: memref<400x1xf32, #tpu.memory_space<vmem>>, %arg5: memref<400x1xf32, #tpu.memory_space<vmem>>, %arg6: memref<2x128xf32, #tpu.memory_space<vmem>>, %arg7: memref<1x128xf32, #tpu.memory_space<vmem>>, %arg8: memref<1x128xf32, #tpu.memory_space<vmem>>, %arg9: memref<128x128xf32, #tpu.memory_space<vmem>>, %arg10: memref<1x128xf32, #tpu.memory_space<vmem>>, %arg11: memref<128x128xf32, #tpu.memory_space<vmem>>, %arg12: memref<1x128xf32, #tpu.memory_space<vmem>>, %arg13: memref<400x128xf32, #tpu.memory_space<vmem>>, %arg14: memref<400x1xf32, #tpu.memory_space<vmem>>) attributes {dimension_semantics = [#tpu.dimension_semantics<arbitrary>], iteration_bounds = array<i64: 25>, scalar_prefetch = 0 : i64, scratch_operands = 0 : i64, tpu.core_type = #tpu.core_type<tc>, window_params = [{transform_indices = @transform_0, window_bounds = array<i64: 400, 128>}, {transform_indices = @transform_1, window_bounds = array<i64: 400, 128>}, {transform_indices = @transform_2, window_bounds = array<i64: 400, 128>}, {transform_indices = @transform_3, window_bounds = array<i64: 400, 1>}, {transform_indices = @transform_4, window_bounds = array<i64: 400, 1>}, {pipeline_mode = #tpu.pipeline_mode<synchronous>, transform_indices = @transform_5, window_bounds = array<i64: 2, 128>}, {pipeline_mode = #tpu.pipeline_mode<synchronous>, transform_indices = @transform_6, window_bounds = array<i64: 1, 128>}, {pipeline_mode = #tpu.pipeline_mode<synchronous>, transform_indices = @transform_7, window_bounds = array<i64: 1, 128>}, {pipeline_mode = #tpu.pipeline_mode<synchronous>, transform_indices = @transform_8, window_bounds = array<i64: 128, 128>}, {pipeline_mode = #tpu.pipeline_mode<synchronous>, transform_indices = @transform_9, window_bounds = array<i64: 1, 128>}, {pipeline_mode = #tpu.pipeline_mode<synchronous>, transform_indices = @transform_10, window_bounds = array<i64: 128, 128>}, {pipeline_mode = #tpu.pipeline_mode<synchronous>, transform_indices = @transform_11, window_bounds = array<i64: 1, 128>}, {transform_indices = @transform_12, window_bounds = array<i64: 400, 128>}, {transform_indices = @transform_13, window_bounds = array<i64: 400, 1>}]} {
    %get3A = arith.constant 0 : index
    %get3A_0 = arith.constant 0 : index
    %get3A_1 = vector.load %arg6[%get3A, %get3A_0] : memref<2x128xf32, #tpu.memory_space<vmem>>, vector<1x128xf32>
    %div3A = arith.constant 1.000000e+04 : f32
    %div3A_2 = vector.broadcast %div3A : f32 to vector<1x128xf32>
    %div3A_3 = arith.divf %get3A_1, %div3A_2 : vector<1x128xf32>
    %get3A_4 = arith.constant 1 : index
    %get3A_5 = arith.constant 0 : index
    %get3A_6 = vector.load %arg6[%get3A_4, %get3A_5] : memref<2x128xf32, #tpu.memory_space<vmem>>, vector<1x128xf32>
    %div3A_7 = arith.constant 1.000000e+04 : f32
    %div3A_8 = vector.broadcast %div3A_7 : f32 to vector<1x128xf32>
    %div3A_9 = arith.divf %get3A_6, %div3A_8 : vector<1x128xf32>
    %mul3A = arith.mulf %div3A_3, %div3A_3 : vector<1x128xf32>
    %sub3A = arith.subf %div3A_9, %mul3A : vector<1x128xf32>
    %get3A_10 = arith.constant 0 : index
    %get3A_11 = arith.constant 0 : index
    %get3A_12 = vector.load %arg7[%get3A_10, %get3A_11] : memref<1x128xf32, #tpu.memory_space<vmem>>, vector<1x128xf32>
    %add3A = arith.constant 9.99999974E-6 : f32
    %add3A_13 = vector.broadcast %add3A : f32 to vector<1x128xf32>
    %add3A_14 = arith.addf %sub3A, %add3A_13 : vector<1x128xf32>
    %rsqrt3A = math.rsqrt %add3A_14 : vector<1x128xf32>
    %mul3A_15 = arith.mulf %get3A_12, %rsqrt3A : vector<1x128xf32>
    %get3A_16 = arith.constant 0 : index
    %get3A_17 = arith.constant 0 : index
    %get3A_18 = vector.load %arg1[%get3A_16, %get3A_17] : memref<400x128xf32, #tpu.memory_space<vmem>>, vector<400x128xf32>
    %get3A_19 = arith.constant 0 : index
    %get3A_20 = arith.constant 0 : index
    %get3A_21 = vector.load %arg4[%get3A_19, %get3A_20] : memref<400x1xf32, #tpu.memory_space<vmem>>, vector<400x1xf32>
    %get3A_22 = arith.constant 0 : index
    %get3A_23 = arith.constant 0 : index
    %get3A_24 = vector.load %arg5[%get3A_22, %get3A_23] : memref<400x1xf32, #tpu.memory_space<vmem>>, vector<400x1xf32>
    %add3A_25 = arith.addf %get3A_21, %get3A_24 : vector<400x1xf32>
    %swap3A = arith.constant 0 : index
    %swap3A_26 = arith.constant 0 : index
    %swap3A_27 = vector.load %arg14[%swap3A, %swap3A_26] : memref<400x1xf32, #tpu.memory_space<vmem>>, vector<400x1xf32>
    tpu.vector_store %arg14[%swap3A, %swap3A_26], %add3A_25 {strides = array<i32>} : memref<400x1xf32, #tpu.memory_space<vmem>>, vector<400x1xf32>,
    %get3A_28 = arith.constant 0 : index
    %get3A_29 = arith.constant 0 : index
    %get3A_30 = vector.load %arg2[%get3A_28, %get3A_29] : memref<400x128xf32, #tpu.memory_space<vmem>>, vector<400x128xf32>
    %get3A_31 = arith.constant 0 : index
    %get3A_32 = arith.constant 0 : index
    %get3A_33 = vector.load %arg3[%get3A_31, %get3A_32] : memref<400x128xf32, #tpu.memory_space<vmem>>, vector<400x128xf32>
    %add3A_34 = arith.addf %get3A_30, %get3A_33 : vector<400x128xf32>
    %sub3A_35 = vector.broadcast %div3A_3 : vector<1x128xf32> to vector<400x128xf32>
    %sub3A_36 = arith.subf %get3A_18, %sub3A_35 : vector<400x128xf32>
    %mul3A_37 = vector.broadcast %mul3A_15 : vector<1x128xf32> to vector<400x128xf32>
    %mul3A_38 = arith.mulf %sub3A_36, %mul3A_37 : vector<400x128xf32>
    %get3A_39 = arith.constant 0 : index
    %get3A_40 = arith.constant 0 : index
    %get3A_41 = vector.load %arg8[%get3A_39, %get3A_40] : memref<1x128xf32, #tpu.memory_space<vmem>>, vector<1x128xf32>
    %add3A_42 = vector.broadcast %get3A_41 : vector<1x128xf32> to vector<400x128xf32>
    %add3A_43 = arith.addf %mul3A_38, %add3A_42 : vector<400x128xf32>
    %mul3A_44 = vector.broadcast %add3A_25 : vector<400x1xf32> to vector<400x128xf32>
    %mul3A_45 = vector.broadcast %div3A_3 : vector<1x128xf32> to vector<400x128xf32>
    %mul3A_46 = arith.mulf %mul3A_44, %mul3A_45 : vector<400x128xf32>
    %sub3A_47 = arith.subf %add3A_34, %mul3A_46 : vector<400x128xf32>
    %mul3A_48 = vector.broadcast %mul3A_15 : vector<1x128xf32> to vector<400x128xf32>
    %mul3A_49 = arith.mulf %sub3A_47, %mul3A_48 : vector<400x128xf32>
    %get3A_50 = arith.constant 0 : index
    %get3A_51 = arith.constant 0 : index
    %get3A_52 = vector.load %arg8[%get3A_50, %get3A_51] : memref<1x128xf32, #tpu.memory_space<vmem>>, vector<1x128xf32>
    %mul3A_53 = vector.broadcast %add3A_25 : vector<400x1xf32> to vector<400x128xf32>
    %mul3A_54 = vector.broadcast %get3A_52 : vector<1x128xf32> to vector<400x128xf32>
    %mul3A_55 = arith.mulf %mul3A_53, %mul3A_54 : vector<400x128xf32>
    %add3A_56 = arith.addf %mul3A_49, %mul3A_55 : vector<400x128xf32>
    %add3A_57 = arith.addf %add3A_43, %add3A_56 : vector<400x128xf32>
    %get3A_58 = arith.constant 0 : index
    %get3A_59 = arith.constant 0 : index
    %get3A_60 = vector.load %arg9[%get3A_58, %get3A_59] : memref<128x128xf32, #tpu.memory_space<vmem>>, vector<128x128xf32>
    %dot_general3A = arith.constant dense<0.000000e+00> : vector<400x128xf32>
    %dot_general3A_61 = tpu.matmul %add3A_57, %get3A_60, %dot_general3A {dimension_numbers = #tpu.dot_dimension_numbers<[1], [0], [0], [1], [0, 0, 1, 1], [], []>, transpose_lhs_hint = false} : vector<400x128xf32>, vector<128x128xf32>, vector<400x128xf32> -> vector<400x128xf32>
    %get3A_62 = arith.constant 0 : index
    %get3A_63 = arith.constant 0 : index
    %get3A_64 = vector.load %arg10[%get3A_62, %get3A_63] : memref<1x128xf32, #tpu.memory_space<vmem>>, vector<1x128xf32>
    %add3A_65 = vector.broadcast %get3A_64 : vector<1x128xf32> to vector<400x128xf32>
    %add3A_66 = arith.addf %dot_general3A_61, %add3A_65 : vector<400x128xf32>
    %max3A = arith.constant 0.000000e+00 : f32
    %max3A_67 = vector.broadcast %max3A : f32 to vector<400x128xf32>
    %max3A_68 = arith.maximumf %add3A_66, %max3A_67 : vector<400x128xf32>
    %get3A_69 = arith.constant 0 : index
    %get3A_70 = arith.constant 0 : index
    %get3A_71 = vector.load %arg11[%get3A_69, %get3A_70] : memref<128x128xf32, #tpu.memory_space<vmem>>, vector<128x128xf32>
    %dot_general3A_72 = arith.constant dense<0.000000e+00> : vector<400x128xf32>
    %dot_general3A_73 = tpu.matmul %max3A_68, %get3A_71, %dot_general3A_72 {dimension_numbers = #tpu.dot_dimension_numbers<[1], [0], [0], [1], [0, 0, 1, 1], [], []>, transpose_lhs_hint = false} : vector<400x128xf32>, vector<128x128xf32>, vector<400x128xf32> -> vector<400x128xf32>
    %get3A_74 = arith.constant 0 : index
    %get3A_75 = arith.constant 0 : index
    %get3A_76 = vector.load %arg12[%get3A_74, %get3A_75] : memref<1x128xf32, #tpu.memory_space<vmem>>, vector<1x128xf32>
    %add3A_77 = vector.broadcast %get3A_76 : vector<1x128xf32> to vector<400x128xf32>
    %add3A_78 = arith.addf %dot_general3A_73, %add3A_77 : vector<400x128xf32>
    %swap3A_79 = arith.constant 0 : index
    %swap3A_80 = arith.constant 0 : index
    %swap3A_81 = vector.load %arg13[%swap3A_79, %swap3A_80] : memref<400x128xf32, #tpu.memory_space<vmem>>, vector<400x128xf32>
    tpu.vector_store %arg13[%swap3A_79, %swap3A_80], %add3A_78 {strides = array<i32>} : memref<400x128xf32, #tpu.memory_space<vmem>>, vector<400x128xf32>,
    return
  }
  func.func @transform_0(%arg0: i32) -> (i32, i32) {
    %c0_i32 = arith.constant 0 : i32
    %c0_i32_0 = arith.constant 0 : i32
    return %arg0, %c0_i32 : i32, i32
  }
  func.func @transform_1(%arg0: i32) -> (i32, i32) {
    %c0_i32 = arith.constant 0 : i32
    %c0_i32_0 = arith.constant 0 : i32
    return %arg0, %c0_i32 : i32, i32
  }
  func.func @transform_2(%arg0: i32) -> (i32, i32) {
    %c0_i32 = arith.constant 0 : i32
    %c0_i32_0 = arith.constant 0 : i32
    return %arg0, %c0_i32 : i32, i32
  }
  func.func @transform_3(%arg0: i32) -> (i32, i32) {
    %c0_i32 = arith.constant 0 : i32
    %c0_i32_0 = arith.constant 0 : i32
    return %arg0, %c0_i32 : i32, i32
  }
  func.func @transform_4(%arg0: i32) -> (i32, i32) {
    %c0_i32 = arith.constant 0 : i32
    %c0_i32_0 = arith.constant 0 : i32
    return %arg0, %c0_i32 : i32, i32
  }
  func.func @transform_5(%arg0: i32) -> (i32, i32) {
    %c0_i32 = arith.constant 0 : i32
    %c0_i32_0 = arith.constant 0 : i32
    %c0_i32_1 = arith.constant 0 : i32
    return %c0_i32, %c0_i32_0 : i32, i32
  }
  func.func @transform_6(%arg0: i32) -> (i32, i32) {
    %c0_i32 = arith.constant 0 : i32
    %c0_i32_0 = arith.constant 0 : i32
    %c0_i32_1 = arith.constant 0 : i32
    return %c0_i32, %c0_i32_0 : i32, i32
  }
  func.func @transform_7(%arg0: i32) -> (i32, i32) {
    %c0_i32 = arith.constant 0 : i32
    %c0_i32_0 = arith.constant 0 : i32
    %c0_i32_1 = arith.constant 0 : i32
    return %c0_i32, %c0_i32_0 : i32, i32
  }
  func.func @transform_8(%arg0: i32) -> (i32, i32) {
    %c0_i32 = arith.constant 0 : i32
    %c0_i32_0 = arith.constant 0 : i32
    %c0_i32_1 = arith.constant 0 : i32
    return %c0_i32, %c0_i32_0 : i32, i32
  }
  func.func @transform_9(%arg0: i32) -> (i32, i32) {
    %c0_i32 = arith.constant 0 : i32
    %c0_i32_0 = arith.constant 0 : i32
    %c0_i32_1 = arith.constant 0 : i32
    return %c0_i32, %c0_i32_0 : i32, i32
  }
  func.func @transform_10(%arg0: i32) -> (i32, i32) {
    %c0_i32 = arith.constant 0 : i32
    %c0_i32_0 = arith.constant 0 : i32
    %c0_i32_1 = arith.constant 0 : i32
    return %c0_i32, %c0_i32_0 : i32, i32
  }
  func.func @transform_11(%arg0: i32) -> (i32, i32) {
    %c0_i32 = arith.constant 0 : i32
    %c0_i32_0 = arith.constant 0 : i32
    %c0_i32_1 = arith.constant 0 : i32
    return %c0_i32, %c0_i32_0 : i32, i32
  }
  func.func @transform_12(%arg0: i32) -> (i32, i32) {
    %c0_i32 = arith.constant 0 : i32
    %c0_i32_0 = arith.constant 0 : i32
    return %arg0, %c0_i32 : i32, i32
  }
  func.func @transform_13(%arg0: i32) -> (i32, i32) {
    %c0_i32 = arith.constant 0 : i32
    %c0_i32_0 = arith.constant 0 : i32
    return %arg0, %c0_i32 : i32, i32
  }
}

module attributes {stable_mosaic.version = 14 : i64} {
  func.func @_kc_body(%arg0: i32, %arg1: memref<400x128xf32, #tpu.memory_space<vmem>>, %arg2: memref<400x128xf32, #tpu.memory_space<vmem>>, %arg3: memref<400x128xf32, #tpu.memory_space<vmem>>, %arg4: memref<400x1xf32, #tpu.memory_space<vmem>>, %arg5: memref<1x128xf32, #tpu.memory_space<vmem>>, %arg6: memref<128x256xf32, #tpu.memory_space<vmem>>, %arg7: memref<128x256xf32, #tpu.memory_space<vmem>>, %arg8: memref<1x256xf32, #tpu.memory_space<vmem>>, %arg9: memref<256x256xf32, #tpu.memory_space<vmem>>, %arg10: memref<1x256xf32, #tpu.memory_space<vmem>>, %arg11: memref<400x256xf32, #tpu.memory_space<vmem>>) attributes {dimension_semantics = [#tpu.dimension_semantics<arbitrary>], iteration_bounds = array<i64: 25>, scalar_prefetch = 0 : i64, scratch_operands = 0 : i64, tpu.core_type = #tpu.core_type<tc>, window_params = [{transform_indices = @transform_0, window_bounds = array<i64: 400, 128>}, {transform_indices = @transform_1, window_bounds = array<i64: 400, 128>}, {transform_indices = @transform_2, window_bounds = array<i64: 400, 128>}, {transform_indices = @transform_3, window_bounds = array<i64: 400, 1>}, {pipeline_mode = #tpu.pipeline_mode<synchronous>, transform_indices = @transform_4, window_bounds = array<i64: 1, 128>}, {pipeline_mode = #tpu.pipeline_mode<synchronous>, transform_indices = @transform_5, window_bounds = array<i64: 128, 256>}, {pipeline_mode = #tpu.pipeline_mode<synchronous>, transform_indices = @transform_6, window_bounds = array<i64: 128, 256>}, {pipeline_mode = #tpu.pipeline_mode<synchronous>, transform_indices = @transform_7, window_bounds = array<i64: 1, 256>}, {pipeline_mode = #tpu.pipeline_mode<synchronous>, transform_indices = @transform_8, window_bounds = array<i64: 256, 256>}, {pipeline_mode = #tpu.pipeline_mode<synchronous>, transform_indices = @transform_9, window_bounds = array<i64: 1, 256>}, {transform_indices = @transform_10, window_bounds = array<i64: 400, 256>}]} {
    %get3A = arith.constant 0 : index
    %get3A_0 = arith.constant 0 : index
    %get3A_1 = vector.load %arg5[%get3A, %get3A_0] : memref<1x128xf32, #tpu.memory_space<vmem>>, vector<1x128xf32>
    %get3A_2 = arith.constant 0 : index
    %get3A_3 = arith.constant 0 : index
    %get3A_4 = vector.load %arg6[%get3A_2, %get3A_3] : memref<128x256xf32, #tpu.memory_space<vmem>>, vector<128x256xf32>
    %dot_general3A = arith.constant dense<0.000000e+00> : vector<1x256xf32>
    %dot_general3A_5 = tpu.matmul %get3A_1, %get3A_4, %dot_general3A {dimension_numbers = #tpu.dot_dimension_numbers<[1], [0], [0], [1], [0, 0, 1, 1], [], []>, transpose_lhs_hint = false} : vector<1x128xf32>, vector<128x256xf32>, vector<1x256xf32> -> vector<1x256xf32>
    %get3A_6 = arith.constant 0 : index
    %get3A_7 = arith.constant 0 : index
    %get3A_8 = vector.load %arg4[%get3A_6, %get3A_7] : memref<400x1xf32, #tpu.memory_space<vmem>>, vector<400x1xf32>
    %get3A_9 = arith.constant 0 : index
    %get3A_10 = arith.constant 0 : index
    %get3A_11 = vector.load %arg1[%get3A_9, %get3A_10] : memref<400x128xf32, #tpu.memory_space<vmem>>, vector<400x128xf32>
    %get3A_12 = arith.constant 0 : index
    %get3A_13 = arith.constant 0 : index
    %get3A_14 = vector.load %arg2[%get3A_12, %get3A_13] : memref<400x128xf32, #tpu.memory_space<vmem>>, vector<400x128xf32>
    %add3A = arith.addf %get3A_11, %get3A_14 : vector<400x128xf32>
    %get3A_15 = arith.constant 0 : index
    %get3A_16 = arith.constant 0 : index
    %get3A_17 = vector.load %arg3[%get3A_15, %get3A_16] : memref<400x128xf32, #tpu.memory_space<vmem>>, vector<400x128xf32>
    %add3A_18 = arith.addf %add3A, %get3A_17 : vector<400x128xf32>
    %add3A_19 = arith.constant 1.000000e+00 : f32
    %add3A_20 = vector.broadcast %add3A_19 : f32 to vector<400x1xf32>
    %add3A_21 = arith.addf %add3A_20, %get3A_8 : vector<400x1xf32>
    %mul3A = vector.broadcast %add3A_21 : vector<400x1xf32> to vector<400x256xf32>
    %mul3A_22 = vector.broadcast %dot_general3A_5 : vector<1x256xf32> to vector<400x256xf32>
    %mul3A_23 = arith.mulf %mul3A, %mul3A_22 : vector<400x256xf32>
    %get3A_24 = arith.constant 0 : index
    %get3A_25 = arith.constant 0 : index
    %get3A_26 = vector.load %arg7[%get3A_24, %get3A_25] : memref<128x256xf32, #tpu.memory_space<vmem>>, vector<128x256xf32>
    %dot_general3A_27 = arith.constant dense<0.000000e+00> : vector<400x256xf32>
    %dot_general3A_28 = tpu.matmul %add3A_18, %get3A_26, %dot_general3A_27 {dimension_numbers = #tpu.dot_dimension_numbers<[1], [0], [0], [1], [0, 0, 1, 1], [], []>, transpose_lhs_hint = false} : vector<400x128xf32>, vector<128x256xf32>, vector<400x256xf32> -> vector<400x256xf32>
    %add3A_29 = arith.addf %mul3A_23, %dot_general3A_28 : vector<400x256xf32>
    %get3A_30 = arith.constant 0 : index
    %get3A_31 = arith.constant 0 : index
    %get3A_32 = vector.load %arg8[%get3A_30, %get3A_31] : memref<1x256xf32, #tpu.memory_space<vmem>>, vector<1x256xf32>
    %add3A_33 = vector.broadcast %get3A_32 : vector<1x256xf32> to vector<400x256xf32>
    %add3A_34 = arith.addf %add3A_29, %add3A_33 : vector<400x256xf32>
    %max3A = arith.constant 0.000000e+00 : f32
    %max3A_35 = vector.broadcast %max3A : f32 to vector<400x256xf32>
    %max3A_36 = arith.maximumf %add3A_34, %max3A_35 : vector<400x256xf32>
    %get3A_37 = arith.constant 0 : index
    %get3A_38 = arith.constant 0 : index
    %get3A_39 = vector.load %arg9[%get3A_37, %get3A_38] : memref<256x256xf32, #tpu.memory_space<vmem>>, vector<256x256xf32>
    %dot_general3A_40 = arith.constant dense<0.000000e+00> : vector<400x256xf32>
    %dot_general3A_41 = tpu.matmul %max3A_36, %get3A_39, %dot_general3A_40 {dimension_numbers = #tpu.dot_dimension_numbers<[1], [0], [0], [1], [0, 0, 1, 1], [], []>, transpose_lhs_hint = false} : vector<400x256xf32>, vector<256x256xf32>, vector<400x256xf32> -> vector<400x256xf32>
    %get3A_42 = arith.constant 0 : index
    %get3A_43 = arith.constant 0 : index
    %get3A_44 = vector.load %arg10[%get3A_42, %get3A_43] : memref<1x256xf32, #tpu.memory_space<vmem>>, vector<1x256xf32>
    %add3A_45 = vector.broadcast %get3A_44 : vector<1x256xf32> to vector<400x256xf32>
    %add3A_46 = arith.addf %dot_general3A_41, %add3A_45 : vector<400x256xf32>
    %swap3A = arith.constant 0 : index
    %swap3A_47 = arith.constant 0 : index
    %swap3A_48 = vector.load %arg11[%swap3A, %swap3A_47] : memref<400x256xf32, #tpu.memory_space<vmem>>, vector<400x256xf32>
    tpu.vector_store %arg11[%swap3A, %swap3A_47], %add3A_46 {strides = array<i32>} : memref<400x256xf32, #tpu.memory_space<vmem>>, vector<400x256xf32>,
    return
  }
  func.func @transform_0(%arg0: i32) -> (i32, i32) {
    %c0_i32 = arith.constant 0 : i32
    %c0_i32_0 = arith.constant 0 : i32
    return %arg0, %c0_i32 : i32, i32
  }
  func.func @transform_1(%arg0: i32) -> (i32, i32) {
    %c0_i32 = arith.constant 0 : i32
    %c0_i32_0 = arith.constant 0 : i32
    return %arg0, %c0_i32 : i32, i32
  }
  func.func @transform_2(%arg0: i32) -> (i32, i32) {
    %c0_i32 = arith.constant 0 : i32
    %c0_i32_0 = arith.constant 0 : i32
    return %arg0, %c0_i32 : i32, i32
  }
  func.func @transform_3(%arg0: i32) -> (i32, i32) {
    %c0_i32 = arith.constant 0 : i32
    %c0_i32_0 = arith.constant 0 : i32
    return %arg0, %c0_i32 : i32, i32
  }
  func.func @transform_4(%arg0: i32) -> (i32, i32) {
    %c0_i32 = arith.constant 0 : i32
    %c0_i32_0 = arith.constant 0 : i32
    %c0_i32_1 = arith.constant 0 : i32
    return %c0_i32, %c0_i32_0 : i32, i32
  }
  func.func @transform_5(%arg0: i32) -> (i32, i32) {
    %c0_i32 = arith.constant 0 : i32
    %c0_i32_0 = arith.constant 0 : i32
    %c0_i32_1 = arith.constant 0 : i32
    return %c0_i32, %c0_i32_0 : i32, i32
  }
  func.func @transform_6(%arg0: i32) -> (i32, i32) {
    %c0_i32 = arith.constant 0 : i32
    %c0_i32_0 = arith.constant 0 : i32
    %c0_i32_1 = arith.constant 0 : i32
    return %c0_i32, %c0_i32_0 : i32, i32
  }
  func.func @transform_7(%arg0: i32) -> (i32, i32) {
    %c0_i32 = arith.constant 0 : i32
    %c0_i32_0 = arith.constant 0 : i32
    %c0_i32_1 = arith.constant 0 : i32
    return %c0_i32, %c0_i32_0 : i32, i32
  }
  func.func @transform_8(%arg0: i32) -> (i32, i32) {
    %c0_i32 = arith.constant 0 : i32
    %c0_i32_0 = arith.constant 0 : i32
    %c0_i32_1 = arith.constant 0 : i32
    return %c0_i32, %c0_i32_0 : i32, i32
  }
  func.func @transform_9(%arg0: i32) -> (i32, i32) {
    %c0_i32 = arith.constant 0 : i32
    %c0_i32_0 = arith.constant 0 : i32
    %c0_i32_1 = arith.constant 0 : i32
    return %c0_i32, %c0_i32_0 : i32, i32
  }
  func.func @transform_10(%arg0: i32) -> (i32, i32) {
    %c0_i32 = arith.constant 0 : i32
    %c0_i32_0 = arith.constant 0 : i32
    return %arg0, %c0_i32 : i32, i32
  }
}

module attributes {stable_mosaic.version = 14 : i64} {
  func.func @_kd_body(%arg0: i32, %arg1: memref<400x256xf32, #tpu.memory_space<vmem>>, %arg2: memref<400x128xf32, #tpu.memory_space<vmem>>, %arg3: memref<1x8x256xf32, #tpu.memory_space<vmem>>, %arg4: memref<400x8xf32, #tpu.memory_space<vmem>>, %arg5: memref<256x128xf32, #tpu.memory_space<vmem>>, %arg6: memref<256x128xf32, #tpu.memory_space<vmem>>, %arg7: memref<1x128xf32, #tpu.memory_space<vmem>>, %arg8: memref<128x1xf32, #tpu.memory_space<vmem>>, %arg9: memref<128x1xf32, #tpu.memory_space<vmem>>, %arg10: memref<1x1xf32, #tpu.memory_space<vmem>>, %arg11: memref<400x1xf32, #tpu.memory_space<vmem>>, %arg12: memref<400x1xf32, #tpu.memory_space<vmem>>) attributes {dimension_semantics = [#tpu.dimension_semantics<arbitrary>], iteration_bounds = array<i64: 25>, scalar_prefetch = 0 : i64, scratch_operands = 0 : i64, tpu.core_type = #tpu.core_type<tc>, window_params = [{transform_indices = @transform_0, window_bounds = array<i64: 400, 256>}, {transform_indices = @transform_1, window_bounds = array<i64: 400, 128>}, {transform_indices = @transform_2, window_bounds = array<i64: 1, 8, 256>}, {pipeline_mode = #tpu.pipeline_mode<synchronous>, transform_indices = @transform_3, window_bounds = array<i64: 400, 8>}, {pipeline_mode = #tpu.pipeline_mode<synchronous>, transform_indices = @transform_4, window_bounds = array<i64: 256, 128>}, {pipeline_mode = #tpu.pipeline_mode<synchronous>, transform_indices = @transform_5, window_bounds = array<i64: 256, 128>}, {pipeline_mode = #tpu.pipeline_mode<synchronous>, transform_indices = @transform_6, window_bounds = array<i64: 1, 128>}, {pipeline_mode = #tpu.pipeline_mode<synchronous>, transform_indices = @transform_7, window_bounds = array<i64: 128, 1>}, {pipeline_mode = #tpu.pipeline_mode<synchronous>, transform_indices = @transform_8, window_bounds = array<i64: 128, 1>}, {pipeline_mode = #tpu.pipeline_mode<synchronous>, transform_indices = @transform_9, window_bounds = array<i64: 1, 1>}, {transform_indices = @transform_10, window_bounds = array<i64: 400, 1>}, {transform_indices = @transform_11, window_bounds = array<i64: 400, 1>}]} {
    %get3A = arith.constant 0 : index
    %get3A_0 = arith.constant 0 : index
    %get3A_1 = arith.constant 0 : index
    %get3A_2 = vector.load %arg3[%get3A, %get3A_0, %get3A_1] : memref<1x8x256xf32, #tpu.memory_space<vmem>>, vector<1x8x256xf32>
    %get3A_3 = vector.shape_cast %get3A_2 : vector<1x8x256xf32> to vector<8x256xf32>
    %get3A_4 = arith.constant 0 : index
    %get3A_5 = arith.constant 0 : index
    %get3A_6 = vector.load %arg5[%get3A_4, %get3A_5] : memref<256x128xf32, #tpu.memory_space<vmem>>, vector<256x128xf32>
    %dot_general3A = arith.constant dense<0.000000e+00> : vector<8x128xf32>
    %dot_general3A_7 = tpu.matmul %get3A_3, %get3A_6, %dot_general3A {dimension_numbers = #tpu.dot_dimension_numbers<[1], [0], [0], [1], [0, 0, 1, 1], [], []>, transpose_lhs_hint = false} : vector<8x256xf32>, vector<256x128xf32>, vector<8x128xf32> -> vector<8x128xf32>
    %get3A_8 = arith.constant 0 : index
    %get3A_9 = arith.constant 0 : index
    %get3A_10 = vector.load %arg4[%get3A_8, %get3A_9] : memref<400x8xf32, #tpu.memory_space<vmem>>, vector<400x8xf32>
    %dot_general3A_11 = arith.constant dense<0.000000e+00> : vector<400x128xf32>
    %dot_general3A_12 = tpu.matmul %get3A_10, %dot_general3A_7, %dot_general3A_11 {dimension_numbers = #tpu.dot_dimension_numbers<[1], [0], [0], [1], [0, 0, 1, 1], [], []>, transpose_lhs_hint = false} : vector<400x8xf32>, vector<8x128xf32>, vector<400x128xf32> -> vector<400x128xf32>
    %get3A_13 = arith.constant 0 : index
    %get3A_14 = arith.constant 0 : index
    %get3A_15 = vector.load %arg1[%get3A_13, %get3A_14] : memref<400x256xf32, #tpu.memory_space<vmem>>, vector<400x256xf32>
    %get3A_16 = arith.constant 0 : index
    %get3A_17 = arith.constant 0 : index
    %get3A_18 = vector.load %arg6[%get3A_16, %get3A_17] : memref<256x128xf32, #tpu.memory_space<vmem>>, vector<256x128xf32>
    %dot_general3A_19 = arith.constant dense<0.000000e+00> : vector<400x128xf32>
    %dot_general3A_20 = tpu.matmul %get3A_15, %get3A_18, %dot_general3A_19 {dimension_numbers = #tpu.dot_dimension_numbers<[1], [0], [0], [1], [0, 0, 1, 1], [], []>, transpose_lhs_hint = false} : vector<400x256xf32>, vector<256x128xf32>, vector<400x128xf32> -> vector<400x128xf32>
    %add3A = arith.addf %dot_general3A_12, %dot_general3A_20 : vector<400x128xf32>
    %get3A_21 = arith.constant 0 : index
    %get3A_22 = arith.constant 0 : index
    %get3A_23 = vector.load %arg7[%get3A_21, %get3A_22] : memref<1x128xf32, #tpu.memory_space<vmem>>, vector<1x128xf32>
    %add3A_24 = vector.broadcast %get3A_23 : vector<1x128xf32> to vector<400x128xf32>
    %add3A_25 = arith.addf %add3A, %add3A_24 : vector<400x128xf32>
    %max3A = arith.constant 0.000000e+00 : f32
    %max3A_26 = vector.broadcast %max3A : f32 to vector<400x128xf32>
    %max3A_27 = arith.maximumf %add3A_25, %max3A_26 : vector<400x128xf32>
    %get3A_28 = arith.constant 0 : index
    %get3A_29 = arith.constant 0 : index
    %get3A_30 = vector.load %arg2[%get3A_28, %get3A_29] : memref<400x128xf32, #tpu.memory_space<vmem>>, vector<400x128xf32>
    %get3A_31 = arith.constant 0 : index
    %get3A_32 = arith.constant 0 : index
    %get3A_33 = vector.load %arg8[%get3A_31, %get3A_32] : memref<128x1xf32, #tpu.memory_space<vmem>>, vector<128x1xf32>
    %dot_general3A_34 = arith.constant dense<0.000000e+00> : vector<400x1xf32>
    %dot_general3A_35 = tpu.matmul %get3A_30, %get3A_33, %dot_general3A_34 {dimension_numbers = #tpu.dot_dimension_numbers<[1], [0], [0], [1], [0, 0, 1, 1], [], []>, transpose_lhs_hint = false} : vector<400x128xf32>, vector<128x1xf32>, vector<400x1xf32> -> vector<400x1xf32>
    %get3A_36 = arith.constant 0 : index
    %get3A_37 = arith.constant 0 : index
    %get3A_38 = vector.load %arg9[%get3A_36, %get3A_37] : memref<128x1xf32, #tpu.memory_space<vmem>>, vector<128x1xf32>
    %dot_general3A_39 = arith.constant dense<0.000000e+00> : vector<400x1xf32>
    %dot_general3A_40 = tpu.matmul %max3A_27, %get3A_38, %dot_general3A_39 {dimension_numbers = #tpu.dot_dimension_numbers<[1], [0], [0], [1], [0, 0, 1, 1], [], []>, transpose_lhs_hint = false} : vector<400x128xf32>, vector<128x1xf32>, vector<400x1xf32> -> vector<400x1xf32>
    %add3A_41 = arith.addf %dot_general3A_35, %dot_general3A_40 : vector<400x1xf32>
    %get3A_42 = arith.constant 0 : index
    %get3A_43 = arith.constant 0 : index
    %get3A_44 = vector.load %arg10[%get3A_42, %get3A_43] : memref<1x1xf32, #tpu.memory_space<vmem>>, vector<1x1xf32>
    %add3A_45 = vector.broadcast %get3A_44 : vector<1x1xf32> to vector<400x1xf32>
    %add3A_46 = arith.addf %add3A_41, %add3A_45 : vector<400x1xf32>
    %get3A_47 = arith.constant 0 : index
    %get3A_48 = arith.constant 0 : index
    %get3A_49 = vector.load %arg11[%get3A_47, %get3A_48] : memref<400x1xf32, #tpu.memory_space<vmem>>, vector<400x1xf32>
    %sub3A = arith.constant 1.000000e+00 : f32
    %sub3A_50 = vector.broadcast %sub3A : f32 to vector<400x1xf32>
    %sub3A_51 = arith.subf %sub3A_50, %get3A_49 : vector<400x1xf32>
    %mul3A = arith.constant 1.000000e+06 : f32
    %mul3A_52 = vector.broadcast %mul3A : f32 to vector<400x1xf32>
    %mul3A_53 = arith.mulf %sub3A_51, %mul3A_52 : vector<400x1xf32>
    %sub3A_54 = arith.subf %add3A_46, %mul3A_53 : vector<400x1xf32>
    %swap3A = arith.constant 0 : index
    %swap3A_55 = arith.constant 0 : index
    %swap3A_56 = vector.load %arg12[%swap3A, %swap3A_55] : memref<400x1xf32, #tpu.memory_space<vmem>>, vector<400x1xf32>
    tpu.vector_store %arg12[%swap3A, %swap3A_55], %sub3A_54 {strides = array<i32>} : memref<400x1xf32, #tpu.memory_space<vmem>>, vector<400x1xf32>,
    return
  }
  func.func @transform_0(%arg0: i32) -> (i32, i32) {
    %c0_i32 = arith.constant 0 : i32
    %c0_i32_0 = arith.constant 0 : i32
    return %arg0, %c0_i32 : i32, i32
  }
  func.func @transform_1(%arg0: i32) -> (i32, i32) {
    %c0_i32 = arith.constant 0 : i32
    %c0_i32_0 = arith.constant 0 : i32
    return %arg0, %c0_i32 : i32, i32
  }
  func.func @transform_2(%arg0: i32) -> (i32, i32, i32) {
    %c0_i32 = arith.constant 0 : i32
    %c0_i32_0 = arith.constant 0 : i32
    %c0_i32_1 = arith.constant 0 : i32
    return %arg0, %c0_i32, %c0_i32_0 : i32, i32, i32
  }
  func.func @transform_3(%arg0: i32) -> (i32, i32) {
    %c0_i32 = arith.constant 0 : i32
    %c0_i32_0 = arith.constant 0 : i32
    %c0_i32_1 = arith.constant 0 : i32
    return %c0_i32, %c0_i32_0 : i32, i32
  }
  func.func @transform_4(%arg0: i32) -> (i32, i32) {
    %c0_i32 = arith.constant 0 : i32
    %c0_i32_0 = arith.constant 0 : i32
    %c0_i32_1 = arith.constant 0 : i32
    return %c0_i32, %c0_i32_0 : i32, i32
  }
  func.func @transform_5(%arg0: i32) -> (i32, i32) {
    %c0_i32 = arith.constant 0 : i32
    %c0_i32_0 = arith.constant 0 : i32
    %c0_i32_1 = arith.constant 0 : i32
    return %c0_i32, %c0_i32_0 : i32, i32
  }
  func.func @transform_6(%arg0: i32) -> (i32, i32) {
    %c0_i32 = arith.constant 0 : i32
    %c0_i32_0 = arith.constant 0 : i32
    %c0_i32_1 = arith.constant 0 : i32
    return %c0_i32, %c0_i32_0 : i32, i32
  }
  func.func @transform_7(%arg0: i32) -> (i32, i32) {
    %c0_i32 = arith.constant 0 : i32
    %c0_i32_0 = arith.constant 0 : i32
    %c0_i32_1 = arith.constant 0 : i32
    return %c0_i32, %c0_i32_0 : i32, i32
  }
  func.func @transform_8(%arg0: i32) -> (i32, i32) {
    %c0_i32 = arith.constant 0 : i32
    %c0_i32_0 = arith.constant 0 : i32
    %c0_i32_1 = arith.constant 0 : i32
    return %c0_i32, %c0_i32_0 : i32, i32
  }
  func.func @transform_9(%arg0: i32) -> (i32, i32) {
    %c0_i32 = arith.constant 0 : i32
    %c0_i32_0 = arith.constant 0 : i32
    %c0_i32_1 = arith.constant 0 : i32
    return %c0_i32, %c0_i32_0 : i32, i32
  }
  func.func @transform_10(%arg0: i32) -> (i32, i32) {
    %c0_i32 = arith.constant 0 : i32
    %c0_i32_0 = arith.constant 0 : i32
    return %arg0, %c0_i32 : i32, i32
  }
  func.func @transform_11(%arg0: i32) -> (i32, i32) {
    %c0_i32 = arith.constant 0 : i32
    %c0_i32_0 = arith.constant 0 : i32
    return %arg0, %c0_i32 : i32, i32
  }
}

module attributes {stable_mosaic.version = 14 : i64} {
  func.func @_ke_body(%arg0: memref<100x128xf32, #tpu.memory_space<vmem>>, %arg1: memref<100x1xi32, #tpu.memory_space<vmem>>, %arg2: memref<100x1xi32, #tpu.memory_space<vmem>>, %arg3: memref<100x1xf32, #tpu.memory_space<vmem>>) attributes {dimension_semantics = [], scalar_prefetch = 0 : i64, scratch_operands = 0 : i64, tpu.core_type = #tpu.core_type<tc>} {
    %get3A = arith.constant 0 : index
    %get3A_0 = arith.constant 0 : index
    %get3A_1 = vector.load %arg0[%get3A, %get3A_0] : memref<100x128xf32, #tpu.memory_space<vmem>>, vector<100x128xf32>
    %reduce_max3A = arith.constant dense<0xFF800000> : vector<100xf32>
    %reduce_max3A_2 = vector.multi_reduction <maximumf>, %get3A_1, %reduce_max3A [1] : vector<100x128xf32> to vector<100xf32>
    %broadcast_in_dim3A = vector.shape_cast %reduce_max3A_2 : vector<100xf32> to vector<100x1xf32>
    %sub3A = vector.broadcast %broadcast_in_dim3A : vector<100x1xf32> to vector<100x128xf32>
    %sub3A_3 = arith.subf %get3A_1, %sub3A : vector<100x128xf32>
    %exp3A = math.exp %sub3A_3 : vector<100x128xf32>
    %reduce_sum3A = arith.constant dense<0.000000e+00> : vector<100xf32>
    %reduce_sum3A_4 = vector.multi_reduction <add>, %exp3A, %reduce_sum3A [1] : vector<100x128xf32> to vector<100xf32>
    %broadcast_in_dim3A_5 = vector.shape_cast %reduce_sum3A_4 : vector<100xf32> to vector<100x1xf32>
    %div3A = vector.broadcast %broadcast_in_dim3A_5 : vector<100x1xf32> to vector<100x128xf32>
    %div3A_6 = arith.divf %exp3A, %div3A : vector<100x128xf32>
    %argmax3A = tpu.reduce_index %div3A_6 {axis = 1 : i32, kind = #tpu.reduction_kind<arg_max>} : vector<100x128xf32> -> vector<100xi32>
    %reduce_max3A_7 = arith.constant dense<0xFF800000> : vector<100xf32>
    %reduce_max3A_8 = vector.multi_reduction <maximumf>, %div3A_6, %reduce_max3A_7 [1] : vector<100x128xf32> to vector<100xf32>
    %log3A = math.log %reduce_max3A_8 : vector<100xf32>
    %broadcast_in_dim3A_9 = vector.shape_cast %argmax3A : vector<100xi32> to vector<100x1xi32>
    %get3A_10 = arith.constant 0 : index
    %get3A_11 = arith.constant 0 : index
    %get3A_12 = vector.load %arg1[%get3A_10, %get3A_11] : memref<100x1xi32, #tpu.memory_space<vmem>>, vector<100x1xi32>
    %add3A = arith.addi %broadcast_in_dim3A_9, %get3A_12 : vector<100x1xi32>
    %swap3A = arith.constant 0 : index
    %swap3A_13 = arith.constant 0 : index
    %swap3A_14 = vector.load %arg2[%swap3A, %swap3A_13] : memref<100x1xi32, #tpu.memory_space<vmem>>, vector<100x1xi32>
    tpu.vector_store %arg2[%swap3A, %swap3A_13], %add3A {strides = array<i32>} : memref<100x1xi32, #tpu.memory_space<vmem>>, vector<100x1xi32>,
    %broadcast_in_dim3A_15 = vector.shape_cast %log3A : vector<100xf32> to vector<100x1xf32>
    %swap3A_16 = arith.constant 0 : index
    %swap3A_17 = arith.constant 0 : index
    %swap3A_18 = vector.load %arg3[%swap3A_16, %swap3A_17] : memref<100x1xf32, #tpu.memory_space<vmem>>, vector<100x1xf32>
    tpu.vector_store %arg3[%swap3A_16, %swap3A_17], %broadcast_in_dim3A_15 {strides = array<i32>} : memref<100x1xf32, #tpu.memory_space<vmem>>, vector<100x1xf32>,
    return
  }
}

</mosaic_0001>

<sc_bundles>
// kernel: kernel.8.cloned.1.call-start
scs
__scs_entry_jumppad:
0x0: {  	(pc) =	sbr.rel $0x88, $3  }
0x1: {  	(tag) =	ssettag $0x0;
	lr =	simm.s32 $0x1  }
0x2: {  	[smem:$0x3F8B] =	sst lr;
	_ =	strace $0xD0000000  }
0x3: {  	_ = 	snop  }
0x4: {  	_ = 	snop  }
0x5: {  	_ = 	snop  }
0x6: {  	_ = 	snop  }
0x7: {  	_ = 	snop  }
__scs_overlays_trampoline_lowered:
0x8: {  	[smem:$0x3F9A] =	sst s0  }
0x9: {  	[smem:$0x3F9B] =	sst s1  }
0xa: {  	[smem:$0x3F9C] =	sst s2  }
0xb: {  	[smem:$0x3F9D] =	sst s3  }
0xc: {  	[smem:$0x3F9E] =	sst s4  }
0xd: {  	[smem:$0x3F9F] =	sst s5  }
0xe: {  	[smem:$0x3FA0] =	sst s6  }
0xf: {  	[smem:$0x3FA1] =	sst s7  }
0x10: {  	[smem:$0x3FA2] =	sst s8  }
0x11: {  	[smem:$0x3FA3] =	sst s9;
	s0 =	simm.s32 @!p0 $0x0  }
0x12: {  	s1 =	sld [smem:$0x3F89];
	s0 =	simm.s32 @p0 $0x1  }
0x13: {  	[smem:$0x3FA4] =	sst s0;
	s0 =	simm.s32 @!p1 $0x0  }
0x14: {  	s2 =	sld [smem:$0x3F88];
	s0 =	simm.s32 @p1 $0x1  }
0x15: {  	[smem:$0x3FA5] =	sst s0;
	s0 =	simm.s32 @!p2 $0x0  }
0x16: {  	s3 =	sld [smem:$0x3FDB];
	s0 =	simm.s32 @p2 $0x1  }
0x17: {  	s4 =	simm.s32 $0x1BF5;
	[smem:$0x3FA7] =	sst s0  }
0x18: {  	s0 =	sld [smem:$0x3F8A];
	_ =	swait.ge [sflag:s4], $0x0  }
0x19: {  	s7 =	sld [smem:$0x3F8B]  }
0x1a: {  	s8 =	sadd.s32 $0xFFFFE003, lr  }
0x1b: {  	s9 =	sadd.s32 $0xFFFFFEF7, lr;
	s5 =	simm.s32 $0xFFFFFFFF;
	p2 =	slt.u32 s8, $0xFFFFF086  }
0x1c: {  	p1 =	slt.u32 s9, $0xF7A;
	s5 =	simm.s32 @!p2 $0x0  }
0x1d: {  	s5 =	simm.s32 @p1 $0x1;
	p0 =	seq.s32 s7, s2  }
0x1e: {  	s7 =	smul.u32 @!p0 $0xF7A, s2;
	p2 =	seq.s32 @!p0 s5, $0x0  }
0x1f: {  	s9 =	smul.u32 $0xF7A, s1;
	s8 =	simm.s32 @!p0 $0x1BF5;
	p2 =	por !p2, p0  }
0x20: {  	[sflag:s8] =	ssyncset.s32 @!p0 $0xFFFFF086;
	s6 =	sadd.s32 @!p0 s3, s7;
	s7 =	simm.s32 @!p0 $0x108  }
0x21: {  	s3 =	sadd.s32 s3, s9;
	s6 =	sadd.s32 @!p0 $0x88, s6;
	s7 =	simm.s32 @p2 $0x1082  }
0x22: {  	[simem:s7], [sflag:s8] =	dma.local @!p0 [hbm:s6], $0xF7A  }
0x23: {  	s9 =	sor.u32 $0xD0000000, s2;
	s6 =	simm.s32 $0x108;
	_ =	swait.ge @!p0 [sflag:s8], $0x0  }
0x24: {  	s3 =	sadd.s32 $0x88, s3;
	s6 =	simm.s32 @!p1 $0x1082;
	[sflag:s4] =	ssyncset.s32 $0xFFFFF086  }
0x25: {  	[simem:s6], [sflag:s4] =	dma.local [hbm:s3], $0xF7A  }
0x26: {  	[smem:$0x3F8B] =	sst s1;
	(tag) =	ssettag s2;
	_ =	strace s9  }
0x27: {  	s1 =	sld [smem:$0x3F9B]  }
0x28: {  	s2 =	sld [smem:$0x3F9C]  }
0x29: {  	s4 =	sld [smem:$0x3F9E]  }
0x2a: {  	p0 =	seq.s32 s5, $0x0;
	s5 =	sld [smem:$0x3F9F]  }
0x2b: {  	s6 =	sld [smem:$0x3FA0]  }
0x2c: {  	s7 =	sld [smem:$0x3FA1]  }
0x2d: {  	s3 =	simm.s32 $0x108;
	s8 =	sld [smem:$0x3FA2]  }
0x2e: {  	s3 =	simm.s32 @!p0 $0x1082;
	s9 =	sld [smem:$0x3FA3]  }
0x2f: {  	lr =	sadd.s32 s0, s3;
	s0 =	sld [smem:$0x3F9A]  }
0x30: {  	s3 =	sld [smem:$0x3F9D]  }
0x31: {  	[smem:$0x3FA6] =	sst s10  }
0x32: {  	s10 =	sld [smem:$0x3FA4];
	_ =	sdelay $0x3  }
0x33: {  	p0 =	seq.s32 s10, $0x1;
	s10 =	sld [smem:$0x3FA6];
	_ =	sdelay $0x3  }
0x34: {  	[smem:$0x3FA6] =	sst s10  }
0x35: {  	s10 =	sld [smem:$0x3FA5];
	_ =	sdelay $0x3  }
0x36: {  	p1 =	seq.s32 s10, $0x1;
	s10 =	sld [smem:$0x3FA6];
	_ =	sdelay $0x3  }
0x37: {  	[smem:$0x3FA6] =	sst s10  }
0x38: {  	s10 =	sld [smem:$0x3FA7]  }
0x39: {  	_ = 	snop;
	(pc) =	sbr.ind lr, $3  }
0x3a: {  	_ = 	snop  }
0x3b: {  	_ = 	snop  }
0x3c: {  	p2 =	seq.s32 s10, $0x1;
	s10 =	sld [smem:$0x3FA6]  }
0x3d: {  	_ =	shalt  }
0x3e: {  	_ =	shalt  }
0x3f: {  	_ =	shalt  }
0x40: {  	_ =	shalt  }
0x41: {  	_ =	shalt  }
0x42: {  	_ =	shalt  }
0x43: {  	_ =	shalt  }
0x44: {  	_ =	shalt  }
0x45: {  	_ =	shalt  }
0x46: {  	_ =	shalt  }
0x47: {  	_ =	shalt  }
0x48: {  	_ =	shalt  }
0x49: {  	_ =	shalt  }
0x4a: {  	_ =	shalt  }
0x4b: {  	_ =	shalt  }
0x4c: {  	_ =	shalt  }
0x4d: {  	_ =	shalt  }
0x4e: {  	_ =	shalt  }
0x4f: {  	_ =	shalt  }
0x50: {  	_ =	shalt  }
0x51: {  	_ =	shalt  }
0x52: {  	_ =	shalt  }
0x53: {  	_ =	shalt  }
0x54: {  	_ =	shalt  }
0x55: {  	_ =	shalt  }
0x56: {  	_ =	shalt  }
0x57: {  	_ =	shalt  }
0x58: {  	_ =	shalt  }
0x59: {  	_ =	shalt  }
0x5a: {  	_ =	shalt  }
0x5b: {  	_ =	shalt  }
0x5c: {  	_ =	shalt  }
0x5d: {  	_ =	shalt  }
0x5e: {  	_ =	shalt  }
0x5f: {  	_ =	shalt  }
0x60: {  	_ =	shalt  }
0x61: {  	_ =	shalt  }
0x62: {  	_ =	shalt  }
0x63: {  	_ =	shalt  }
0x64: {  	_ =	shalt  }
0x65: {  	_ =	shalt  }
0x66: {  	_ =	shalt  }
0x67: {  	_ =	shalt  }
0x68: {  	_ =	shalt  }
0x69: {  	_ =	shalt  }
0x6a: {  	_ =	shalt  }
0x6b: {  	_ =	shalt  }
0x6c: {  	_ =	shalt  }
0x6d: {  	_ =	shalt  }
0x6e: {  	_ =	shalt  }
0x6f: {  	_ =	shalt  }
0x70: {  	_ =	shalt  }
0x71: {  	_ =	shalt  }
0x72: {  	_ =	shalt  }
0x73: {  	_ =	shalt  }
0x74: {  	_ =	shalt  }
0x75: {  	_ =	shalt  }
0x76: {  	_ =	shalt  }
0x77: {  	_ =	shalt  }
0x78: {  	_ =	shalt  }
0x79: {  	_ =	shalt  }
0x7a: {  	_ =	shalt  }
0x7b: {  	_ =	shalt  }
0x7c: {  	_ =	shalt  }
0x7d: {  	_ =	shalt  }
0x7e: {  	_ =	shalt  }
0x7f: {  	_ =	shalt  }
0x80: {  	_ =	shalt  }
0x81: {  	_ =	shalt  }
0x82: {  	_ =	shalt  }
0x83: {  	_ =	shalt  }
0x84: {  	_ =	shalt  }
0x85: {  	_ =	shalt  }
0x86: {  	_ =	shalt  }
0x87: {  	_ =	shalt  }
.Lfunc_end0:
.L_simem_size_0:
called_computation.3_lowered:
.L_overlay_start_0:
0x88: {  	s2 =	sld [smem:$0x3FD9]  }
0x89: {  	s3 =	sld [smem:$0x3FFE];
	_ =	sdelay $0x1  }
0x8a: {  	s1 =	srdreg.scid  }
0x8b: {  	s0 =	sand.u32 $0x1, s1  }
0x8c: {  	s14 =	sshll.u32 s0, $0xA;
	s2 =	sadd.s32 s3, s2  }
0x8d: {  	s2 =	sadd.s32 s2, s14  }
0x8e: {  	[smem:$0x3FB2] =	sst s2  }
0x8f: {  	_ = 	snop  }
0x90: {  	s2 =	sld [smem:$0x3FD0];
	_ =	sdelay $0x2  }
0x91: {  	s15 =	simm.s32 $0xC;
	s4 =	simm.s32 $0x10  }
0x92: {  	[smem:s4], [sflag:s15] =	dma.local [hbm:s2], $0x1  }
0x93: {  	_ =	swait.eq [sflag:s15], $0x1  }
0x94: {  	[sflag:s15] =	ssyncset.done $0x0  }
0x95: {  	[sflag:s15] =	ssyncadd.s32 $0xFFFFFFFF  }
0x96: {  	s16 =	sld [smem:$0x11];
	(tm) =	ssettm $0x1  }
0x97: {  	s17 =	sld [smem:$0x3FFB];
	_ =	sdelay $0x3  }
0x98: {  	_ =	strace s17  }
0x99: {  	s3 =	sld [smem:$0x3FFC];
	_ =	sdelay $0x3  }
0x9a: {  	_ =	strace s3  }
0x9b: {  	s3 =	sld [smem:$0x3FFD];
	_ =	sdelay $0x3  }
0x9c: {  	_ =	strace s3  }
0x9d: {  	_ =	strace $0x8FFFFFFF  }
0x9e: {  	s18 =	sld [smem:$0x3FDB];
	_ =	sdelay $0x1  }
0x9f: {  	s19 =	simm.s32 $_scs_section_size  }
0xa0: {  	s5 =	simm.s32 $_size__tile_overlayer_lowered;
	s6 =	simm.s32 $_tile_overlayer_lowered  }
0xa1: {  	s22 =	simm.s32 $0x1BFF;
	s21 =	sshll.u32 s6, $0x1;
	s3 =	sadd.s32 s19, s18  }
0xa2: {  	s7 =	simm.s32 $0x0;
	s20 =	sshll.u32 s5, $0x1;
	s5 =	sadd.s32 s21, s3  }
0xa3: {  	[timem:s7], [sflag:s22] =	dma.local [hbm:s5], s20  }
0xa4: {  	_ =	swait.ge [sflag:s22], s20  }
0xa5: {  	s4 =	ssub.s32 $0x0, s20;
	[sflag:s22] =	ssyncset.done $0x0  }
0xa6: {  	[sflag:s22] =	ssyncadd.s32 s4;
	_ =	sdelay $0x1  }
0xa7: {  	s23 =	simm.s32 $0x1B8B  }
0xa8: {  	_ =	swait.ge [sflag:s23], $0x1  }
0xa9: {  	[sflag:s23] =	ssyncset.done $0x0  }
0xaa: {  	s25 =	simm.s32 $0x1B8E;
	s24 =	sld [smem:$0x3FFE];
	[sflag:s23] =	ssyncadd.s32 $0xFFFFFFFF  }
0xab: {  	s26 =	simm.s32 $execute0_lowered;
	[smem:$0x3FD2] =	sst s25  }
0xac: {  	s5 =	sshll.u32 s26, $0x1;
	_ =	strace $0x80000055;
	[dreg:$0x1] =	wrdreg $0xFFFFFFFF  }
0xad: {  	s28 =	simm.s32 $_size_execute0_lowered;
	s3 =	sadd.s32 s3, s5;
	[dreg:$0x0] =	wrdreg $0x0  }
0xae: {  	s5 =	sshll.u32 s28, $0x1;
	[dreg:$0x2] =	wrdreg s3  }
0xaf: {  	[dreg:$0x3] =	wrdreg s5  }
0xb0: {  	[dreg:$0x4] =	wrdreg $0xC0  }
0xb1: {  	_ =	task [dreg:s7], $0x5FFFF  }
0xb2: {  	[dreg:$0x1] =	wrdreg $0xFFFFFFFF  }
0xb3: {  	[dreg:$0x0] =	wrdreg $0x60  }
0xb4: {  	[dreg:$0x2] =	wrdreg s24  }
0xb5: {  	[dreg:$0x3] =	wrdreg s16  }
0xb6: {  	[dreg:$0x4] =	wrdreg $0x9  }
0xb7: {  	_ =	task.clear_ibuf [dreg:s7], $0x5FFFF;
	_ =	strace $0x90000055  }
0xb8: {  	s29 =	simm.s32 $0x9;
	_ =	strace $0x80000057  }
0xb9: {  	_ =	swait.ge [sflag:s29], $0x1  }
0xba: {  	[sflag:s29] =	ssyncadd.s32 $0xFFFFFFFF  }
0xbb: {  	_ =	strace $0x90000057  }
0xbc: {  	_ =	sfence  }
0xbd: {  	s30 =	sld [smem:$0x0];
	_ =	sdelay $0x2  }
0xbe: {  	s31 =	sshll.u32 s1, $0xD;
	s1 =	sshrl.u32 s1, $0x2  }
0xbf: {  	s3 =	sand.u32 $0x4000, s31;
	s1 =	sadd.s32 s1, s30  }
0xc0: {  	s0 =	sor.u32 s3, s0;
	s1 =	sshll.u32 s1, $0x11  }
0xc1: {  	s0 =	sor.u32 s1, s0  }
0xc2: {  	s0 =	sadd.s32 $0x8F2B, s0  }
0xc3: {  	[sflag:s0] =	ssyncadd.remote.s32 $0x1  }
0xc4: {  	_ =	sfence.sel $0xFFFF  }
0xc5: {  	[dreg:$0x0] =	wrdreg $0xFFFFFFFF;
	(pc) =	sbr.abs _section_cstart, $3  }
0xc6: {  	[dreg:$0x1] =	wrdreg $0xFFFFFFFF  }
0xc7: {  	_ =	task.clear_ibuf [dreg:s7], $0x2FFFF;
	_ =	strace $0x9FFFFFFF  }
0xc8: {  	(tm) =	ssettm $0x7FFFFFFF  }
0xc9: {  	_ =	shalt  }
tec
execute0_lowered:
.L_overlay_start_1:
0x0: {  	(tag) =	ssettag $0x1  }
0x1: {  	s0 =	srdreg.scid  }
0x2: {  	s3 =	sand.u32 $0x1, s0;
	s0 =	stileid.u32  }
0x3: {  	s5 =	sor.u32 s0, s3  }
0x4: {  	p0 =	sne.s32 s5, $0x0  }
.Ltmp0:
0x5: {  	_ = 	snop;
	(pc) =	sbr.rel @p0 .LBB2_3-.Ltmp0, $4  }
0x6: {  	_ = 	snop  }
0x7: {  	s4 =	rddreg [dreg:$0x0]  }
0x8: {  	s2 =	rddreg [dreg:$0x1]  }
0x9: {  	s1 =	rddreg [dreg:$0x2];
	_ =	strace $0x80000056  }
0xa: {  	s5 =	ssub.s32 $0x2, s3;
	s3 =	sadd.s32 $0x2A00, s4;
	s4 =	sadd.s32 $0x50C00, s4  }
0xb: {  	s7 =	simm.s32 $0x2;
	s8 =	simm.s32 $0x80;
	s9 =	simm.s32 $0x880  }
0xc: {  	s10 =	simm.s32 $0x1080;
	s11 =	simm.s32 $0x1880;
	s12 =	simm.s32 $0x2080  }
0xd: {  	s13 =	simm.s32 $0x2880;
	s14 =	simm.s32 $0x3080;
	s15 =	simm.s32 $0x3880  }
0xe: {  	s16 =	simm.s32 $0x4080;
	s17 =	simm.s32 $0x4880;
	s18 =	simm.s32 $0x5080  }
0xf: {  	v2 =	vlaneseq.u32;
	s19 =	simm.s32 $0x5880;
	s20 =	simm.s32 $0x6080;
	s21 =	simm.s32 $0x6880  }
0x10: {  	vm0 =	vmmov $0xffff;
	s22 =	simm.s32 $0x7080;
	s23 =	simm.s32 $0x7880;
	s6 =	sshrl.u32 s5, $0x1;
	v1 =	vshrl.u32 v2, $0x3  }
0x11: {  	s24 =	simm.s32 $0x1;
	v0 =	vand.u32 $0x7, v2;
	v2 =	vor.u32 $0x8, v2;
	s5 =	ssub.s32 s5, s6;
	s6 =	simm.s32 $0x0;
	v1 =	vmul.u32 $0x8, v1  }
.LBB2_2:
0x12: {  	[tilespmem:s6], [sflag:$0x2] =	stream.linear.gather [hbm4b:s2+s6], $0x80, $0x38;
	[tilespmem:$0x8080] =	vst v63  }
0x13: {  	_ =	swait.ge [sflag:s7], $0x80  }
0x14: {  	[sflag:s7] =	ssyncset.done $0x0  }
0x15: {  	[sflag:s7] =	ssyncadd.s32 $0xFFFFFF80  }
0x16: {  	v3 =	vld [tilespmem:$0x0];
	_ =	sdelay $0x4  }
0x17: {  	v4 =	vshll.u32 v3, $0x1  }
0x18: {  	v3 =	vand.u32 $0x7, v3;
	v4 =	vand.u32 $0xFFFFFFF0, v4  }
0x19: {  	v3 =	vor.u32 v3, v4  }
0x1a: {  	v4 =	vperm.xlane v3, v0;
	_ =	sdelay $0x1  }
0x1b: {  	v3 =	vperm.xlane v3, v2;
	v4 =	vadd.s32 v1, v4;
	_ =	sdelay $0x1  }
0x1c: {  	v3 =	vadd.s32 v1, v3;
	_ =	sdelay $0x2  }
0x1d: {  	[tilespmem:s8], [sflag:$0x1] =	stream.indirect_vreg.gather [hbm4b:s3+s6], $0x80, v4, vm0, $0xb8;
	[tilespmem:$0x8080] =	vst v63  }
0x1e: {  	_ = 	snop  }
0x1f: {  	[tilespmem:s9], [sflag:$0x1] =	stream.indirect_vreg.gather [hbm4b:s3+s6], $0x80, v3, vm0, $0xb8;
	[tilespmem:$0x8080] =	vst v63  }
0x20: {  	v3 =	vld [tilespmem:$0x10];
	_ =	sdelay $0x4  }
0x21: {  	v57 =	vshll.u32 v3, $0x1  }
0x22: {  	v3 =	vand.u32 $0x7, v3;
	v4 =	vand.u32 $0xFFFFFFF0, v57  }
0x23: {  	v3 =	vor.u32 v3, v4  }
0x24: {  	v4 =	vperm.xlane v3, v0;
	_ =	sdelay $0x1  }
0x25: {  	v3 =	vperm.xlane v3, v2;
	v4 =	vadd.s32 v1, v4;
	_ =	sdelay $0x1  }
0x26: {  	v3 =	vadd.s32 v1, v3;
	_ =	sdelay $0x2  }
0x27: {  	[tilespmem:s10], [sflag:$0x1] =	stream.indirect_vreg.gather [hbm4b:s3+s6], $0x80, v4, vm0, $0xb8;
	[tilespmem:$0x8080] =	vst v63  }
0x28: {  	_ = 	snop  }
0x29: {  	[tilespmem:s11], [sflag:$0x1] =	stream.indirect_vreg.gather [hbm4b:s3+s6], $0x80, v3, vm0, $0xb8;
	[tilespmem:$0x8080] =	vst v63  }
0x2a: {  	v3 =	vld [tilespmem:$0x20];
	_ =	sdelay $0x4  }
0x2b: {  	v58 =	vshll.u32 v3, $0x1  }
0x2c: {  	v3 =	vand.u32 $0x7, v3;
	v4 =	vand.u32 $0xFFFFFFF0, v58  }
0x2d: {  	v3 =	vor.u32 v3, v4  }
0x2e: {  	v4 =	vperm.xlane v3, v0;
	_ =	sdelay $0x1  }
0x2f: {  	v3 =	vperm.xlane v3, v2;
	v4 =	vadd.s32 v1, v4;
	_ =	sdelay $0x1  }
0x30: {  	v3 =	vadd.s32 v1, v3;
	_ =	sdelay $0x2  }
0x31: {  	[tilespmem:s12], [sflag:$0x1] =	stream.indirect_vreg.gather [hbm4b:s3+s6], $0x80, v4, vm0, $0xb8;
	[tilespmem:$0x8080] =	vst v63  }
0x32: {  	_ = 	snop  }
0x33: {  	[tilespmem:s13], [sflag:$0x1] =	stream.indirect_vreg.gather [hbm4b:s3+s6], $0x80, v3, vm0, $0xb8;
	[tilespmem:$0x8080] =	vst v63  }
0x34: {  	v3 =	vld [tilespmem:$0x30];
	_ =	sdelay $0x4  }
0x35: {  	v59 =	vshll.u32 v3, $0x1  }
0x36: {  	v3 =	vand.u32 $0x7, v3;
	v4 =	vand.u32 $0xFFFFFFF0, v59  }
0x37: {  	v3 =	vor.u32 v3, v4  }
0x38: {  	v4 =	vperm.xlane v3, v0;
	_ =	sdelay $0x1  }
0x39: {  	v3 =	vperm.xlane v3, v2;
	v4 =	vadd.s32 v1, v4;
	_ =	sdelay $0x1  }
0x3a: {  	v3 =	vadd.s32 v1, v3;
	_ =	sdelay $0x2  }
0x3b: {  	[tilespmem:s14], [sflag:$0x1] =	stream.indirect_vreg.gather [hbm4b:s3+s6], $0x80, v4, vm0, $0xb8;
	[tilespmem:$0x8080] =	vst v63  }
0x3c: {  	_ = 	snop  }
0x3d: {  	[tilespmem:s15], [sflag:$0x1] =	stream.indirect_vreg.gather [hbm4b:s3+s6], $0x80, v3, vm0, $0xb8;
	[tilespmem:$0x8080] =	vst v63  }
0x3e: {  	v3 =	vld [tilespmem:$0x40];
	_ =	sdelay $0x4  }
0x3f: {  	v60 =	vshll.u32 v3, $0x1  }
0x40: {  	v3 =	vand.u32 $0x7, v3;
	v4 =	vand.u32 $0xFFFFFFF0, v60  }
0x41: {  	v3 =	vor.u32 v3, v4  }
0x42: {  	v4 =	vperm.xlane v3, v0;
	_ =	sdelay $0x1  }
0x43: {  	v3 =	vperm.xlane v3, v2;
	v4 =	vadd.s32 v1, v4;
	_ =	sdelay $0x1  }
0x44: {  	v3 =	vadd.s32 v1, v3;
	_ =	sdelay $0x2  }
0x45: {  	[tilespmem:s16], [sflag:$0x1] =	stream.indirect_vreg.gather [hbm4b:s3+s6], $0x80, v4, vm0, $0xb8;
	[tilespmem:$0x8080] =	vst v63  }
0x46: {  	_ = 	snop  }
0x47: {  	[tilespmem:s17], [sflag:$0x1] =	stream.indirect_vreg.gather [hbm4b:s3+s6], $0x80, v3, vm0, $0xb8;
	[tilespmem:$0x8080] =	vst v63  }
0x48: {  	v3 =	vld [tilespmem:$0x50];
	_ =	sdelay $0x4  }
0x49: {  	v61 =	vshll.u32 v3, $0x1  }
0x4a: {  	v3 =	vand.u32 $0x7, v3;
	v4 =	vand.u32 $0xFFFFFFF0, v61  }
0x4b: {  	v3 =	vor.u32 v3, v4  }
0x4c: {  	v4 =	vperm.xlane v3, v0;
	_ =	sdelay $0x1  }
0x4d: {  	v3 =	vperm.xlane v3, v2;
	v4 =	vadd.s32 v1, v4;
	_ =	sdelay $0x1  }
0x4e: {  	v3 =	vadd.s32 v1, v3;
	_ =	sdelay $0x2  }
0x4f: {  	[tilespmem:s18], [sflag:$0x1] =	stream.indirect_vreg.gather [hbm4b:s3+s6], $0x80, v4, vm0, $0xb8;
	[tilespmem:$0x8080] =	vst v63  }
0x50: {  	_ = 	snop  }
0x51: {  	[tilespmem:s19], [sflag:$0x1] =	stream.indirect_vreg.gather [hbm4b:s3+s6], $0x80, v3, vm0, $0xb8;
	[tilespmem:$0x8080] =	vst v63  }
0x52: {  	v3 =	vld [tilespmem:$0x60];
	_ =	sdelay $0x4  }
0x53: {  	v62 =	vshll.u32 v3, $0x1  }
0x54: {  	v3 =	vand.u32 $0x7, v3;
	v4 =	vand.u32 $0xFFFFFFF0, v62  }
0x55: {  	v3 =	vor.u32 v3, v4  }
0x56: {  	v4 =	vperm.xlane v3, v0;
	_ =	sdelay $0x1  }
0x57: {  	v3 =	vperm.xlane v3, v2;
	v4 =	vadd.s32 v1, v4;
	_ =	sdelay $0x1  }
0x58: {  	v3 =	vadd.s32 v1, v3;
	_ =	sdelay $0x2  }
0x59: {  	[tilespmem:s20], [sflag:$0x1] =	stream.indirect_vreg.gather [hbm4b:s3+s6], $0x80, v4, vm0, $0xb8;
	[tilespmem:$0x8080] =	vst v63  }
0x5a: {  	_ = 	snop  }
0x5b: {  	[tilespmem:s21], [sflag:$0x1] =	stream.indirect_vreg.gather [hbm4b:s3+s6], $0x80, v3, vm0, $0xb8;
	[tilespmem:$0x8080] =	vst v63  }
0x5c: {  	v3 =	vld [tilespmem:$0x70];
	_ =	sdelay $0x4  }
0x5d: {  	v63 =	vshll.u32 v3, $0x1  }
0x5e: {  	v3 =	vand.u32 $0x7, v3;
	v4 =	vand.u32 $0xFFFFFFF0, v63  }
0x5f: {  	v3 =	vor.u32 v3, v4  }
0x60: {  	v4 =	vperm.xlane v3, v0;
	_ =	sdelay $0x1  }
0x61: {  	v3 =	vperm.xlane v3, v2;
	v4 =	vadd.s32 v1, v4;
	_ =	sdelay $0x1  }
0x62: {  	v3 =	vadd.s32 v1, v3;
	_ =	sdelay $0x2  }
0x63: {  	[tilespmem:s22], [sflag:$0x1] =	stream.indirect_vreg.gather [hbm4b:s3+s6], $0x80, v4, vm0, $0xb8;
	[tilespmem:$0x8080] =	vst v63  }
0x64: {  	_ = 	snop  }
0x65: {  	[tilespmem:s23], [sflag:$0x1] =	stream.indirect_vreg.gather [hbm4b:s3+s6], $0x80, v3, vm0, $0xb8;
	[tilespmem:$0x8080] =	vst v63  }
0x66: {  	_ =	swait.ge [sflag:s24], $0x8000  }
0x67: {  	p0 =	sne.s32 s5, $0x1;
	[sflag:s24] =	ssyncset.done $0x0  }
.Ltmp1:
0x68: {  	[sflag:s24] =	ssyncadd.s32 $0xFFFF8000;
	(pc) =	sbr.rel @p0 .LBB2_2-.Ltmp1, $4  }
0x69: {  	[hbm4b:s4+s6] =	stream.linear.scatter [tilespmem:s8], [sflag:$0x2], $0x8000, $0x38;
	[tilespmem:$0x8080] =	vst v63  }
0x6a: {  	_ =	swait.ge [sflag:s7], $0x8000  }
0x6b: {  	[sflag:s7] =	ssyncset.done $0x0  }
0x6c: {  	s5 =	sadd.s32 $0xFFFFFFFF, s5;
	[sflag:s7] =	ssyncadd.s32 $0xFFFF8000  }
.LBB2_3:
0x6d: {  	_ =	sfence.sel $0x180000  }
0x6e: {  	[bflag:$0x0] =	sbarrier.arrive $0xFFFF  }
0x6f: {  	p0 =	sne.s32 s0, $0x0;
	_ =	strace $0x90000056  }
0x70: {  	s0 =	sadd.s32 @!p0 $0x100000, s1;
	[bflag:$0x2] =	sbarrier.arrive $0xFFFF  }
0x71: {  	[sflag:s0] =	ssyncadd.tile.s32 @!p0 $0x1;
	_ =	shalt  }
.Lfunc_end2:
_tile_overlayer_lowered:
.L_overlay_start_2:
0x72: {  	(tag) =	ssettag $0x2  }
0x73: {  	s0 =	rddreg [dreg:$0x0];
	s2 =	stileid.u32  }
0x74: {  	s1 =	rddreg [dreg:$0x1];
	p0 =	sne.s32 s2, $0x0  }
0x75: {  	s3 =	rddreg [dreg:$0x2];
	[bflag:$0x3] =	sbarrier.arrive $0xFFFF;
	s2 =	simm.s32 @!p0 $0x1C02  }
0x76: {  	[timem:s3], [sflag:s2] =	dma.local @!p0 [hbm:s0], s1  }
0x77: {  	s0 =	simm.s32 @!p0 $0x2  }
0x78: {  	_ =	swait.ge @!p0 [sflag:s0], s1  }
0x79: {  	s1 =	ssub.s32 @!p0 $0x0, s1;
	[sflag:s0] =	ssyncset.done @!p0 $0x0  }
0x7a: {  	[sflag:s0] =	ssyncadd.s32 @!p0 s1  }
0x7b: {  	[bflag:$0x3] =	sbarrier.arrive $0xFFFF  }
0x7c: {  	_ =	shalt  }

// kernel: scatter_offload_async_start.1
scs
__scs_entry_jumppad:
0x0: {  	(pc) =	sbr.rel $0x88, $3  }
0x1: {  	(tag) =	ssettag $0x0;
	lr =	simm.s32 $0x1  }
0x2: {  	[smem:$0x3F8B] =	sst lr;
	_ =	strace $0xD0000000  }
0x3: {  	_ = 	snop  }
0x4: {  	_ = 	snop  }
0x5: {  	_ = 	snop  }
0x6: {  	_ = 	snop  }
0x7: {  	_ = 	snop  }
__scs_overlays_trampoline_lowered:
0x8: {  	[smem:$0x3F9A] =	sst s0  }
0x9: {  	[smem:$0x3F9B] =	sst s1  }
0xa: {  	[smem:$0x3F9C] =	sst s2  }
0xb: {  	[smem:$0x3F9D] =	sst s3  }
0xc: {  	[smem:$0x3F9E] =	sst s4  }
0xd: {  	[smem:$0x3F9F] =	sst s5  }
0xe: {  	[smem:$0x3FA0] =	sst s6  }
0xf: {  	[smem:$0x3FA1] =	sst s7  }
0x10: {  	[smem:$0x3FA2] =	sst s8  }
0x11: {  	[smem:$0x3FA3] =	sst s9;
	s0 =	simm.s32 @!p0 $0x0  }
0x12: {  	s1 =	sld [smem:$0x3F89];
	s0 =	simm.s32 @p0 $0x1  }
0x13: {  	[smem:$0x3FA4] =	sst s0;
	s0 =	simm.s32 @!p1 $0x0  }
0x14: {  	s2 =	sld [smem:$0x3F88];
	s0 =	simm.s32 @p1 $0x1  }
0x15: {  	[smem:$0x3FA5] =	sst s0;
	s0 =	simm.s32 @!p2 $0x0  }
0x16: {  	s3 =	sld [smem:$0x3FDB];
	s0 =	simm.s32 @p2 $0x1  }
0x17: {  	s4 =	simm.s32 $0x1BF5;
	[smem:$0x3FA7] =	sst s0  }
0x18: {  	s0 =	sld [smem:$0x3F8A];
	_ =	swait.ge [sflag:s4], $0x0  }
0x19: {  	s7 =	sld [smem:$0x3F8B]  }
0x1a: {  	s8 =	sadd.s32 $0xFFFFE003, lr  }
0x1b: {  	s9 =	sadd.s32 $0xFFFFFEF7, lr;
	s5 =	simm.s32 $0xFFFFFFFF;
	p2 =	slt.u32 s8, $0xFFFFF086  }
0x1c: {  	p1 =	slt.u32 s9, $0xF7A;
	s5 =	simm.s32 @!p2 $0x0  }
0x1d: {  	s5 =	simm.s32 @p1 $0x1;
	p0 =	seq.s32 s7, s2  }
0x1e: {  	s7 =	smul.u32 @!p0 $0xF7A, s2;
	p2 =	seq.s32 @!p0 s5, $0x0  }
0x1f: {  	s9 =	smul.u32 $0xF7A, s1;
	s8 =	simm.s32 @!p0 $0x1BF5;
	p2 =	por !p2, p0  }
0x20: {  	[sflag:s8] =	ssyncset.s32 @!p0 $0xFFFFF086;
	s6 =	sadd.s32 @!p0 s3, s7;
	s7 =	simm.s32 @!p0 $0x108  }
0x21: {  	s3 =	sadd.s32 s3, s9;
	s6 =	sadd.s32 @!p0 $0x88, s6;
	s7 =	simm.s32 @p2 $0x1082  }
0x22: {  	[simem:s7], [sflag:s8] =	dma.local @!p0 [hbm:s6], $0xF7A  }
0x23: {  	s9 =	sor.u32 $0xD0000000, s2;
	s6 =	simm.s32 $0x108;
	_ =	swait.ge @!p0 [sflag:s8], $0x0  }
0x24: {  	s3 =	sadd.s32 $0x88, s3;
	s6 =	simm.s32 @!p1 $0x1082;
	[sflag:s4] =	ssyncset.s32 $0xFFFFF086  }
0x25: {  	[simem:s6], [sflag:s4] =	dma.local [hbm:s3], $0xF7A  }
0x26: {  	[smem:$0x3F8B] =	sst s1;
	(tag) =	ssettag s2;
	_ =	strace s9  }
0x27: {  	s1 =	sld [smem:$0x3F9B]  }
0x28: {  	s2 =	sld [smem:$0x3F9C]  }
0x29: {  	s4 =	sld [smem:$0x3F9E]  }
0x2a: {  	p0 =	seq.s32 s5, $0x0;
	s5 =	sld [smem:$0x3F9F]  }
0x2b: {  	s6 =	sld [smem:$0x3FA0]  }
0x2c: {  	s7 =	sld [smem:$0x3FA1]  }
0x2d: {  	s3 =	simm.s32 $0x108;
	s8 =	sld [smem:$0x3FA2]  }
0x2e: {  	s3 =	simm.s32 @!p0 $0x1082;
	s9 =	sld [smem:$0x3FA3]  }
0x2f: {  	lr =	sadd.s32 s0, s3;
	s0 =	sld [smem:$0x3F9A]  }
0x30: {  	s3 =	sld [smem:$0x3F9D]  }
0x31: {  	[smem:$0x3FA6] =	sst s10  }
0x32: {  	s10 =	sld [smem:$0x3FA4];
	_ =	sdelay $0x3  }
0x33: {  	p0 =	seq.s32 s10, $0x1;
	s10 =	sld [smem:$0x3FA6];
	_ =	sdelay $0x3  }
0x34: {  	[smem:$0x3FA6] =	sst s10  }
0x35: {  	s10 =	sld [smem:$0x3FA5];
	_ =	sdelay $0x3  }
0x36: {  	p1 =	seq.s32 s10, $0x1;
	s10 =	sld [smem:$0x3FA6];
	_ =	sdelay $0x3  }
0x37: {  	[smem:$0x3FA6] =	sst s10  }
0x38: {  	s10 =	sld [smem:$0x3FA7]  }
0x39: {  	_ = 	snop;
	(pc) =	sbr.ind lr, $3  }
0x3a: {  	_ = 	snop  }
0x3b: {  	_ = 	snop  }
0x3c: {  	p2 =	seq.s32 s10, $0x1;
	s10 =	sld [smem:$0x3FA6]  }
0x3d: {  	_ =	shalt  }
0x3e: {  	_ =	shalt  }
0x3f: {  	_ =	shalt  }
0x40: {  	_ =	shalt  }
0x41: {  	_ =	shalt  }
0x42: {  	_ =	shalt  }
0x43: {  	_ =	shalt  }
0x44: {  	_ =	shalt  }
0x45: {  	_ =	shalt  }
0x46: {  	_ =	shalt  }
0x47: {  	_ =	shalt  }
0x48: {  	_ =	shalt  }
0x49: {  	_ =	shalt  }
0x4a: {  	_ =	shalt  }
0x4b: {  	_ =	shalt  }
0x4c: {  	_ =	shalt  }
0x4d: {  	_ =	shalt  }
0x4e: {  	_ =	shalt  }
0x4f: {  	_ =	shalt  }
0x50: {  	_ =	shalt  }
0x51: {  	_ =	shalt  }
0x52: {  	_ =	shalt  }
0x53: {  	_ =	shalt  }
0x54: {  	_ =	shalt  }
0x55: {  	_ =	shalt  }
0x56: {  	_ =	shalt  }
0x57: {  	_ =	shalt  }
0x58: {  	_ =	shalt  }
0x59: {  	_ =	shalt  }
0x5a: {  	_ =	shalt  }
0x5b: {  	_ =	shalt  }
0x5c: {  	_ =	shalt  }
0x5d: {  	_ =	shalt  }
0x5e: {  	_ =	shalt  }
0x5f: {  	_ =	shalt  }
0x60: {  	_ =	shalt  }
0x61: {  	_ =	shalt  }
0x62: {  	_ =	shalt  }
0x63: {  	_ =	shalt  }
0x64: {  	_ =	shalt  }
0x65: {  	_ =	shalt  }
0x66: {  	_ =	shalt  }
0x67: {  	_ =	shalt  }
0x68: {  	_ =	shalt  }
0x69: {  	_ =	shalt  }
0x6a: {  	_ =	shalt  }
0x6b: {  	_ =	shalt  }
0x6c: {  	_ =	shalt  }
0x6d: {  	_ =	shalt  }
0x6e: {  	_ =	shalt  }
0x6f: {  	_ =	shalt  }
0x70: {  	_ =	shalt  }
0x71: {  	_ =	shalt  }
0x72: {  	_ =	shalt  }
0x73: {  	_ =	shalt  }
0x74: {  	_ =	shalt  }
0x75: {  	_ =	shalt  }
0x76: {  	_ =	shalt  }
0x77: {  	_ =	shalt  }
0x78: {  	_ =	shalt  }
0x79: {  	_ =	shalt  }
0x7a: {  	_ =	shalt  }
0x7b: {  	_ =	shalt  }
0x7c: {  	_ =	shalt  }
0x7d: {  	_ =	shalt  }
0x7e: {  	_ =	shalt  }
0x7f: {  	_ =	shalt  }
0x80: {  	_ =	shalt  }
0x81: {  	_ =	shalt  }
0x82: {  	_ =	shalt  }
0x83: {  	_ =	shalt  }
0x84: {  	_ =	shalt  }
0x85: {  	_ =	shalt  }
0x86: {  	_ =	shalt  }
0x87: {  	_ =	shalt  }
.Lfunc_end0:
.L_simem_size_0:
called_computation.1_lowered:
.L_overlay_start_0:
0x88: {  	s0 =	sld [smem:$0x3FD9]  }
0x89: {  	s1 =	sld [smem:$0x3FFE];
	_ =	sdelay $0x3  }
0x8a: {  	s0 =	sadd.s32 s1, s0  }
0x8b: {  	[smem:$0x3FB2] =	sst s0  }
0x8c: {  	_ = 	snop  }
0x8d: {  	(tm) =	ssettm $0x1  }
0x8e: {  	s15 =	sld [smem:$0x3FFB];
	_ =	sdelay $0x3  }
0x8f: {  	_ =	strace s15  }
0x90: {  	s0 =	sld [smem:$0x3FFC];
	_ =	sdelay $0x3  }
0x91: {  	_ =	strace s0  }
0x92: {  	s0 =	sld [smem:$0x3FFD];
	_ =	sdelay $0x3  }
0x93: {  	_ =	strace s0  }
0x94: {  	_ =	strace $0x8FFFFFFF  }
0x95: {  	s16 =	sld [smem:$0x3FDB];
	_ =	sdelay $0x1  }
0x96: {  	s17 =	simm.s32 $_scs_section_size  }
0x97: {  	s2 =	simm.s32 $_size__tile_overlayer_lowered;
	s3 =	simm.s32 $_tile_overlayer_lowered  }
0x98: {  	s20 =	simm.s32 $0x1BFF;
	s19 =	sshll.u32 s3, $0x1;
	s0 =	sadd.s32 s17, s16  }
0x99: {  	s4 =	simm.s32 $0x0;
	s18 =	sshll.u32 s2, $0x1;
	s2 =	sadd.s32 s19, s0  }
0x9a: {  	[timem:s4], [sflag:s20] =	dma.local [hbm:s2], s18  }
0x9b: {  	_ =	swait.ge [sflag:s20], s18  }
0x9c: {  	s1 =	ssub.s32 $0x0, s18;
	[sflag:s20] =	ssyncset.done $0x0  }
0x9d: {  	[sflag:s20] =	ssyncadd.s32 s1;
	_ =	sdelay $0x1  }
0x9e: {  	s21 =	simm.s32 $0x1B8B  }
0x9f: {  	_ =	swait.ge [sflag:s21], $0x1  }
0xa0: {  	[sflag:s21] =	ssyncset.done $0x0  }
0xa1: {  	s23 =	simm.s32 $0x1B8E;
	s22 =	sld [smem:$0x3FFE];
	[sflag:s21] =	ssyncadd.s32 $0xFFFFFFFF  }
0xa2: {  	s24 =	simm.s32 $execute0_lowered;
	[smem:$0x3FD2] =	sst s23  }
0xa3: {  	s2 =	sshll.u32 s24, $0x1;
	_ =	strace $0x80000046;
	[dreg:$0x1] =	wrdreg $0xFFFFFFFF  }
0xa4: {  	s25 =	simm.s32 $_size_execute0_lowered;
	s0 =	sadd.s32 s0, s2;
	[dreg:$0x0] =	wrdreg $0x0  }
0xa5: {  	s2 =	sshll.u32 s25, $0x1;
	[dreg:$0x2] =	wrdreg s0  }
0xa6: {  	[dreg:$0x3] =	wrdreg s2  }
0xa7: {  	[dreg:$0x4] =	wrdreg $0xC0  }
0xa8: {  	_ =	task [dreg:s4], $0x5FFFF  }
0xa9: {  	[dreg:$0x1] =	wrdreg $0xFFFFFFFF  }
0xaa: {  	[dreg:$0x0] =	wrdreg $0x60  }
0xab: {  	[dreg:$0x2] =	wrdreg s22  }
0xac: {  	[dreg:$0x3] =	wrdreg $0xB  }
0xad: {  	_ =	task.clear_ibuf [dreg:s4], $0x4FFFF;
	_ =	strace $0x90000046  }
0xae: {  	s26 =	simm.s32 $0xB;
	_ =	strace $0x80000048  }
0xaf: {  	_ =	swait.ge [sflag:s26], $0x1  }
0xb0: {  	[sflag:s26] =	ssyncadd.s32 $0xFFFFFFFF  }
0xb1: {  	_ =	strace $0x90000048  }
0xb2: {  	_ =	sfence  }
0xb3: {  	s28 =	sld [smem:$0x0];
	_ =	sdelay $0x1  }
0xb4: {  	s29 =	srdreg.scid  }
0xb5: {  	s30 =	sshll.u32 s29, $0xD;
	s31 =	sshrl.u32 s29, $0x2  }
0xb6: {  	s1 =	sand.u32 $0x1, s29;
	s2 =	sand.u32 $0x4000, s30;
	s0 =	sadd.s32 s31, s28  }
0xb7: {  	s1 =	sor.u32 s2, s1;
	s0 =	sshll.u32 s0, $0x11  }
0xb8: {  	s0 =	sor.u32 s0, s1  }
0xb9: {  	s0 =	sadd.s32 $0x8F2B, s0  }
0xba: {  	[sflag:s0] =	ssyncadd.remote.s32 $0x1  }
0xbb: {  	_ =	sfence.sel $0xFFFF  }
0xbc: {  	[dreg:$0x0] =	wrdreg $0xFFFFFFFF;
	(pc) =	sbr.abs _section_cstart, $3  }
0xbd: {  	[dreg:$0x1] =	wrdreg $0xFFFFFFFF  }
0xbe: {  	_ =	task.clear_ibuf [dreg:s4], $0x2FFFF;
	_ =	strace $0x9FFFFFFF  }
0xbf: {  	(tm) =	ssettm $0x7FFFFFFF  }
tec
execute0_lowered:
.L_overlay_start_1:
0x0: {  	(tag) =	ssettag $0x1  }
0x1: {  	s0 =	rddreg [dreg:$0x0];
	_ =	strace $0x80000047;
	s15 =	stileid.u32  }
0x2: {  	s2 =	simm.s32 $0x1;
	s1 =	smin.u32 s15, $0x8;
	s3 =	sshll.u32 s15, $0x1  }
0x3: {  	v1 =	vimm.s32 $0xFFFFFFFF;
	[sflag:s2] =	ssyncpa.u1 $0x0;
	s1 =	sadd.s32 s1, s3  }
0x4: {  	p0 =	slt.u32 s15, $0x8;
	[tilespmem:$0x10] =	vst v1;
	s4 =	smul.u32 $0x1F40, s1;
	s1 =	simm.s32 $0x5DC0  }
0x5: {  	v0 =	vimm.f32 $0.0e+00;
	[tilespmem:$0x20] =	vst v1;
	s1 =	simm.s32 @!p0 $0x3E80  }
0x6: {  	[tilespmem:$0x30] =	vst v0;
	s1 =	sadd.s32 s1, s4  }
0x7: {  	[tilespmem:$0x40] =	vst v0;
	s5 =	smin.u32 s1, $0x4E200  }
0x8: {  	s7 =	simm.s32 $0x2;
	s8 =	simm.s32 $0x8;
	[tilespmem:$0x50] =	vst v0;
	s9 =	ssub.s32 s5, s4  }
0x9: {  	s31 =	simm.s32 $0x9;
	s16 =	simm.s32 $0x0;
	[tilespmem:$0x60] =	vst v1;
	p0 =	sgt.s32 s9, $0x0  }
0xa: {  	s17 =	simm.s32 $0xF0;
	s18 =	simm.s32 $0xFFFFFFFF;
	[tilespmem:$0x70] =	vst v1;
	s9 =	simm.s32 @!p0 $0x0  }
0xb: {  	s19 =	simm.s32 $0xFFFFC280;
	s20 =	simm.s32 $0xFFFFFFFE;
	[tilespmem:$0x80] =	vst v1;
	s30 =	smulhi.u32 $0x10624DD3, s9  }
0xc: {  	s21 =	simm.s32 $0xF;
	s25 =	simm.s32 $0x0;
	s24 =	simm.s32 $0x0;
	v1 =	vimm.s32 $0x0;
	[tilespmem:$0xB0] =	vst v0  }
0xd: {  	s6 =	sadd.s32 $0x20400, s0;
	s15 =	sshllo.u32 s15, $0x1;
	[tilespmem:$0x90] =	vst v1;
	s10 =	sshrl.u32 s30, $0x9  }
0xe: {  	[tilespmem:$0xA0] =	vst v1;
	[sflag:s7] =	ssyncpa.u1 $0x0;
	s7 =	simm.s32 $0x7;
	s11 =	smul.u32 $0x1F40, s10  }
.Ltmp0:
0xf: {  	s13 =	sor.u32 $0x80, s3;
	[sflag:s7] =	ssyncpa.u1 $0x0;
	(pc) =	sbr.rel .LBB2_1-.Ltmp0, $4  }
0x10: {  	s14 =	sor.u32 $0x81, s3;
	[sflag:s8] =	ssyncpa.u1 $0x0;
	p0 =	sne.s32 s9, s11  }
0x11: {  	s23 =	smov.u32 s4;
	s1 =	sadd.s32 $0x516200, s0;
	s2 =	simm.s32 @!p0 $0x0  }
0x12: {  	vm0 =	vmmov $0xffff;
	v2 =	vlaneseq.u32;
	[sflag:s31] =	ssyncpa.u1 $0x0;
	s9 =	sadd.s32 $0x2A200, s0;
	s10 =	sadd.s32 s2, s10  }
0x13: {  	vm1 =	vmxor vm1, vm1;
	vm2 =	vmmov $0x1;
	vm3 =	vcmask $0x3F3C;
	p0 =	por $0x0, $0x0;
	s11 =	sadd.s32 $0x1, s10;
	s12 =	sadd.s32 $0x2, s10  }
.LBB2_9:
0x14: {  	p1 =	slt.u32 s24, $0x3  }
0x15: {  	s0 =	simm.s32 @!p1 $0x2  }
0x16: {  	_ =	swait.ge @!p1 [sflag:s0], $0x1F40  }
0x17: {  	[sflag:s0] =	ssyncset.done @!p1 $0x0  }
0x18: {  	[sflag:s0] =	ssyncadd.s32 @!p1 $0xFFFFE0C0;
	s0 =	simm.s32 @!p1 $0x9  }
0x19: {  	_ =	swait.ge @!p1 [sflag:s0], $0x10  }
0x1a: {  	[sflag:s0] =	ssyncset.done @!p1 $0x0  }
0x1b: {  	[sflag:s0] =	ssyncadd.s32 @!p1 $0xFFFFFFF0;
	p1 =	sne.s32 s24, s12  }
.Ltmp1:
0x1c: {  	s2 =	sadd.s32 $0x1F40, s23;
	(pc) =	sbr.rel @!p1 .LBB2_10-.Ltmp1, $4  }
0x1d: {  	s22 =	smov.u32 s4;
	s31 =	sadd.s32 $0x1, s24;
	s17 =	sadd.s32 $0x1F40, s17  }
0x1e: {  	s18 =	sadd.s32 $0x1, s18;
	s25 =	smov.u32 s23;
	p2 =	slt.s32 s2, s5  }
0x1f: {  	p0 =	por !p0, !p0;
	s19 =	sadd.s32 $0x1F40, s19;
	s22 =	smov.u32 @p2 s2  }
0x20: {  	s20 =	sadd.s32 $0x1, s20;
	s23 =	smov.u32 s22;
	s24 =	smov.u32 s31  }
.LBB2_1:
0x21: {  	p1 =	sge.u32 s24, s10  }
0x22: {  	s0 =	smulhi.u32 @!p1 $0xAAAAAAAB, s24;
	_ =	sdelay $0x1  }
0x23: {  	s0 =	sshrl.u32 @!p1 s0, $0x1  }
0x24: {  	s0 =	smul.u32 @!p1 $0x3, s0;
	_ =	sdelay $0x1  }
0x25: {  	s0 =	ssub.s32 @!p1 s24, s0  }
0x26: {  	s0 =	smul.u32 @!p1 $0x7D00, s0;
	_ =	sdelay $0x1  }
0x27: {  	s2 =	sshrl.u32 @!p1 s23, $0x3;
	s0 =	sshrl.u32 @!p1 s0, $0x2  }
0x28: {  	s22 =	sand.u32 @!p1 $0x7, s23;
	s2 =	sadd.s32 @!p1 s6, s2;
	s0 =	sadd.s32 @!p1 $0x100, s0  }
0x29: {  	[tilespmem:s0], [sflag:$0x7] =	stream.linear.gather @!p1 [hbm4b:s2+s22], $0x1F40, $0x38;
	[tilespmem:$0x11A60] =	vst v63  }
0x2a: {  	s0 =	sadd.s32 $0xFFFFFFFF, s24  }
0x2b: {  	p1 =	sge.u32 s0, s10  }
.Ltmp2:
0x2c: {  	_ = 	snop;
	(pc) =	sbr.rel @p1 .LBB2_5-.Ltmp2, $1  }
0x2d: {  	_ =	sdelay $0x3  }
0x2e: {  	s2 =	smulhi.u32 $0xAAAAAAAB, s0;
	_ =	sdelay $0x1  }
0x2f: {  	s2 =	sshrl.u32 s2, $0x1  }
0x30: {  	s2 =	smul.u32 $0x3, s2;
	_ =	sdelay $0x1  }
0x31: {  	s2 =	ssub.s32 s0, s2  }
0x32: {  	s2 =	smul.u32 $0x7D00, s2  }
0x33: {  	_ =	swait.ge [sflag:s7], $0x1F40  }
0x34: {  	[sflag:s7] =	ssyncset.done $0x0;
	s2 =	sshrl.u32 s2, $0x2  }
0x35: {  	[sflag:s7] =	ssyncadd.s32 $0xFFFFE0C0;
	(ifvalue) =	ssetifvalue $0xFFFFFFFF;
	v3 =	vld.msk [tilespmem:s2+$0x100 ss:$0x1], $0xffff;
	_ =	sdelay $0x2  }
0x36: {  	s30 =	smulhi.u32 $0xAAAAAAAB, s18;
	p1 =	sne.s32 s24, $0x1  }
0x37: {  	v4 =	vimm.s32 @!p1 $0x0  }
0x38: {  	s2 =	sshrl.u32 s30, $0x1;
	v4 =	vperm.xlane @!p1 v3, v4  }
0x39: {  	s22 =	sshll.u32 s24, $0x4;
	s2 =	smul.u32 $0xFFFE8900, s2;
	vm4 =	vlt.u32 v3, $0x2800  }
0x3a: {  	s22 =	sand.u32 $0x10, s22;
	v3 =	vnsel vm4, $0xFFFFFFFE, v3;
	vm4 =	vlt.u32 @!p1 v4, $0x2800  }
0x3b: {  	s2 =	sshra.s32 s2, $0x2;
	[tilespmem:s22+$0x60] =	vst v3;
	v3 =	vnsel @!p1 vm4, $0xFFFFFFFE, v4  }
0x3c: {  	s28 =	sadd.s32 s2, s17;
	[tilespmem:$0x80] =	vst @!p1 v3  }
0x3d: {  	v3 =	vld.msk [tilespmem:s28+$0x0 ss:$0x1], $0xffff;
	_ =	sdelay $0x4  }
0x3e: {  	(xrf1) =	vunique.msk.u32 $0xffff, v3;
	_ =	sdelay $0xd  }
0x3f: {  	v4 =	vimm.s32 $0xFFFFFFFF;
	v5, _, _ =	vpop (xrf1)  }
0x40: {  	vm5 =	vne.s32 v3, v4;
	vm4 =	veq.s32 v5, v2  }
0x41: {  	vm6 =	vlt.u32 v3, $0x2800;
	vm4 =	vmand vm5, vm4  }
0x42: {  	vm4 =	vmand vm6, vm4  }
0x43: {  	v4 =	vnsel vm4, $0xFFFFFFFF, v3  }
0x44: {  	s31 =	sand.u32 $0x1, s0  }
0x45: {  	s0 =	simm.s32 $0x1F40;
	p1 =	seq.s32 s31, $0x1  }
0x46: {  	s0 =	simm.s32 @!p1 $0x0  }
0x47: {  	s26 =	sadd.s32 $0x7DF0, s0;
	(ifvalue) =	ssetifvalue $0xFFFFFFFF  }
0x48: {  	v3 =	vperm.xlane v3, v1;
	[tilespmem:s26], [sflag:$0x8] =	stream.indirect_vreg.gather [hbm4b:s1+s16], $0x1, v4, vm0, $0x4038;
	v4 =	vnsel vm6, $0xFFFFFFFE, v4;
	[tilespmem:$0x11A60] =	vst v63  }
0x49: {  	s2 =	simm.s32 $0x0;
	s22 =	sadd.s32 $0xFFFFFFF0, s28;
	[tilespmem:s28+$0x0] =	vst v4  }
.LBB2_3:
0x4a: {  	v4 =	vld.msk [tilespmem:s22+$0x0 ss:$0x1], $0xffff;
	s2 =	sadd.s32 $0x10, s2;
	v5 =	vmov v3;
	s28 =	smov.u32 s22  }
0x4b: {  	p1 =	slt.u32 s2, $0x1F30;
	_ =	sdelay $0x4  }
0x4c: {  	v3 =	vperm.xlane v4, v1;
	(xrf1) =	vunique.msk.u32 $0xffff, v4;
	_ =	sdelay $0xd  }
0x4d: {  	v6, _, _ =	vpop (xrf1)  }
0x4e: {  	vm5 =	vne.s32 v4, v5;
	vm4 =	veq.s32 v6, v2  }
0x4f: {  	vm6 =	vlt.u32 v4, $0x2800;
	vm4 =	vmand vm5, vm4  }
0x50: {  	vm4 =	vmand vm6, vm4  }
0x51: {  	v4 =	vnsel vm4, $0xFFFFFFFF, v4  }
.Ltmp3:
0x52: {  	v5 =	vnsel vm6, $0xFFFFFFFE, v4;
	(pc) =	sbr.rel @p1 .LBB2_3-.Ltmp3, $3  }
0x53: {  	_ =	sdelay $0x1  }
0x54: {  	s22 =	sadd.s32 $0xFFFFFFF0, s22;
	s26 =	sadd.s32 $0xFFFFFFF0, s26;
	(ifvalue) =	ssetifvalue $0xFFFFFFFF  }
0x55: {  	[tilespmem:s26], [sflag:$0x8] =	stream.indirect_vreg.gather [hbm4b:s1+s16], $0x1, v4, vm0, $0x4038;
	[tilespmem:s28+$0x0] =	vst v5  }
0x56: {  	s2 =	sshrl.u32 s25, $0x3  }
0x57: {  	s0 =	sadd.s32 $0x9D40, s0;
	s2 =	sadd.s32 s9, s2  }
0x58: {  	[tilespmem:s0], [sflag:$0x8] =	stream.linear.gather [hbm:s2], $0x1F40, $0x38;
	[tilespmem:$0x11A60] =	vst v63  }
.LBB2_5:
0x59: {  	p1 =	slt.u32 s24, $0x2  }
0x5a: {  	p2 =	sge.u32 @!p1 s24, s12  }
0x5b: {  	p1 =	por p1, p2  }
.Ltmp4:
0x5c: {  	_ = 	snop;
	(pc) =	sbr.rel @p1 .LBB2_9-.Ltmp4, $1  }
0x5d: {  	_ =	sdelay $0x3  }
0x5e: {  	s0 =	sadd.s32 $0xFFFFFFFE, s24  }
0x5f: {  	s2 =	smulhi.u32 $0xAAAAAAAB, s0;
	_ =	sdelay $0x1  }
0x60: {  	s2 =	sshrl.u32 s2, $0x1  }
0x61: {  	s2 =	smul.u32 $0x3, s2;
	_ =	sdelay $0x1  }
0x62: {  	s0 =	ssub.s32 s0, s2  }
0x63: {  	_ =	swait.ge [sflag:s8], $0x3E80;
	s0 =	smul.u32 $0x1F40, s0  }
0x64: {  	p1 =	sne.s32 s24, s11;
	[sflag:s8] =	ssyncset.done $0x0  }
0x65: {  	[sflag:s8] =	ssyncadd.s32 $0xFFFFC180;
	s2 =	sadd.s32 @!p1 $0x203F, s0  }
0x66: {  	[spmem:s14] =	stream.linear.scatter @!p1 [tilespmem:s2], [sflag:$0x1], $0x1, $0x38;
	[tilespmem:$0x11A60] =	vst v63  }
0x67: {  	s2 =	simm.s32 @!p1 $0x1  }
0x68: {  	_ =	swait.ge @!p1 [sflag:s2], $0x1  }
0x69: {  	s22 =	sshll.u32 s24, $0x4;
	[sflag:s2] =	ssyncset.done @!p1 $0x0  }
0x6a: {  	s25 =	sand.u32 $0x10, s22;
	[sflag:s2] =	ssyncadd.s32 @!p1 $0xFFFFFFFF  }
0x6b: {  	s2 =	sxor.u32 $0x10, s25;
	v4 =	vld [tilespmem:s25+$0x10]  }
0x6c: {  	v5 =	vld [tilespmem:s2+$0x60]  }
0x6d: {  	v3 =	vld [tilespmem:$0x80];
	_ =	sdelay $0x2  }
0x6e: {  	(v2sf) =	vpush v4, $0x0  }
0x6f: {  	(v2sf) =	vpush v5, $0x0  }
0x70: {  	(v2sf) =	vpush v3, $0x0;
	_ =	sdelay $0xc  }
0x71: {  	s22 =	spop (v2sf)  }
0x72: {  	s26 =	spop (v2sf)  }
0x73: {  	s28 =	spop (v2sf)  }
0x74: {  	p2 =	seq.s32 s22, s26;
	p3 =	seq.s32 s28, s22  }
0x75: {  	p3 =	por p2, p3  }
0x76: {  	s26 =	sand.u32 $0x1, s24;
	v4 =	vpsel p3, $0xFFFFFFFF, v4  }
0x77: {  	s29 =	smul.u32 $0x1F40, s26;
	[tilespmem:s25+$0x10] =	vst.msk $0x1, v4  }
0x78: {  	v4 =	vld [tilespmem:$0x30]  }
0x79: {  	v5 =	vld [tilespmem:s29+$0x9D40]  }
0x7a: {  	v6 =	vld [tilespmem:s25+$0x40];
	_ =	sdelay $0x3  }
0x7b: {  	vm4 =	vmmov vm1;
	v5 =	vadd.f32 v5, v4  }
0x7c: {  	vm5 =	vmmov vm2;
	vm4 =	vmmov @p2 vm2;
	s22 =	sshll.u32 s26, $0x4;
	v4 =	vadd.f32 v6, v4  }
0x7d: {  	s26 =	sor.u32 $0x11A40, s22;
	vm5 =	vmmov @p3 vm1;
	[tilespmem:s29+$0x9D40] =	vst.msk vm4, v5  }
0x7e: {  	[tilespmem:s26+$0x0] =	vst.msk vm5, v4  }
0x7f: {  	v4 =	vld [tilespmem:s29+$0x7DF0];
	_ =	sdelay $0x3  }
0x80: {  	v5 =	vimm.f32 $0.0e+00  }
0x81: {  	v4 =	vshift.insert v4, v5, s21  }
0x82: {  	s22 =	sor.u32 $0x40, s2  }
0x83: {  	[tilespmem:s22+$0x0] =	vst.msk $0x1, v4  }
0x84: {  	[tilespmem:s29+$0x7DFF] =	vst.msk $0x1, v5  }
0x85: {  	v4 =	vld [tilespmem:s0+$0x2030];
	_ =	sdelay $0x1  }
0x86: {  	s22 =	smulhi.u32 $0xAAAAAAAB, s20;
	s0 =	simm.s32 $0x1  }
0x87: {  	s0 =	simm.s32 @!p0 $0x0  }
0x88: {  	s22 =	sshrl.u32 s22, $0x1;
	s0 =	smul.u32 $0x7D00, s0  }
0x89: {  	s22 =	smul.u32 $0xFFFE8900, s22;
	v4 =	vshift.insert v4, v1, s21  }
0x8a: {  	s0 =	sshrl.u32 s0, $0x2  }
0x8b: {  	s22 =	sshra.s32 s22, $0x2;
	s30 =	sadd.s32 $0x9D40, s0;
	[tilespmem:s2+$0x10] =	vst.msk $0x1, v4  }
0x8c: {  	s22 =	sadd.s32 s22, s19;
	v6 =	vld [tilespmem:s30+$0x0]  }
0x8d: {  	v7 =	vld [tilespmem:s22+$0x0];
	_ =	sdelay $0x3  }
0x8e: {  	v5 =	vadd.f32 v6, v5  }
0x8f: {  	vm4 =	vne.s32 v7, $0xFFFFFFFF  }
0x90: {  	(xrf2) =	vadd.seg.scan.f32 vm4, v5;
	_ =	sdelay $0x3  }
0x91: {  	s31 =	sadd.s32 $0x5EC0, s0;
	v5 =	vperm.xlane v4, v1  }
0x92: {  	v6 =	vld [tilespmem:s31+$0x0]  }
0x93: {  	vm5 =	veq.s32 v7, v3;
	vm6 =	veq.s32 v7, v5  }
0x94: {  	vm7 =	vgt.u32 v7, $0xFFFFFFFD;
	vm6 =	vmor vm6, vm5  }
0x95: {  	vm6 =	vmor vm6, vm7  }
0x96: {  	v9 =	vld [tilespmem:$0xA0];
	v7 =	vsel vm6, $0xFFFFFFFF, v7  }
0x97: {  	v10 =	vld [tilespmem:$0x90];
	v6 =	vsel vm5, $0x0, v6;
	v8, _, _ =	vpop (xrf2)  }
0x98: {  	v6 =	vadd.f32 v8, v6  }
0x99: {  	s0 =	sadd.s32 $0xDBC0, s0  }
0x9a: {  	vm4 =	vmand vm4, vm3;
	[tilespmem:s0+$0x0] =	vst v6;
	(ifvalue) =	ssetifvalue $0xFFFFFFFF  }
0x9b: {  	vm6 =	veq.s32 v9, $0x1;
	[hbm4b:s1+s16] =	stream.indirect_vreg.scatter [tilespmem:s0], [sflag:$0x2], $0x1, v7, vm0, $0x4038;
	v7 =	vsel vm4, $0x0, v8;
	[tilespmem:$0x11A60] =	vst v63  }
0x9c: {  	s2 =	simm.s32 $0x0;
	s22 =	sadd.s32 $0x10, s22;
	vm4 =	vmor vm6, vm5;
	v6 =	vsel vm5, v8, v10;
	v7 =	vshift.insert v7, v0, s21  }
.LBB2_7:
0x9d: {  	v8 =	vld [tilespmem:s22+$0x0];
	s30 =	sadd.s32 $0x10, s30  }
0x9e: {  	s31 =	sadd.s32 $0x10, s31;
	v9 =	vld [tilespmem:s30+$0x0]  }
0x9f: {  	s2 =	sadd.s32 $0x10, s2;
	v10 =	vld [tilespmem:s31+$0x0]  }
0xa0: {  	p2 =	slt.u32 s2, $0x1F30;
	_ =	sdelay $0x2  }
0xa1: {  	v7 =	vadd.f32 v9, v7  }
0xa2: {  	vm5 =	vne.s32 v8, $0xFFFFFFFF  }
0xa3: {  	vm6 =	vmand vm5, vm3;
	(xrf2) =	vadd.seg.scan.f32 vm5, v7;
	_ =	sdelay $0x5  }
0xa4: {  	vm7 =	veq.s32 v8, v5;
	vm5 =	veq.s32 v8, v3  }
0xa5: {  	vm8 =	vgt.u32 v8, $0xFFFFFFFD;
	vm4 =	vmor vm4, vm5;
	vm7 =	vmor vm7, vm5  }
0xa6: {  	vm7 =	vmor vm7, vm8  }
0xa7: {  	v8 =	vsel vm7, $0xFFFFFFFF, v8  }
.Ltmp5:
0xa8: {  	v7 =	vsel vm5, $0x0, v10;
	v9, _, _ =	vpop (xrf2);
	(pc) =	sbr.rel @p2 .LBB2_7-.Ltmp5, $4  }
0xa9: {  	v6 =	vsel vm5, v9, v6;
	v10 =	vadd.f32 v9, v7;
	v7 =	vsel vm6, $0x0, v9  }
0xaa: {  	s0 =	sadd.s32 $0x10, s0;
	v7 =	vshift.insert v7, v0, s21  }
0xab: {  	s22 =	sadd.s32 $0x10, s22;
	[tilespmem:s0+$0x0] =	vst v10;
	(ifvalue) =	ssetifvalue $0xFFFFFFFF  }
0xac: {  	[hbm4b:s1+s16] =	stream.indirect_vreg.scatter [tilespmem:s0], [sflag:$0x2], $0x1, v8, vm0, $0x4038;
	[tilespmem:$0x11A60] =	vst v63  }
0xad: {  	v3 =	vld [tilespmem:s29+$0xFAF0];
	_ =	sdelay $0x4  }
0xae: {  	v3 =	vshift.insert v3, v0, s21  }
0xaf: {  	s0 =	simm.s32 $0x30  }
0xb0: {  	[tilespmem:s0+$0x0] =	vst.msk $0x1, v3  }
0xb1: {  	v3 =	vsel vm4, $0x1, v1;
	[tilespmem:$0x90] =	vst v6  }
0xb2: {  	s0 =	sadd.s32 @!p1 $0xFAFF, s29;
	[tilespmem:$0xA0] =	vst v3  }
0xb3: {  	[spmem:s15] =	stream.linear.scatter @!p1 [tilespmem:s0], [sflag:$0x1], $0x1, $0x38;
	[tilespmem:$0x11A60] =	vst v63  }
0xb4: {  	s0 =	simm.s32 @!p1 $0x1  }
0xb5: {  	v3 =	vmctz.xlane @!p1 vm4;
	_ =	swait.ge @!p1 [sflag:s0], $0x1  }
0xb6: {  	(v2sf) =	vpush @!p1 v4, $0x0  }
0xb7: {  	(v2sf) =	vpush @!p1 v3, $0x0;
	_ =	sdelay $0xd  }
0xb8: {  	s2 =	spop @!p1 (v2sf)  }
0xb9: {  	s22 =	spop @!p1 (v2sf)  }
0xba: {  	p2 =	sne.s32 @!p1 s28, s2;
	p3 =	slt.s32 @!p1 s22, $0xF  }
0xbb: {  	[sflag:s0] =	ssyncset.done @!p1 $0x0;
	p2 =	por p2, p1;
	p3 =	por !p3, p1  }
0xbc: {  	[sflag:s0] =	ssyncadd.s32 @!p1 $0xFFFFFFFF;
	v3 =	vimm.s32 @!p2 $0xFFFFFFFF;
	s22 =	simm.s32 @p3 $0xF  }
0xbd: {  	[tilespmem:$0x80] =	vst @!p2 v3;
	s2 =	sadd.s32 @!p1 $0x90, s22  }
0xbe: {  	[spmem:s3] =	stream.linear.scatter @!p1 [tilespmem:s2], [sflag:$0x1], $0x1, $0x38;
	[tilespmem:$0x11A60] =	vst v63  }
0xbf: {  	_ =	swait.ge @!p1 [sflag:s0], $0x1  }
0xc0: {  	[sflag:s0] =	ssyncset.done @!p1 $0x0  }
0xc1: {  	s2 =	simm.s32 @!p1 $0x80;
	[sflag:s0] =	ssyncadd.s32 @!p1 $0xFFFFFFFF  }
0xc2: {  	[spmem:s13] =	stream.linear.scatter @!p1 [tilespmem:s2], [sflag:$0x1], $0x1, $0x38;
	[tilespmem:$0x11A60] =	vst v63  }
0xc3: {  	_ =	swait.ge @!p1 [sflag:s0], $0x1  }
0xc4: {  	[sflag:s0] =	ssyncset.done @!p1 $0x0  }
0xc5: {  	[sflag:s0] =	ssyncadd.s32 @!p1 $0xFFFFFFFF;
	(ifvalue) =	ssetifvalue $0xFFFFFFFF;
	v3 =	vld [tilespmem:s25+$0x10];
	_ =	sdelay $0x3  }
.Ltmp6:
0xc6: {  	_ = 	snop;
	(pc) =	sbr.rel .LBB2_9-.Ltmp6, $3  }
0xc7: {  	_ =	sdelay $0x1  }
0xc8: {  	(ifvalue) =	ssetifvalue $0xFFFFFFFF  }
0xc9: {  	[hbm4b:s1+s16] =	stream.indirect_vreg.scatter [tilespmem:s26], [sflag:$0x9], $0x1, v3, vm0, $0x4038;
	[tilespmem:$0x11A60] =	vst v63  }
.LBB2_10:
0xca: {  	_ =	sfence.sel $0x180000  }
0xcb: {  	s0 =	simm.s32 $0x7;
	[bflag:$0x0] =	sbarrier.arrive $0xFFFF  }
0xcc: {  	s26 =	simm.s32 $0x8;
	[sflag:s0] =	ssyncpa.u1 $0x1  }
0xcd: {  	s28 =	simm.s32 $0x9;
	[sflag:s26] =	ssyncpa.u1 $0x1  }
0xce: {  	[sflag:s28] =	ssyncpa.u1 $0x1  }
0xcf: {  	_ =	sfence.stream.spmem  }
0xd0: {  	s29 =	simm.s32 $0x3;
	[bflag:$0x0] =	sbarrier.arrive $0xFFFF  }
0xd1: {  	s30 =	simm.s32 $0x4;
	[sflag:s29] =	ssyncpa.u1 $0x1  }
0xd2: {  	s31 =	simm.s32 $0x3C;
	s2 =	stileid.u32;
	[sflag:s30] =	ssyncpa.u1 $0x1  }
0xd3: {  	p0 =	sne.s32 s2, $0x0;
	[sflag:s31] =	ssyncpa.u1 $0x1  }
0xd4: {  	s0 =	simm.s32 @p0 $0x1;
	_ =	sfence @p0  }
0xd5: {  	[sflag:s0] =	ssyncpa.u1 @p0 $0x1;
	s0 =	simm.s32 @p0 $0x2  }
0xd6: {  	[sflag:s0] =	ssyncpa.u1 @p0 $0x1  }
0xd7: {  	_ =	strace @p0 $0x90000047  }
0xd8: {  	[bflag:$0x2] =	sbarrier.arrive @p0 $0xFFFF  }
0xd9: {  	_ =	shalt @p0  }
.LBB2_11:
0xda: {  	_ =	sfence.stream.spmem;
	s0 =	simm.s32 $0x5  }
0xdb: {  	s2 =	simm.s32 $0x80;
	s3 =	simm.s32 $0xC0;
	[sflag:s0] =	ssyncpa.u1 $0x0  }
0xdc: {  	[tilespmem:s3], [sflag:$0x5] =	stream.linear.gather [spmem:s2], $0x20, $0x38;
	[tilespmem:$0x11A60] =	vst v63  }
0xdd: {  	s2 =	simm.s32 $0x0;
	s3 =	simm.s32 $0xE0  }
0xde: {  	[tilespmem:s3], [sflag:$0x5] =	stream.linear.gather [spmem:s2], $0x20, $0x38;
	[tilespmem:$0x11A60] =	vst v63  }
.Ltmp7:
0xdf: {  	_ = 	snop;
	(pc) =	sbr.rel .LBB2_12-.Ltmp7, $4  }
0xe0: {  	_ =	swait.ge [sflag:s0], $0x40  }
0xe1: {  	[sflag:s0] =	ssyncset.done $0x0  }
0xe2: {  	s31 =	simm.s32 $0x6;
	[sflag:s0] =	ssyncadd.s32 $0xFFFFFFC0  }
0xe3: {  	s4 =	simm.s32 $0x0;
	[sflag:s31] =	ssyncpa.u1 $0x0  }
.LBB2_17:
0xe4: {  	p0 =	sgt.u32 s5, $0x27FF  }
0xe5: {  	s0 =	sshrl.u32 @!p0 s5, $0x3  }
0xe6: {  	s5 =	sand.u32 @!p0 $0x7, s5;
	s6 =	simm.s32 @!p0 $0xB0;
	s0 =	sadd.s32 @!p0 s1, s0  }
0xe7: {  	[tilespmem:s6], [sflag:$0x6] =	stream.linear.gather @!p0 [hbm4b:s0+s5], $0x1, $0x38;
	[tilespmem:$0x11A60] =	vst v63  }
0xe8: {  	s0 =	simm.s32 @!p0 $0x6  }
0xe9: {  	_ =	swait.ge @!p0 [sflag:s0], $0x1  }
0xea: {  	[sflag:s0] =	ssyncset.done @!p0 $0x0  }
0xeb: {  	[sflag:s0] =	ssyncadd.s32 @!p0 $0xFFFFFFFF  }
0xec: {  	v2 =	vmov @!p0 s4;
	v1 =	vld.msk @!p0 [tilespmem:$0xB0], $0x1;
	_ =	sdelay $0x3  }
0xed: {  	s0 =	simm.s32 @!p0 $0xE0  }
0xee: {  	[tilespmem:v2+s0+$0x0], v1 =	vst.idx.ret.add.f32.msk @!p0 $0x1, v1  }
0xef: {  	[tilespmem:s2+$0xC0] =	vst.msk $0x1, v0  }
0xf0: {  	v0 =	vld.msk [tilespmem:s4+$0xE0], $0x1;
	_ =	sdelay $0x4  }
0xf1: {  	[tilespmem:s2+$0xE0] =	vst.msk $0x1, v0;
	s2 =	sadd.s32 $0x1, s2  }
.LBB2_19:
0xf2: {  	s4 =	sadd.s32 $0x1, s4  }
0xf3: {  	p0 =	sne.s32 s4, $0x20  }
.Ltmp8:
0xf4: {  	_ = 	snop;
	(pc) =	sbr.rel @!p0 .LBB2_20-.Ltmp8, $1  }
0xf5: {  	_ =	sdelay $0x3  }
.LBB2_12:
0xf6: {  	v0 =	vld.msk [tilespmem:s4+$0xC0], $0x1;
	_ =	sdelay $0x4  }
0xf7: {  	(v2sf) =	vpush v0, $0x0;
	_ =	sdelay $0xe  }
0xf8: {  	s5 =	spop (v2sf)  }
0xf9: {  	p0 =	seq.s32 s5, $0xFFFFFFFF  }
.Ltmp9:
0xfa: {  	_ = 	snop;
	(pc) =	sbr.rel @p0 .LBB2_19-.Ltmp9, $1  }
0xfb: {  	_ =	sdelay $0x3  }
0xfc: {  	p0 =	slt.s32 s2, $0x1  }
.Ltmp10:
0xfd: {  	_ = 	snop;
	(pc) =	sbr.rel @p0 .LBB2_17-.Ltmp10, $1  }
0xfe: {  	_ =	sdelay $0x3  }
0xff: {  	s0 =	simm.s32 $0xC0;
	p0 =	por $0x0, $0x0  }
0x100: {  	v1 =	vld.msk @!p0 [tilespmem:s0+$0x0], $0x1;
	_ =	sdelay $0x4  }
0x101: {  	(v2sf) =	vpush @!p0 v1, $0x0;
	_ =	sdelay $0xd  }
0x102: {  	p2 =	sne.s32 s2, $0x1  }
.Ltmp11:
0x103: {  	s6 =	spop @!p0 (v2sf);
	(pc) =	sbr.rel @!p2 .LBB2_16-.Ltmp11, $4  }
0x104: {  	p1 =	seq.s32 @!p0 s5, s6  }
0x105: {  	s6 =	simm.s32 $0x0;
	p1 =	por !p1, p0  }
0x106: {  	s8 =	simm.s32 $0xFFFFFFFF;
	s6 =	simm.s32 @p1 $0xFFFFFFFF  }
0x107: {  	s7 =	simm.s32 $0x1;
	s6 =	smov.u32 @p0 s8  }
.LBB2_15:
0x108: {  	s8 =	smov.u32 s6;
	p0 =	sne.s32 s6, $0xFFFFFFFF  }
0x109: {  	s0 =	sadd.s32 $0x1, s0;
	s6 =	smov.u32 s7;
	s7 =	sadd.s32 $0x1, s7  }
0x10a: {  	p1 =	sne.s32 s2, s7;
	v1 =	vld.msk @!p0 [tilespmem:s0+$0x0], $0x1;
	_ =	sdelay $0x4  }
0x10b: {  	(v2sf) =	vpush @!p0 v1, $0x0;
	_ =	sdelay $0xe  }
.Ltmp12:
0x10c: {  	s9 =	spop @!p0 (v2sf);
	(pc) =	sbr.rel @p1 .LBB2_15-.Ltmp12, $4  }
0x10d: {  	p2 =	seq.s32 @!p0 s5, s9  }
0x10e: {  	p2 =	por !p2, p0  }
0x10f: {  	s6 =	simm.s32 @p2 $0xFFFFFFFF  }
0x110: {  	s6 =	smov.u32 @p0 s8  }
.LBB2_16:
0x111: {  	p0 =	sne.s32 s6, $0xFFFFFFFF  }
.Ltmp13:
0x112: {  	_ = 	snop;
	(pc) =	sbr.rel @!p0 .LBB2_17-.Ltmp13, $1  }
0x113: {  	_ =	sdelay $0x3  }
0x114: {  	v0 =	vld.msk [tilespmem:s4+$0xE0], $0x1;
	v1 =	vmov s6  }
.Ltmp14:
0x115: {  	_ = 	snop;
	(pc) =	sbr.rel .LBB2_19-.Ltmp14, $2  }
0x116: {  	_ =	sdelay $0x2  }
0x117: {  	[tilespmem:v1+s3+$0x0], v0 =	vst.idx.ret.add.f32.msk $0x1, v0  }
.LBB2_20:
0x118: {  	p0 =	slt.s32 s2, $0x1  }
.Ltmp15:
0x119: {  	_ = 	snop;
	(pc) =	sbr.rel @p0 .LBB2_24-.Ltmp15, $3  }
0x11a: {  	_ =	sdelay $0x1  }
0x11b: {  	s0 =	simm.s32 $0x6  }
0x11c: {  	s3 =	simm.s32 $0x0;
	[sflag:s0] =	ssyncpa.u1 $0x1  }
0x11d: {  	s0 =	simm.s32 $0xC0  }
0x11e: {  	v0 =	vld.msk [tilespmem:s0+$0x0], $0x1;
	_ =	sdelay $0x4  }
0x11f: {  	(v2sf) =	vpush v0, $0x0;
	_ =	sdelay $0xe  }
0x120: {  	s2 =	sadd.s32 $0xFFFFFFFF, s2;
	s4 =	spop (v2sf)  }
0x121: {  	p1 =	sne.s32 s2, $0x0;
	p0 =	sgt.u32 s4, $0x27FF  }
.Ltmp16:
0x122: {  	s5 =	sshrl.u32 @!p0 s4, $0x3;
	(pc) =	sbr.rel @!p1 .LBB2_23-.Ltmp16, $4  }
0x123: {  	s0 =	simm.s32 $0xE0;
	s4 =	sand.u32 @!p0 $0x7, s4;
	s5 =	sadd.s32 @!p0 s1, s5  }
0x124: {  	[hbm4b:s5+s4] =	stream.linear.scatter @!p0 [tilespmem:s0], [sflag:$0x5], $0x1, $0x38;
	[tilespmem:$0x11A60] =	vst v63  }
0x125: {  	s5 =	simm.s32 $0x0  }
0x126: {  	s4 =	simm.s32 $0xC1;
	s5 =	simm.s32 @!p0 $0x4  }
.LBB2_22:
0x127: {  	v0 =	vld.msk [tilespmem:s4+$0x0], $0x1;
	s2 =	sadd.s32 $0xFFFFFFFF, s2;
	s3 =	sadd.s32 s3, s5  }
0x128: {  	p0 =	sne.s32 s2, $0x0;
	_ =	sdelay $0x3  }
0x129: {  	(v2sf) =	vpush v0, $0x0;
	_ =	sdelay $0xe  }
.Ltmp17:
0x12a: {  	s6 =	spop (v2sf);
	(pc) =	sbr.rel @p0 .LBB2_22-.Ltmp17, $4  }
0x12b: {  	s5 =	simm.s32 $0x0;
	p1 =	sgt.u32 s6, $0x27FF  }
0x12c: {  	s0 =	sadd.s32 $0x1, s0;
	s5 =	simm.s32 @!p1 $0x4;
	s7 =	sshrl.u32 @!p1 s6, $0x3  }
0x12d: {  	s4 =	sadd.s32 $0x1, s4;
	s6 =	sand.u32 @!p1 $0x7, s6;
	s7 =	sadd.s32 @!p1 s1, s7  }
0x12e: {  	[hbm4b:s7+s6] =	stream.linear.scatter @!p1 [tilespmem:s0], [sflag:$0x5], $0x1, $0x38;
	[tilespmem:$0x11A60] =	vst v63  }
.LBB2_23:
0x12f: {  	s0 =	sadd.s32 s3, s5  }
0x130: {  	s3 =	sshrl.u32 s0, $0x2  }
.LBB2_24:
0x131: {  	s0 =	simm.s32 $0x5  }
0x132: {  	_ =	swait.ge [sflag:s0], s3  }
0x133: {  	s1 =	ssub.s32 $0x0, s3;
	[sflag:s0] =	ssyncset.done $0x0  }
0x134: {  	[sflag:s0] =	ssyncadd.s32 s1  }
0x135: {  	[sflag:s0] =	ssyncpa.u1 $0x1  }
0x136: {  	s29 =	simm.s32 $0x1;
	_ =	sfence  }
0x137: {  	s30 =	simm.s32 $0x2;
	[sflag:s29] =	ssyncpa.u1 $0x1  }
0x138: {  	[sflag:s30] =	ssyncpa.u1 $0x1  }
0x139: {  	_ =	strace $0x90000047  }
0x13a: {  	[bflag:$0x2] =	sbarrier.arrive $0xFFFF  }
0x13b: {  	s31 =	rddreg [dreg:$0x1]  }
0x13c: {  	s0 =	sadd.s32 $0x100000, s31  }
0x13d: {  	[sflag:s0] =	ssyncadd.tile.s32 $0x1;
	_ =	shalt  }
.Lfunc_end2:
_tile_overlayer_lowered:
.L_overlay_start_2:
0x13e: {  	(tag) =	ssettag $0x2  }
0x13f: {  	s0 =	rddreg [dreg:$0x0];
	s2 =	stileid.u32  }
0x140: {  	s1 =	rddreg [dreg:$0x1];
	p0 =	sne.s32 s2, $0x0  }
0x141: {  	s3 =	rddreg [dreg:$0x2];
	[bflag:$0x3] =	sbarrier.arrive $0xFFFF;
	s2 =	simm.s32 @!p0 $0x1C01  }
0x142: {  	[timem:s3], [sflag:s2] =	dma.local @!p0 [hbm:s0], s1  }
0x143: {  	s0 =	simm.s32 @!p0 $0x1  }
0x144: {  	_ =	swait.ge @!p0 [sflag:s0], s1  }
0x145: {  	s1 =	ssub.s32 @!p0 $0x0, s1;
	[sflag:s0] =	ssyncset.done @!p0 $0x0  }
0x146: {  	[sflag:s0] =	ssyncadd.s32 @!p0 s1  }
0x147: {  	[bflag:$0x3] =	sbarrier.arrive $0xFFFF  }
0x148: {  	_ =	shalt  }

// kernel: scatter_offload_async_start.2
scs
__scs_entry_jumppad:
0x0: {  	(pc) =	sbr.rel $0x88, $3  }
0x1: {  	(tag) =	ssettag $0x0;
	lr =	simm.s32 $0x1  }
0x2: {  	[smem:$0x3F8B] =	sst lr;
	_ =	strace $0xD0000000  }
0x3: {  	_ = 	snop  }
0x4: {  	_ = 	snop  }
0x5: {  	_ = 	snop  }
0x6: {  	_ = 	snop  }
0x7: {  	_ = 	snop  }
__scs_overlays_trampoline_lowered:
0x8: {  	[smem:$0x3F9A] =	sst s0  }
0x9: {  	[smem:$0x3F9B] =	sst s1  }
0xa: {  	[smem:$0x3F9C] =	sst s2  }
0xb: {  	[smem:$0x3F9D] =	sst s3  }
0xc: {  	[smem:$0x3F9E] =	sst s4  }
0xd: {  	[smem:$0x3F9F] =	sst s5  }
0xe: {  	[smem:$0x3FA0] =	sst s6  }
0xf: {  	[smem:$0x3FA1] =	sst s7  }
0x10: {  	[smem:$0x3FA2] =	sst s8  }
0x11: {  	[smem:$0x3FA3] =	sst s9;
	s0 =	simm.s32 @!p0 $0x0  }
0x12: {  	s1 =	sld [smem:$0x3F89];
	s0 =	simm.s32 @p0 $0x1  }
0x13: {  	[smem:$0x3FA4] =	sst s0;
	s0 =	simm.s32 @!p1 $0x0  }
0x14: {  	s2 =	sld [smem:$0x3F88];
	s0 =	simm.s32 @p1 $0x1  }
0x15: {  	[smem:$0x3FA5] =	sst s0;
	s0 =	simm.s32 @!p2 $0x0  }
0x16: {  	s3 =	sld [smem:$0x3FDB];
	s0 =	simm.s32 @p2 $0x1  }
0x17: {  	s4 =	simm.s32 $0x1BF5;
	[smem:$0x3FA7] =	sst s0  }
0x18: {  	s0 =	sld [smem:$0x3F8A];
	_ =	swait.ge [sflag:s4], $0x0  }
0x19: {  	s7 =	sld [smem:$0x3F8B]  }
0x1a: {  	s8 =	sadd.s32 $0xFFFFE003, lr  }
0x1b: {  	s9 =	sadd.s32 $0xFFFFFEF7, lr;
	s5 =	simm.s32 $0xFFFFFFFF;
	p2 =	slt.u32 s8, $0xFFFFF086  }
0x1c: {  	p1 =	slt.u32 s9, $0xF7A;
	s5 =	simm.s32 @!p2 $0x0  }
0x1d: {  	s5 =	simm.s32 @p1 $0x1;
	p0 =	seq.s32 s7, s2  }
0x1e: {  	s7 =	smul.u32 @!p0 $0xF7A, s2;
	p2 =	seq.s32 @!p0 s5, $0x0  }
0x1f: {  	s9 =	smul.u32 $0xF7A, s1;
	s8 =	simm.s32 @!p0 $0x1BF5;
	p2 =	por !p2, p0  }
0x20: {  	[sflag:s8] =	ssyncset.s32 @!p0 $0xFFFFF086;
	s6 =	sadd.s32 @!p0 s3, s7;
	s7 =	simm.s32 @!p0 $0x108  }
0x21: {  	s3 =	sadd.s32 s3, s9;
	s6 =	sadd.s32 @!p0 $0x88, s6;
	s7 =	simm.s32 @p2 $0x1082  }
0x22: {  	[simem:s7], [sflag:s8] =	dma.local @!p0 [hbm:s6], $0xF7A  }
0x23: {  	s9 =	sor.u32 $0xD0000000, s2;
	s6 =	simm.s32 $0x108;
	_ =	swait.ge @!p0 [sflag:s8], $0x0  }
0x24: {  	s3 =	sadd.s32 $0x88, s3;
	s6 =	simm.s32 @!p1 $0x1082;
	[sflag:s4] =	ssyncset.s32 $0xFFFFF086  }
0x25: {  	[simem:s6], [sflag:s4] =	dma.local [hbm:s3], $0xF7A  }
0x26: {  	[smem:$0x3F8B] =	sst s1;
	(tag) =	ssettag s2;
	_ =	strace s9  }
0x27: {  	s1 =	sld [smem:$0x3F9B]  }
0x28: {  	s2 =	sld [smem:$0x3F9C]  }
0x29: {  	s4 =	sld [smem:$0x3F9E]  }
0x2a: {  	p0 =	seq.s32 s5, $0x0;
	s5 =	sld [smem:$0x3F9F]  }
0x2b: {  	s6 =	sld [smem:$0x3FA0]  }
0x2c: {  	s7 =	sld [smem:$0x3FA1]  }
0x2d: {  	s3 =	simm.s32 $0x108;
	s8 =	sld [smem:$0x3FA2]  }
0x2e: {  	s3 =	simm.s32 @!p0 $0x1082;
	s9 =	sld [smem:$0x3FA3]  }
0x2f: {  	lr =	sadd.s32 s0, s3;
	s0 =	sld [smem:$0x3F9A]  }
0x30: {  	s3 =	sld [smem:$0x3F9D]  }
0x31: {  	[smem:$0x3FA6] =	sst s10  }
0x32: {  	s10 =	sld [smem:$0x3FA4];
	_ =	sdelay $0x3  }
0x33: {  	p0 =	seq.s32 s10, $0x1;
	s10 =	sld [smem:$0x3FA6];
	_ =	sdelay $0x3  }
0x34: {  	[smem:$0x3FA6] =	sst s10  }
0x35: {  	s10 =	sld [smem:$0x3FA5];
	_ =	sdelay $0x3  }
0x36: {  	p1 =	seq.s32 s10, $0x1;
	s10 =	sld [smem:$0x3FA6];
	_ =	sdelay $0x3  }
0x37: {  	[smem:$0x3FA6] =	sst s10  }
0x38: {  	s10 =	sld [smem:$0x3FA7]  }
0x39: {  	_ = 	snop;
	(pc) =	sbr.ind lr, $3  }
0x3a: {  	_ = 	snop  }
0x3b: {  	_ = 	snop  }
0x3c: {  	p2 =	seq.s32 s10, $0x1;
	s10 =	sld [smem:$0x3FA6]  }
0x3d: {  	_ =	shalt  }
0x3e: {  	_ =	shalt  }
0x3f: {  	_ =	shalt  }
0x40: {  	_ =	shalt  }
0x41: {  	_ =	shalt  }
0x42: {  	_ =	shalt  }
0x43: {  	_ =	shalt  }
0x44: {  	_ =	shalt  }
0x45: {  	_ =	shalt  }
0x46: {  	_ =	shalt  }
0x47: {  	_ =	shalt  }
0x48: {  	_ =	shalt  }
0x49: {  	_ =	shalt  }
0x4a: {  	_ =	shalt  }
0x4b: {  	_ =	shalt  }
0x4c: {  	_ =	shalt  }
0x4d: {  	_ =	shalt  }
0x4e: {  	_ =	shalt  }
0x4f: {  	_ =	shalt  }
0x50: {  	_ =	shalt  }
0x51: {  	_ =	shalt  }
0x52: {  	_ =	shalt  }
0x53: {  	_ =	shalt  }
0x54: {  	_ =	shalt  }
0x55: {  	_ =	shalt  }
0x56: {  	_ =	shalt  }
0x57: {  	_ =	shalt  }
0x58: {  	_ =	shalt  }
0x59: {  	_ =	shalt  }
0x5a: {  	_ =	shalt  }
0x5b: {  	_ =	shalt  }
0x5c: {  	_ =	shalt  }
0x5d: {  	_ =	shalt  }
0x5e: {  	_ =	shalt  }
0x5f: {  	_ =	shalt  }
0x60: {  	_ =	shalt  }
0x61: {  	_ =	shalt  }
0x62: {  	_ =	shalt  }
0x63: {  	_ =	shalt  }
0x64: {  	_ =	shalt  }
0x65: {  	_ =	shalt  }
0x66: {  	_ =	shalt  }
0x67: {  	_ =	shalt  }
0x68: {  	_ =	shalt  }
0x69: {  	_ =	shalt  }
0x6a: {  	_ =	shalt  }
0x6b: {  	_ =	shalt  }
0x6c: {  	_ =	shalt  }
0x6d: {  	_ =	shalt  }
0x6e: {  	_ =	shalt  }
0x6f: {  	_ =	shalt  }
0x70: {  	_ =	shalt  }
0x71: {  	_ =	shalt  }
0x72: {  	_ =	shalt  }
0x73: {  	_ =	shalt  }
0x74: {  	_ =	shalt  }
0x75: {  	_ =	shalt  }
0x76: {  	_ =	shalt  }
0x77: {  	_ =	shalt  }
0x78: {  	_ =	shalt  }
0x79: {  	_ =	shalt  }
0x7a: {  	_ =	shalt  }
0x7b: {  	_ =	shalt  }
0x7c: {  	_ =	shalt  }
0x7d: {  	_ =	shalt  }
0x7e: {  	_ =	shalt  }
0x7f: {  	_ =	shalt  }
0x80: {  	_ =	shalt  }
0x81: {  	_ =	shalt  }
0x82: {  	_ =	shalt  }
0x83: {  	_ =	shalt  }
0x84: {  	_ =	shalt  }
0x85: {  	_ =	shalt  }
0x86: {  	_ =	shalt  }
0x87: {  	_ =	shalt  }
.Lfunc_end0:
.L_simem_size_0:
called_computation.2_lowered:
.L_overlay_start_0:
0x88: {  	s2 =	sld [smem:$0x3FD9]  }
0x89: {  	s3 =	sld [smem:$0x3FFE];
	_ =	sdelay $0x1  }
0x8a: {  	s1 =	srdreg.scid  }
0x8b: {  	s0 =	sand.u32 $0x1, s1  }
0x8c: {  	s15 =	sshll.u32 s0, $0xA;
	s2 =	sadd.s32 s3, s2  }
0x8d: {  	s2 =	sadd.s32 s2, s15  }
0x8e: {  	[smem:$0x3FB2] =	sst s2  }
0x8f: {  	_ = 	snop  }
0x90: {  	(tm) =	ssettm $0x1  }
0x91: {  	s16 =	sld [smem:$0x3FFB];
	_ =	sdelay $0x3  }
0x92: {  	_ =	strace s16  }
0x93: {  	s2 =	sld [smem:$0x3FFC];
	_ =	sdelay $0x3  }
0x94: {  	_ =	strace s2  }
0x95: {  	s2 =	sld [smem:$0x3FFD];
	_ =	sdelay $0x3  }
0x96: {  	_ =	strace s2  }
0x97: {  	_ =	strace $0x8FFFFFFF  }
0x98: {  	s17 =	sld [smem:$0x3FDB];
	_ =	sdelay $0x1  }
0x99: {  	s18 =	simm.s32 $_scs_section_size  }
0x9a: {  	s4 =	simm.s32 $_size__tile_overlayer_lowered;
	s5 =	simm.s32 $_tile_overlayer_lowered  }
0x9b: {  	s6 =	simm.s32 $0x1BFF;
	s19 =	sshll.u32 s5, $0x1;
	s3 =	sadd.s32 s18, s17  }
0x9c: {  	s20 =	simm.s32 $0x0;
	s4 =	sshll.u32 s4, $0x1;
	s5 =	sadd.s32 s19, s3  }
0x9d: {  	[timem:s20], [sflag:s6] =	dma.local [hbm:s5], s4  }
0x9e: {  	_ =	swait.ge [sflag:s6], s4  }
0x9f: {  	s4 =	ssub.s32 $0x0, s4;
	[sflag:s6] =	ssyncset.done $0x0  }
0xa0: {  	[sflag:s6] =	ssyncadd.s32 s4;
	_ =	sdelay $0x1  }
0xa1: {  	s21 =	simm.s32 $0x1B8B  }
0xa2: {  	_ =	swait.ge [sflag:s21], $0x1  }
0xa3: {  	[sflag:s21] =	ssyncset.done $0x0  }
0xa4: {  	s22 =	sld [smem:$0x3FFE];
	[sflag:s21] =	ssyncadd.s32 $0xFFFFFFFF  }
0xa5: {  	s24 =	simm.s32 $0x1B8E;
	s23 =	sld [smem:$0x0]  }
0xa6: {  	s25 =	simm.s32 $execute0_lowered;
	[smem:$0x3FD2] =	sst s24  }
0xa7: {  	s6 =	sshll.u32 s25, $0x1;
	_ =	strace $0x8000004F;
	[dreg:$0x1] =	wrdreg $0xFFFFFFFF  }
0xa8: {  	s7 =	simm.s32 $_size_execute0_lowered;
	s6 =	sadd.s32 s3, s6;
	[dreg:$0x0] =	wrdreg $0x0  }
0xa9: {  	s7 =	sshll.u32 s7, $0x1;
	[dreg:$0x2] =	wrdreg s6  }
0xaa: {  	[dreg:$0x3] =	wrdreg s7  }
0xab: {  	[dreg:$0x4] =	wrdreg $0xC0  }
0xac: {  	s26 =	simm.s32 $execute1_lowered;
	_ =	task [dreg:s20], $0x5FFFF  }
0xad: {  	s6 =	sshll.u32 s26, $0x1;
	[dreg:$0x1] =	wrdreg $0xFFFFFFFF  }
0xae: {  	s3 =	sadd.s32 s3, s6;
	[dreg:$0x0] =	wrdreg $0x60  }
0xaf: {  	[dreg:$0x2] =	wrdreg s3  }
0xb0: {  	[dreg:$0x3] =	wrdreg s22  }
0xb1: {  	[dreg:$0x4] =	wrdreg $0x9  }
0xb2: {  	_ =	task.clear_ibuf [dreg:s20], $0x5FFFF;
	_ =	strace $0x9000004F  }
0xb3: {  	s28 =	simm.s32 $0x9;
	_ =	strace $0x80000051  }
0xb4: {  	_ =	swait.ge [sflag:s28], $0x1  }
0xb5: {  	[sflag:s28] =	ssyncadd.s32 $0xFFFFFFFF  }
0xb6: {  	_ =	strace $0x90000051  }
0xb7: {  	s3 =	sld [smem:$0x0]  }
0xb8: {  	s6 =	sand.u32 $0xFFFFFFFE, s1  }
0xb9: {  	p0 =	sne.s32 s1, s6  }
0xba: {  	s6 =	sshll.u32 @p0 s6, $0xE  }
0xbb: {  	s6 =	sadd.s32 @p0 $0x11BF3, s6;
	s7 =	sshll.u32 @p0 s3, $0x11  }
0xbc: {  	s6 =	sor.u32 @p0 s7, s6  }
0xbd: {  	[sflag:s6] =	ssyncadd.remote.s32 @p0 $0x1;
	_ =	sdelay $0x1  }
0xbe: {  	s6 =	simm.s32 @p0 $0x1BF3  }
0xbf: {  	_ =	swait.eq @p0 [sflag:s6], $0x1  }
0xc0: {  	[sflag:s6] =	ssyncadd.s32 @p0 $0xFFFFFFFF  }
0xc1: {  	s7 =	sshll.u32 @!p0 s1, $0xE  }
0xc2: {  	s7 =	sor.u32 @!p0 $0x4000, s7;
	s6 =	simm.s32 @!p0 $0x1BF3  }
0xc3: {  	s3 =	sshll.u32 @!p0 s3, $0x11;
	s7 =	sadd.s32 @!p0 $0x11BF3, s7;
	_ =	swait.eq @!p0 [sflag:s6], $0x1  }
0xc4: {  	s3 =	sor.u32 @!p0 s3, s7;
	[sflag:s6] =	ssyncadd.s32 @!p0 $0xFFFFFFFF  }
0xc5: {  	[sflag:s3] =	ssyncadd.remote.s32 @!p0 $0x1  }
0xc6: {  	_ =	strace $0x80000052;
	[dreg:$0x1] =	wrdreg $0xFFFFFFFF  }
0xc7: {  	[dreg:$0x0] =	wrdreg $0x2030  }
0xc8: {  	[dreg:$0x2] =	wrdreg s22  }
0xc9: {  	[dreg:$0x3] =	wrdreg s1  }
0xca: {  	[dreg:$0x4] =	wrdreg s23  }
0xcb: {  	[dreg:$0x5] =	wrdreg $0xA  }
0xcc: {  	_ =	task.clear_ibuf [dreg:s20], $0x6FFFF;
	_ =	strace $0x90000052  }
0xcd: {  	s29 =	simm.s32 $0xA;
	_ =	strace $0x80000054  }
0xce: {  	_ =	swait.ge [sflag:s29], $0x1  }
0xcf: {  	[sflag:s29] =	ssyncadd.s32 $0xFFFFFFFF  }
0xd0: {  	_ =	strace $0x90000054  }
0xd1: {  	_ =	sfence  }
0xd2: {  	s30 =	sld [smem:$0x0];
	_ =	sdelay $0x2  }
0xd3: {  	s31 =	sshll.u32 s1, $0xD;
	s1 =	sshrl.u32 s1, $0x2  }
0xd4: {  	s4 =	sand.u32 $0x4000, s31;
	s1 =	sadd.s32 s1, s30  }
0xd5: {  	s0 =	sor.u32 s4, s0;
	s1 =	sshll.u32 s1, $0x11  }
0xd6: {  	s0 =	sor.u32 s1, s0  }
0xd7: {  	s0 =	sadd.s32 $0x8F2B, s0  }
0xd8: {  	[sflag:s0] =	ssyncadd.remote.s32 $0x1  }
0xd9: {  	_ =	sfence.sel $0xFFFF  }
0xda: {  	[dreg:$0x0] =	wrdreg $0xFFFFFFFF;
	(pc) =	sbr.abs _section_cstart, $3  }
0xdb: {  	[dreg:$0x1] =	wrdreg $0xFFFFFFFF  }
0xdc: {  	_ =	task.clear_ibuf [dreg:s20], $0x2FFFF;
	_ =	strace $0x9FFFFFFF  }
0xdd: {  	(tm) =	ssettm $0x7FFFFFFF  }
tec
execute0_lowered:
.L_overlay_start_1:
0x0: {  	(tag) =	ssettag $0x1  }
0x1: {  	s2 =	rddreg [dreg:$0x0]  }
0x2: {  	s4 =	rddreg [dreg:$0x1]  }
0x3: {  	s0 =	rddreg [dreg:$0x2];
	s3 =	stileid.u32  }
0x4: {  	[bflag:$0x3] =	sbarrier.arrive $0xFFFF;
	s1 =	simm.s32 $_size_execute1_lowered;
	s29 =	srdreg.scid  }
0x5: {  	s7 =	simm.s32 $0x2;
	s8 =	simm.s32 $0x0;
	p0 =	sne.s32 s3, $0x0  }
0x6: {  	s1 =	sshll.u32 s1, $0x1;
	s5 =	simm.s32 @!p0 $0x1C3F;
	s6 =	simm.s32 @!p0 $0x4060  }
0x7: {  	[timem:s6], [sflag:s5] =	dma.local @!p0 [hbm:s2], s1  }
0x8: {  	s12 =	simm.s32 $0x0;
	s10 =	simm.s32 $0x0;
	s2 =	sshll.u32 s29, $0x7  }
.Ltmp0:
0x9: {  	s3 =	sshll.u32 s3, $0x8;
	s30 =	sand.u32 $0x80, s2;
	(pc) =	sbr.rel .LBB2_1-.Ltmp0, $4  }
0xa: {  	s11 =	simm.s32 $0x0;
	_ =	strace $0x80000050;
	s3 =	sor.u32 s3, s30  }
0xb: {  	s5 =	simm.s32 $0x1;
	s2 =	sadd.s32 $0x516800, s4;
	s31 =	ssub.s32 $0x2700, s3  }
0xc: {  	s4 =	sadd.s32 $0x47600, s4;
	[sflag:s5] =	ssyncpa.u1 $0x0;
	s6 =	sshrl.u32 s31, $0xC  }
0xd: {  	[sflag:s7] =	ssyncpa.u1 $0x0;
	s9 =	smov.u32 s3;
	s7 =	sadd.s32 $0x2, s6  }
.LBB2_4:
0xe: {  	_ = 	snop  }
.LBB2_7:
0xf: {  	_ =	sdelay $0x3  }
0x10: {  	[tilespmem:v0+s16+$0x0 ss:$0x1] =	vst.idx.msk @p1 $0xffff, v2  }
0x11: {  	v56 =	vld.idx.msk [tilespmem:v1+s15+$0x0 ss:$0x1], $0xffff;
	s24 =	sor.u32 $0x70, s15;
	[tilespmem:v0+s17+$0x0 ss:$0x1] =	vst.idx.msk @p1 $0xffff, v4  }
0x12: {  	s25 =	sor.u32 $0x10, s15;
	[tilespmem:v0+s18+$0x0 ss:$0x1] =	vst.idx.msk @p1 $0xffff, v3;
	v57 =	vld.idx.msk [tilespmem:v1+s24+$0x0 ss:$0x1], $0xffff  }
0x13: {  	s26 =	sor.u32 $0x20, s15;
	[tilespmem:v0+s19+$0x0 ss:$0x1] =	vst.idx.msk @p1 $0xffff, v5;
	v58 =	vld.idx.msk [tilespmem:v1+s25+$0x0 ss:$0x1], $0xffff  }
0x14: {  	s28 =	sor.u32 $0x30, s15;
	[tilespmem:v0+s20+$0x0 ss:$0x1] =	vst.idx.msk @p1 $0xffff, v6;
	v59 =	vld.idx.msk [tilespmem:v1+s26+$0x0 ss:$0x1], $0xffff  }
0x15: {  	s29 =	sor.u32 $0x40, s15;
	[tilespmem:v0+s21+$0x0 ss:$0x1] =	vst.idx.msk @p1 $0xffff, v7;
	v60 =	vld.idx.msk [tilespmem:v1+s28+$0x0 ss:$0x1], $0xffff  }
0x16: {  	s30 =	sor.u32 $0x50, s15;
	v61 =	vld.idx.msk [tilespmem:v1+s29+$0x0 ss:$0x1], $0xffff;
	[tilespmem:v0+s15+$0x0 ss:$0x1] =	vst.idx.msk $0xffff, v56  }
0x17: {  	s31 =	sor.u32 $0x60, s15;
	v62 =	vld.idx.msk [tilespmem:v1+s30+$0x0 ss:$0x1], $0xffff;
	[tilespmem:v0+s24+$0x0 ss:$0x1] =	vst.idx.msk $0xffff, v57  }
0x18: {  	v63 =	vld.idx.msk [tilespmem:v1+s31+$0x0 ss:$0x1], $0xffff;
	[tilespmem:v0+s25+$0x0 ss:$0x1] =	vst.idx.msk $0xffff, v58  }
0x19: {  	[tilespmem:v0+s26+$0x0 ss:$0x1] =	vst.idx.msk $0xffff, v59  }
0x1a: {  	[tilespmem:v0+s28+$0x0 ss:$0x1] =	vst.idx.msk $0xffff, v60  }
0x1b: {  	[tilespmem:v0+s29+$0x0 ss:$0x1] =	vst.idx.msk $0xffff, v61  }
0x1c: {  	[tilespmem:v0+s30+$0x0 ss:$0x1] =	vst.idx.msk $0xffff, v62  }
0x1d: {  	[tilespmem:v0+s31+$0x0 ss:$0x1] =	vst.idx.msk $0xffff, v63  }
.LBB2_8:
0x1e: {  	s15 =	sand.u32 $0x1FFFFFF, s10  }
0x1f: {  	s16 =	smulhi.u32 $0x1A36E2F, s15;
	_ =	sdelay $0x1  }
0x20: {  	s16 =	sshrl.u32 s16, $0x6  }
0x21: {  	s16 =	smul.u32 $0x2710, s16;
	_ =	sdelay $0x1  }
0x22: {  	s15 =	ssub.s32 s15, s16  }
0x23: {  	s15 =	sshll.u32 s15, $0x4  }
0x24: {  	s15 =	sadd.s32 s4, s15  }
0x25: {  	[hbm4b:s15+s8] =	stream.linear.scatter [tilespmem:s14], [sflag:$0x2], s13, $0x38;
	[tilespmem:$0x10000] =	vst v63  }
.LBB2_9:
0x26: {  	p1 =	slt.u32 s11, $0x2  }
0x27: {  	p2 =	sgt.s32 @!p1 s12, $0x2690  }
0x28: {  	s13 =	smov.u32 s12;
	s14 =	sshra.s32 @!p1 s12, $0x1F;
	p2 =	por !p2, p1  }
0x29: {  	s12 =	sand.u32 @!p1 s14, s12;
	s13 =	simm.s32 @p2 $0x2690  }
0x2a: {  	s12 =	ssub.s32 @!p1 s13, s12  }
0x2b: {  	s12 =	sadd.s32 @!p1 $0xFFFFD970, s12  }
0x2c: {  	s13 =	sshll.u32 @!p1 s12, $0x9  }
0x2d: {  	p2 =	sgt.s32 @!p1 s12, $0x7F;
	s12 =	ssub.s32 @!p1 $0x10000, s13  }
0x2e: {  	s14 =	sadd.s32 $0x1000, s9;
	p2 =	por !p2, p1;
	s12 =	sshrl.u32 @!p1 s12, $0x2  }
0x2f: {  	s12 =	simm.s32 @!p2 $0x0;
	p2 =	sgt.s32 s14, $0x270F  }
0x30: {  	s14 =	smov.u32 @p2 s3;
	p2 =	sne.s32 s11, s7  }
.Ltmp1:
0x31: {  	_ = 	snop;
	(pc) =	sbr.rel @!p2 .LBB2_10-.Ltmp1, $4  }
0x32: {  	s13 =	simm.s32 @!p1 $0x2  }
0x33: {  	_ =	swait.ge @!p1 [sflag:s13], s12;
	s15 =	ssub.s32 @!p1 $0x0, s12  }
0x34: {  	s12 =	smov.u32 s10;
	s11 =	sadd.s32 $0x1, s11;
	[sflag:s13] =	ssyncset.done @!p1 $0x0  }
0x35: {  	s10 =	smov.u32 s9;
	s9 =	smov.u32 s14;
	[sflag:s13] =	ssyncadd.s32 @!p1 s15  }
.LBB2_1:
0x36: {  	p1 =	sgt.u32 s11, s6  }
0x37: {  	s13 =	sand.u32 @!p1 $0x1FFFFFF, s9  }
0x38: {  	p2 =	sgt.s32 @!p1 s9, $0x2690;
	s14 =	smulhi.u32 @!p1 $0x1A36E2F, s13  }
0x39: {  	s15 =	smov.u32 s9;
	s16 =	sshra.s32 @!p1 s9, $0x1F;
	p2 =	por !p2, p1  }
0x3a: {  	s16 =	sand.u32 @!p1 s16, s9;
	s15 =	simm.s32 @p2 $0x2690;
	s14 =	sshrl.u32 @!p1 s14, $0x6  }
0x3b: {  	s15 =	ssub.s32 @!p1 s15, s16;
	s14 =	smul.u32 @!p1 $0x2710, s14  }
0x3c: {  	s16 =	sxor.u32 @!p1 $0xFFFFFFFF, s11;
	s15 =	sadd.s32 @!p1 $0xFFFFD970, s15  }
0x3d: {  	s16 =	sshll.u32 @!p1 s16, $0xE;
	s13 =	ssub.s32 @!p1 s13, s14;
	s14 =	sshll.u32 @!p1 s15, $0x9  }
0x3e: {  	s16 =	sand.u32 @!p1 $0x4000, s16;
	p2 =	sgt.s32 @!p1 s15, $0x7F;
	s14 =	ssub.s32 @!p1 $0x10000, s14  }
0x3f: {  	p2 =	por !p2, p1;
	s13 =	sshll.u32 @!p1 s13, $0x4;
	s14 =	sshrl.u32 @!p1 s14, $0x2  }
0x40: {  	s15 =	simm.s32 @!p1 $0x0;
	s13 =	sadd.s32 @!p1 s2, s13;
	s14 =	simm.s32 @!p2 $0x0  }
0x41: {  	[tilespmem:s16], [sflag:$0x1] =	stream.linear.gather @!p1 [hbm4b:s13+s15], s14, $0x38;
	[tilespmem:$0x10000] =	vst v63  }
0x42: {  	p1 =	seq.s32 s11, $0x0  }
0x43: {  	p2 =	sge.u32 @!p1 s11, s7  }
0x44: {  	p1 =	por p1, p2  }
.Ltmp2:
0x45: {  	_ = 	snop;
	(pc) =	sbr.rel @p1 .LBB2_9-.Ltmp2, $1  }
0x46: {  	_ =	sdelay $0x3  }
0x47: {  	p1 =	sgt.s32 s10, $0x2690;
	s13 =	smov.u32 s10;
	s14 =	sshra.s32 s10, $0x1F  }
0x48: {  	s13 =	simm.s32 @!p1 $0x2690;
	s14 =	sand.u32 s14, s10  }
0x49: {  	s13 =	ssub.s32 s13, s14  }
0x4a: {  	s13 =	sadd.s32 $0xFFFFD970, s13  }
0x4b: {  	s31 =	sshll.u32 s13, $0x9  }
0x4c: {  	s14 =	ssub.s32 $0x10000, s31  }
0x4d: {  	p1 =	sgt.s32 s13, $0x7F;
	s13 =	sshrl.u32 s14, $0x2;
	s14 =	sadd.s32 $0x80, s10  }
0x4e: {  	s13 =	simm.s32 @p1 $0x0;
	p1 =	slt.s32 s14, $0x2710  }
0x4f: {  	s14 =	simm.s32 @!p1 $0x2710  }
0x50: {  	s16 =	ssub.s32 s14, s10  }
0x51: {  	p1 =	slt.s32 s16, $0x1  }
.Ltmp3:
0x52: {  	_ = 	snop;
	(pc) =	sbr.rel @p1 .LBB2_8-.Ltmp3, $4  }
0x53: {  	_ = 	snop  }
0x54: {  	s15 =	sshll.u32 s11, $0xE;
	_ =	swait.ge [sflag:s5], s13  }
0x55: {  	s15 =	sand.u32 $0x4000, s15;
	s17 =	ssub.s32 $0x0, s13;
	[sflag:s5] =	ssyncset.done $0x0  }
0x56: {  	s14 =	sor.u32 $0x8000, s15;
	[sflag:s5] =	ssyncadd.s32 s17  }
0x57: {  	p2 =	sne.s32 s16, $0x1  }
.Ltmp4:
0x58: {  	v1 =	vmov s15;
	v0 =	vmov s14;
	(pc) =	sbr.rel @!p2 .LBB2_4-.Ltmp4, $3  }
0x59: {  	_ =	sdelay $0x1  }
0x5a: {  	s17 =	simm.s32 $0x0  }
0x5b: {  	s23 =	sadd.s32 $0xFFFFFFFF, s16;
	p1 =	por $0x0, $0x0;
	s15 =	sand.u32 $0x3F80, s17  }
0x5c: {  	_ =	sdelay $0x3  }
0x5d: {  	v6 =	vld.idx.msk [tilespmem:v1+s15+$0x0 ss:$0x1], $0xffff;
	s24 =	sor.u32 $0x70, s15  }
0x5e: {  	s16 =	sor.u32 $0x10, s15;
	v8 =	vld.idx.msk [tilespmem:v1+s24+$0x0 ss:$0x1], $0xffff  }
0x5f: {  	s17 =	sor.u32 $0x20, s15;
	p2 =	sne.s32 s23, $0x1;
	v2 =	vld.idx.msk [tilespmem:v1+s16+$0x0 ss:$0x1], $0xffff  }
.Ltmp5:
0x60: {  	s18 =	sor.u32 $0x30, s15;
	v4 =	vld.idx.msk [tilespmem:v1+s17+$0x0 ss:$0x1], $0xffff;
	(pc) =	sbr.rel @!p2 .LBB2_7-.Ltmp5, $4  }
0x61: {  	s19 =	sor.u32 $0x40, s15;
	v3 =	vld.idx.msk [tilespmem:v1+s18+$0x0 ss:$0x1], $0xffff  }
0x62: {  	s21 =	sor.u32 $0x60, s15;
	v5 =	vld.idx.msk [tilespmem:v1+s19+$0x0 ss:$0x1], $0xffff  }
0x63: {  	s20 =	sor.u32 $0x50, s15;
	s22 =	simm.s32 $0x80;
	v7 =	vld.idx.msk [tilespmem:v1+s21+$0x0 ss:$0x1], $0xffff;
	[tilespmem:v0+s15+$0x0 ss:$0x1] =	vst.idx.msk $0xffff, v6  }
0x64: {  	s23 =	sadd.s32 $0xFFFFFFFF, s23;
	p1 =	por $0x1, $0x1;
	v6 =	vld.idx.msk [tilespmem:v1+s20+$0x0 ss:$0x1], $0xffff;
	s15 =	sand.u32 $0x3F80, s22;
	[tilespmem:v0+s24+$0x0 ss:$0x1] =	vst.idx.msk $0xffff, v8  }
.LBB2_6:
0x65: {  	p2 =	sne.s32 s23, $0x1;
	v8 =	vld.idx.msk [tilespmem:v1+s15+$0x0 ss:$0x1], $0xffff;
	s24 =	sor.u32 $0x70, s15;
	[tilespmem:v0+s16+$0x0 ss:$0x1] =	vst.idx.msk $0xffff, v2;
	s16 =	sor.u32 $0x10, s15  }
0x66: {  	s25 =	sor.u32 $0x30, s15;
	s26 =	sor.u32 $0x40, s15;
	v9 =	vld.idx.msk [tilespmem:v1+s24+$0x0 ss:$0x1], $0xffff;
	[tilespmem:v0+s17+$0x0 ss:$0x1] =	vst.idx.msk $0xffff, v4;
	s17 =	sor.u32 $0x20, s15  }
0x67: {  	s28 =	sor.u32 $0x50, s15;
	s29 =	sor.u32 $0x60, s15;
	v2 =	vld.idx.msk [tilespmem:v1+s16+$0x0 ss:$0x1], $0xffff;
	[tilespmem:v0+s18+$0x0 ss:$0x1] =	vst.idx.msk $0xffff, v3;
	s18 =	smov.u32 s25  }
.Ltmp6:
0x68: {  	v4 =	vld.idx.msk [tilespmem:v1+s17+$0x0 ss:$0x1], $0xffff;
	[tilespmem:v0+s19+$0x0 ss:$0x1] =	vst.idx.msk $0xffff, v5;
	s19 =	smov.u32 s26;
	(pc) =	sbr.rel @p2 .LBB2_6-.Ltmp6, $4  }
0x69: {  	v3 =	vld.idx.msk [tilespmem:v1+s18+$0x0 ss:$0x1], $0xffff;
	[tilespmem:v0+s20+$0x0 ss:$0x1] =	vst.idx.msk $0xffff, v6;
	s20 =	smov.u32 s28  }
0x6a: {  	v5 =	vld.idx.msk [tilespmem:v1+s19+$0x0 ss:$0x1], $0xffff;
	[tilespmem:v0+s21+$0x0 ss:$0x1] =	vst.idx.msk $0xffff, v7;
	s21 =	smov.u32 s29  }
0x6b: {  	s22 =	sadd.s32 $0x80, s22;
	[tilespmem:v0+s15+$0x0 ss:$0x1] =	vst.idx.msk $0xffff, v8;
	v6 =	vld.idx.msk [tilespmem:v1+s20+$0x0 ss:$0x1], $0xffff  }
0x6c: {  	s23 =	sadd.s32 $0xFFFFFFFF, s23;
	s15 =	sand.u32 $0x3F80, s22;
	v7 =	vld.idx.msk [tilespmem:v1+s21+$0x0 ss:$0x1], $0xffff;
	[tilespmem:v0+s24+$0x0 ss:$0x1] =	vst.idx.msk $0xffff, v9  }
.Ltmp7:
0x6d: {  	_ = 	snop;
	(pc) =	sbr.rel .LBB2_7-.Ltmp7, $1  }
0x6e: {  	_ =	sdelay $0x3  }
.LBB2_10:
0x6f: {  	_ =	sfence.sel $0x180000  }
0x70: {  	s2 =	simm.s32 $0x1;
	[bflag:$0x0] =	sbarrier.arrive $0xFFFF  }
0x71: {  	s31 =	simm.s32 $0x2;
	[sflag:s2] =	ssyncpa.u1 $0x1  }
0x72: {  	[sflag:s31] =	ssyncpa.u1 $0x1  }
0x73: {  	_ =	strace $0x90000050  }
0x74: {  	s0 =	sadd.s32 @!p0 $0x100000, s0;
	[bflag:$0x2] =	sbarrier.arrive $0xFFFF  }
0x75: {  	[sflag:s0] =	ssyncadd.tile.s32 @!p0 $0x1;
	s0 =	simm.s32 @!p0 $0x3F  }
0x76: {  	_ =	swait.ge @!p0 [sflag:s0], s1  }
0x77: {  	s1 =	ssub.s32 @!p0 $0x0, s1;
	[sflag:s0] =	ssyncset.done @!p0 $0x0  }
0x78: {  	[sflag:s0] =	ssyncadd.s32 @!p0 s1  }
0x79: {  	[bflag:$0x3] =	sbarrier.arrive $0xFFFF  }
0x7a: {  	_ =	shalt  }
.Lfunc_end2:
execute1_lowered:
.L_overlay_start_2:
0x7b: {  	(tag) =	ssettag $0x2  }
0x7c: {  	s2 =	rddreg [dreg:$0x0]  }
0x7d: {  	s3 =	rddreg [dreg:$0x1];
	_ =	strace $0x80000053;
	s0 =	simm.s32 $0x1  }
0x7e: {  	v0 =	vimm.s32 $0x0;
	[sflag:s0] =	ssyncpa.u1 $0x0;
	s0 =	simm.s32 $0x108  }
0x7f: {  	[tilespmem:s0+$0x70] =	vst v0  }
0x80: {  	[tilespmem:s0+$0x60] =	vst v0  }
0x81: {  	[tilespmem:s0+$0x50] =	vst v0  }
0x82: {  	[tilespmem:s0+$0x40] =	vst v0  }
0x83: {  	[tilespmem:s0+$0x30] =	vst v0  }
0x84: {  	s1 =	sadd.s32 $0x47600, s2;
	s15 =	sadd.s32 $0xC800, s2;
	s6 =	sadd.s32 $0x53DA00, s2;
	[tilespmem:s0+$0x20] =	vst v0  }
0x85: {  	s14 =	sadd.s32 $0x16600, s2;
	s5 =	sand.u32 $0x1, s3;
	s3 =	simm.s32 $0x40;
	[tilespmem:s0+$0x10] =	vst v0  }
.LBB3_1:
0x86: {  	s3 =	sadd.s32 $0x40, s3;
	[tilespmem:s0+$0x0] =	vst v0;
	s0 =	sadd.s32 $0x80, s0  }
0x87: {  	p0 =	slt.u32 s3, $0x3C40;
	[tilespmem:s0+$0x70] =	vst v0  }
0x88: {  	[tilespmem:s0+$0x60] =	vst v0  }
.Ltmp8:
0x89: {  	[tilespmem:s0+$0x50] =	vst v0;
	(pc) =	sbr.rel @p0 .LBB3_1-.Ltmp8, $4  }
0x8a: {  	[tilespmem:s0+$0x40] =	vst v0  }
0x8b: {  	[tilespmem:s0+$0x30] =	vst v0  }
0x8c: {  	[tilespmem:s0+$0x20] =	vst v0  }
0x8d: {  	[tilespmem:s0+$0x10] =	vst v0  }
0x8e: {  	s9 =	stileid.u32  }
0x8f: {  	s2 =	smul.u32 $0x29, s9  }
0x90: {  	s3 =	smin.u32 s9, $0xB  }
0x91: {  	s2 =	sadd.s32 s3, s2  }
0x92: {  	p0 =	slt.u32 s9, $0xB;
	s7 =	smul.u32 $0xF0, s2;
	s2 =	simm.s32 $0x2760  }
0x93: {  	s2 =	simm.s32 @!p0 $0x2670  }
0x94: {  	s2 =	sadd.s32 s2, s7  }
0x95: {  	s8 =	smin.u32 s2, $0x27100  }
0x96: {  	s2 =	ssub.s32 s8, s7  }
0x97: {  	p0 =	sgt.s32 s2, $0x0  }
0x98: {  	s29 =	simm.s32 $0x2;
	s10 =	simm.s32 $0x9;
	s2 =	simm.s32 @!p0 $0x0  }
0x99: {  	s4 =	simm.s32 $0xA;
	s11 =	simm.s32 $0xB;
	s28 =	smulhi.u32 $0x88888889, s2  }
0x9a: {  	[dreg:$0x4] =	wrdreg s5;
	s31 =	smul.u32 $0x4E20, s5;
	s12 =	simm.s32 $0x1  }
0x9b: {  	s22 =	simm.s32 $0x0;
	s18 =	simm.s32 $0xC;
	s30 =	sshrl.u32 s28, $0x7  }
0x9c: {  	s20 =	simm.s32 $0x0;
	s21 =	simm.s32 $0x0;
	s3 =	smul.u32 $0xF0, s30  }
.Ltmp9:
0x9d: {  	[tilespmem:s0+$0x0] =	vst v0;
	v0 =	vimm.s32 $0xFFFFFFFF;
	[sflag:s29] =	ssyncpa.u1 $0x0;
	s16 =	sshll.u32 s9, $0x8;
	(pc) =	sbr.rel .LBB3_3-.Ltmp9, $4  }
0x9e: {  	[tilespmem:$0xF208] =	vst v0;
	[sflag:s10] =	ssyncpa.u1 $0x0;
	p0 =	sne.s32 s2, s3;
	s2 =	simm.s32 $0x1  }
0x9f: {  	s14 =	sadd.s32 s31, s14;
	[sflag:s4] =	ssyncpa.u1 $0x0;
	s2 =	simm.s32 @!p0 $0x0  }
0xa0: {  	s15 =	sadd.s32 s31, s15;
	[sflag:s11] =	ssyncpa.u1 $0x0;
	s13 =	sadd.s32 s2, s30  }
0xa1: {  	v0 =	vlaneseq.u32;
	s19 =	smov.u32 s7;
	p0 =	por $0x0, $0x0;
	s17 =	sadd.s32 $0x1, s13  }
.LBB3_18:
0xa2: {  	s0 =	sshrl.u32 s31, $0x2  }
.LBB3_20:
0xa3: {  	_ =	swait.ge [sflag:s18], s0  }
0xa4: {  	s31 =	ssub.s32 $0x0, s0;
	v1 =	vmov s24;
	vm0 =	veq.s32 v0, $0x0;
	[sflag:s18] =	ssyncset.done $0x0  }
0xa5: {  	vm15 =	veq.s32 v0, $0x2;
	v1 =	vsel vm0, s30, v1;
	[sflag:s18] =	ssyncadd.s32 s31  }
0xa6: {  	v1 =	vsel vm15, s22, v1;
	[sflag:s18] =	ssyncpa.u1 $0x1  }
0xa7: {  	[tilespmem:$0xF208] =	vst v1  }
.LBB3_21:
0xa8: {  	s0 =	sadd.s32 $0xF0, s19  }
0xa9: {  	s2 =	smov.u32 s7;
	p1 =	slt.s32 s0, s8  }
0xaa: {  	s2 =	smov.u32 @p1 s0;
	p1 =	sne.s32 s21, s17  }
.Ltmp10:
0xab: {  	_ = 	snop;
	(pc) =	sbr.rel @!p1 .LBB3_22-.Ltmp10, $3  }
0xac: {  	_ =	sdelay $0x1  }
0xad: {  	s22 =	smov.u32 s20;
	s31 =	sadd.s32 $0x1, s21;
	s20 =	smov.u32 s19  }
0xae: {  	p0 =	por !p0, !p0;
	s21 =	smov.u32 s31;
	s19 =	smov.u32 s2  }
.LBB3_3:
0xaf: {  	p1 =	sge.u32 s21, s13  }
0xb0: {  	s0 =	smulhi.u32 @!p1 $0xAAAAAAAB, s21  }
0xb1: {  	s2 =	smov.u32 s19;
	p2 =	sgt.s32 @!p1 s19, $0x27010  }
0xb2: {  	s3 =	sshra.s32 @!p1 s19, $0x1F;
	p2 =	por !p2, p1;
	s0 =	sshrl.u32 @!p1 s0, $0x1  }
0xb3: {  	s3 =	sand.u32 @!p1 s3, s19;
	s2 =	simm.s32 @p2 $0x27010;
	s0 =	smul.u32 @!p1 $0x3, s0  }
0xb4: {  	s2 =	ssub.s32 @!p1 s2, s3  }
0xb5: {  	s2 =	sadd.s32 @!p1 $0xFFFD8FF0, s2;
	s0 =	ssub.s32 @!p1 s21, s0  }
0xb6: {  	s3 =	sshll.u32 @!p1 s2, $0x2;
	p2 =	sgt.s32 @!p1 s2, $0xEF;
	s0 =	smul.u32 @!p1 $0x3C0, s0  }
0xb7: {  	s4 =	sand.u32 @!p1 $0x7, s19;
	s2 =	ssub.s32 @!p1 $0x3C0, s3;
	p2 =	por !p2, p1  }
0xb8: {  	s3 =	sshrl.u32 @!p1 s19, $0x3;
	s2 =	sshrl.u32 @!p1 s2, $0x2;
	s0 =	sshrl.u32 @!p1 s0, $0x2  }
0xb9: {  	s3 =	sadd.s32 @!p1 s3, s14;
	s2 =	simm.s32 @!p2 $0x0;
	s0 =	sadd.s32 @!p1 $0x10248, s0  }
0xba: {  	[tilespmem:s0], [sflag:$0xA] =	stream.linear.gather @!p1 [hbm4b:s3+s4], s2, $0x38;
	[tilespmem:$0x1F6F8] =	vst v63  }
0xbb: {  	s0 =	sadd.s32 $0xFFFFFFFF, s21  }
0xbc: {  	p1 =	sge.u32 s0, s13  }
0xbd: {  	p2 =	sgt.s32 @!p1 s20, $0x27010  }
0xbe: {  	s2 =	smov.u32 s20;
	s3 =	sshra.s32 @!p1 s20, $0x1F;
	p2 =	por !p2, p1  }
0xbf: {  	s3 =	sand.u32 @!p1 s3, s20;
	s2 =	simm.s32 @p2 $0x27010  }
0xc0: {  	s2 =	ssub.s32 @!p1 s2, s3  }
0xc1: {  	s2 =	sadd.s32 @!p1 $0xFFFD8FF0, s2  }
0xc2: {  	s4 =	sand.u32 @!p1 $0x1, s0;
	s3 =	sshll.u32 @!p1 s2, $0x2  }
0xc3: {  	p2 =	sgt.s32 @!p1 s2, $0xEF;
	s2 =	ssub.s32 @!p1 $0x3C0, s3;
	s3 =	smulhi.u32 @!p1 $0xAAAAAAAB, s0  }
0xc4: {  	s23 =	smul.u32 @!p1 $0x3C0, s4;
	p2 =	por !p2, p1;
	s2 =	sshrl.u32 @!p1 s2, $0x2  }
0xc5: {  	s5 =	simm.s32 @!p1 $0xA;
	s2 =	simm.s32 @!p2 $0x0;
	s3 =	sshrl.u32 @!p1 s3, $0x1  }
0xc6: {  	s23 =	sshrl.u32 @!p1 s23, $0x2;
	_ =	swait.ge @!p1 [sflag:s5], s2;
	s3 =	smul.u32 @!p1 $0x3, s3  }
0xc7: {  	s23 =	sadd.s32 @!p1 $0x10518, s23;
	s24 =	ssub.s32 @!p1 $0x0, s2;
	[sflag:s5] =	ssyncset.done @!p1 $0x0  }
0xc8: {  	[sflag:s5] =	ssyncadd.s32 @!p1 s24;
	s5 =	sshrl.u32 @!p1 s20, $0x3;
	s0 =	ssub.s32 @!p1 s0, s3  }
0xc9: {  	s24 =	sand.u32 @!p1 $0x7, s20;
	s5 =	sadd.s32 @!p1 s5, s15;
	s0 =	smul.u32 @!p1 $0x3C0, s0  }
0xca: {  	[tilespmem:s23], [sflag:$0xB] =	stream.linear.gather @!p1 [hbm4b:s5+s24], s2, $0x38;
	[tilespmem:$0x1F6F8] =	vst v63  }
0xcb: {  	s3 =	ssub.s32 @!p1 $0x27100, s20;
	s2 =	smul.u32 @!p1 $0x1E000, s4  }
0xcc: {  	p2 =	slt.s32 @!p1 s3, $0xF0  }
0xcd: {  	p2 =	por !p2, p1;
	s0 =	sshrl.u32 @!p1 s0, $0x2;
	s2 =	sshrl.u32 @!p1 s2, $0x2  }
0xce: {  	s3 =	simm.s32 @p2 $0xF0;
	s0 =	sadd.s32 @!p1 $0x10248, s0;
	s2 =	sor.u32 @!p1 $0x106F8, s2  }
0xcf: {  	[tilespmem:s2], [sflag:$0x9] =	stream.indirect.gather @!p1 [hbm4b:s6+s3], $0x80, s0, s3, $0xb8;
	[tilespmem:$0x1F6F8] =	vst v63  }
0xd0: {  	p1 =	slt.u32 s21, $0x2  }
.Ltmp11:
0xd1: {  	_ = 	snop;
	(pc) =	sbr.rel @p1 .LBB3_21-.Ltmp11, $1  }
0xd2: {  	_ =	sdelay $0x3  }
0xd3: {  	p1 =	sgt.s32 s22, $0x27010  }
0xd4: {  	s0 =	smov.u32 s22;
	s2 =	sshra.s32 s22, $0x1F;
	s3 =	ssub.s32 $0x27100, s22  }
0xd5: {  	s0 =	simm.s32 @!p1 $0x27010;
	s2 =	sand.u32 s2, s22;
	p1 =	slt.s32 s3, $0xF0  }
0xd6: {  	s0 =	ssub.s32 s0, s2;
	s3 =	simm.s32 @!p1 $0xF0  }
0xd7: {  	s0 =	sadd.s32 $0xFFFD8FF0, s0;
	s25 =	sshll.u32 s3, $0x7  }
0xd8: {  	s26 =	sshll.u32 s0, $0x2;
	s2 =	sand.u32 $0x3FFFFF80, s25  }
0xd9: {  	p1 =	sgt.s32 s0, $0xEF;
	s29 =	ssub.s32 $0x3C0, s26;
	_ =	swait.ge [sflag:s10], s2  }
0xda: {  	s2 =	ssub.s32 $0x0, s2;
	[sflag:s10] =	ssyncset.done $0x0;
	s0 =	sshrl.u32 s29, $0x2  }
0xdb: {  	[sflag:s10] =	ssyncadd.s32 s2;
	s0 =	simm.s32 @p1 $0x0  }
0xdc: {  	_ =	swait.ge [sflag:s11], s0  }
0xdd: {  	s0 =	ssub.s32 $0x0, s0;
	[sflag:s11] =	ssyncset.done $0x0  }
0xde: {  	[sflag:s11] =	ssyncadd.s32 s0  }
0xdf: {  	v1 =	vld [tilespmem:$0xF208];
	_ =	sdelay $0x4  }
0xe0: {  	(v2sf) =	vpush v1, $0x0  }
0xe1: {  	(v2sf) =	vpush v1, $0x1  }
0xe2: {  	(v2sf) =	vpush v1, $0x2;
	_ =	sdelay $0x3  }
0xe3: {  	s0 =	sadd.s32 $0xF0, s22  }
0xe4: {  	s2 =	ssub.s32 $0x4E200, s22;
	p1 =	slt.s32 s8, s0  }
0xe5: {  	s0 =	smov.u32 @p1 s8;
	p1 =	sgt.s32 s2, $0x0  }
0xe6: {  	s26 =	ssub.s32 s0, s22;
	s2 =	simm.s32 @!p1 $0x0  }
0xe7: {  	p1 =	slt.s32 s2, s26  }
0xe8: {  	s26 =	smov.u32 @p1 s2  }
0xe9: {  	s25 =	simm.s32 $0x1;
	p1 =	slt.s32 s26, $0x1  }
.Ltmp12:
0xea: {  	s25 =	simm.s32 @!p0 $0x0;
	(pc) =	sbr.rel @p1 .LBB3_8-.Ltmp12, $4  }
0xeb: {  	s31 =	smul.u32 $0x3C0, s25  }
0xec: {  	s28 =	spop (v2sf)  }
0xed: {  	s0 =	sshrl.u32 s31, $0x2;
	s30 =	spop (v2sf)  }
0xee: {  	s23 =	sadd.s32 $0x10518, s0;
	s22 =	spop (v2sf)  }
0xef: {  	s0 =	smin.u32 s26, $0x10  }
0xf0: {  	v1 =	vmov s0  }
0xf1: {  	p2 =	sgt.s32 s26, $0x10;
	vm1 =	vgt.u32 v1, v0  }
.Ltmp13:
0xf2: {  	_ = 	snop;
	(pc) =	sbr.rel @!p2 .LBB3_7-.Ltmp13, $2  }
0xf3: {  	_ =	sdelay $0x2  }
0xf4: {  	s4 =	simm.s32 $0x10;
	s24 =	sadd.s32 $0xFFFFFFF0, s26;
	s0 =	smov.u32 s23;
	vm0 =	vmmov vm1  }
.LBB3_6:
0xf5: {  	s2 =	smin.u32 s24, $0x10;
	s4 =	sadd.s32 $0x10, s4;
	v1 =	vld.msk [tilespmem:s0+$0x0 ss:$0x1], vm1  }
0xf6: {  	v2 =	vmov s2;
	p2 =	slt.s32 s4, s26  }
0xf7: {  	vm1 =	vgt.u32 v2, v0  }
.Ltmp14:
0xf8: {  	(pc) =	sbr.rel @p2 .LBB3_6-.Ltmp14, $3  }
0xf9: {  	_ =	sdelay $0x1  }
0xfa: {  	v1 =	vshll.u32 v1, $0x4  }
0xfb: {  	s24 =	sadd.s32 $0xFFFFFFF0, s24;
	[tilespmem:s0+$0x0] =	vst.msk vm0, v1;
	s0 =	sadd.s32 $0x10, s0;
	vm0 =	vmmov vm1  }
.LBB3_7:
0xfc: {  	_ =	sdelay $0x4  }
0xfd: {  	v1 =	vld.msk [tilespmem:s0+$0x0 ss:$0x1], vm1;
	_ =	sdelay $0x4  }
0xfe: {  	v1 =	vshll.u32 v1, $0x4  }
0xff: {  	[tilespmem:s0+$0x0] =	vst.msk vm0, v1  }
.LBB3_8:
0x100: {  	s0 =	sand.u32 $0x1, s21  }
0x101: {  	s0 =	smul.u32 $0xF0, s0  }
0x102: {  	p2 =	sne.s32 s30, $0xFFFFFFFF  }
0x103: {  	v1 =	vld.msk @!p2 [tilespmem:s0+$0x10518], $0x1;
	_ =	sdelay $0x4  }
0x104: {  	(v2sf) =	vpush @!p2 v1, $0x0;
	_ =	sdelay $0xc  }
.Ltmp15:
0x105: {  	_ = 	snop;
	(pc) =	sbr.rel @p1 .LBB3_19-.Ltmp15, $4  }
0x106: {  	_ = 	snop  }
0x107: {  	s29 =	spop @!p2 (v2sf)  }
0x108: {  	s22 =	simm.s32 @!p2 $0x0;
	s24 =	smov.u32 s29  }
0x109: {  	[sflag:s18] =	ssyncpa.u1 $0x0;
	s29 =	smov.u32 @p2 s28;
	s24 =	smov.u32 @p2 s30  }
0x10a: {  	v1 =	vld.msk [tilespmem:s23+$0x0], $0x1;
	_ =	sdelay $0x4  }
0x10b: {  	(v2sf) =	vpush v1, $0x0;
	_ =	sdelay $0xe  }
0x10c: {  	s2 =	smul.u32 $0x1E000, s25;
	s0 =	spop (v2sf)  }
0x10d: {  	s26 =	ssub.s32 $0x0, s26;
	p1 =	seq.s32 s29, s0  }
0x10e: {  	s30 =	sadd.s32 $0x1, s26;
	s2 =	sshrl.u32 s2, $0x2;
	p2 =	sgt.s32 @!p1 s29, $0x0  }
0x10f: {  	s25 =	sor.u32 $0x10738, s2;
	s2 =	smov.u32 s29;
	p2 =	por !p2, p1  }
0x110: {  	s2 =	simm.s32 @p2 $0x0;
	p2 =	seq.s32 s30, $0x0  }
.Ltmp16:
0x111: {  	_ = 	snop;
	(pc) =	sbr.rel @p2 .LBB3_11-.Ltmp16, $4  }
0x112: {  	_ = 	snop  }
0x113: {  	s28 =	simm.s32 $0x0;
	s31 =	sadd.s32 $0x1, s23;
	s2 =	smin.u32 @!p1 s2, $0x270F0  }
0x114: {  	s4 =	simm.s32 @!p1 $0x1;
	s5 =	simm.s32 @!p1 $0x7988;
	s3 =	sand.u32 @!p1 $0x3FFF8, s2  }
0x115: {  	s4 =	smov.u32 @p1 s28;
	s2 =	sand.u32 @!p1 $0x7, s2;
	s3 =	sadd.s32 @!p1 s1, s3  }
.LBB3_10:
0x116: {  	s9 =	smov.u32 s4  }
0x117: {  	[tilespmem:s5], [sflag:$0x2] =	stream.linear.gather @!p1 [hbm4b:s3+s2], $0x80, $0x38;
	[tilespmem:$0x1F6F8] =	vst v63  }
0x118: {  	s30 =	sadd.s32 $0x1, s30;
	s2 =	smov.u32 s0;
	v1 =	vld.msk [tilespmem:s31+$0x0], $0x1  }
0x119: {  	p2 =	seq.s32 s30, $0x0;
	_ =	sdelay $0x3  }
0x11a: {  	(v2sf) =	vpush v1, $0x0;
	_ =	sdelay $0xe  }
0x11b: {  	s0 =	spop (v2sf)  }
0x11c: {  	p1 =	seq.s32 s2, s0  }
0x11d: {  	p3 =	sgt.s32 @!p1 s2, $0x0;
	s3 =	sshll.u32 @!p1 s4, $0x9;
	s4 =	sadd.s32 @!p1 $0x1, s4  }
.Ltmp17:
0x11e: {  	p3 =	por !p3, p1;
	s3 =	sshra.s32 @!p1 s3, $0x2;
	(pc) =	sbr.rel @!p2 .LBB3_10-.Ltmp17, $4  }
0x11f: {  	s4 =	smov.u32 @p1 s9;
	s2 =	simm.s32 @p3 $0x0;
	s5 =	sadd.s32 @!p1 $0x7988, s3  }
0x120: {  	s2 =	smin.u32 @!p1 s2, $0x270F0  }
0x121: {  	s3 =	sand.u32 @!p1 $0x3FFF8, s2;
	s2 =	sand.u32 @!p1 $0x7, s2  }
0x122: {  	s31 =	sadd.s32 $0x1, s31;
	s3 =	sadd.s32 @!p1 s1, s3  }
.LBB3_11:
0x123: {  	[tilespmem:s5], [sflag:$0x2] =	stream.linear.gather @!p1 [hbm4b:s3+s2], $0x80, $0x38;
	[tilespmem:$0x1F6F8] =	vst v63  }
.Ltmp18:
0x124: {  	s0 =	sshll.u32 s4, $0x7;
	(pc) =	sbr.rel .LBB3_12-.Ltmp18, $4  }
0x125: {  	s30 =	simm.s32 $0x2;
	s0 =	sand.u32 $0x3FFFFF80, s0  }
0x126: {  	_ =	swait.ge [sflag:s30], s0  }
0x127: {  	s0 =	ssub.s32 $0x0, s0;
	[sflag:s30] =	ssyncset.done $0x0  }
0x128: {  	s31 =	simm.s32 $0x0;
	[sflag:s30] =	ssyncadd.s32 s0  }
.LBB3_13:
0x129: {  	v1 =	vld [tilespmem:s25+$0xFFFFFFC0];
	_ =	sdelay $0x3  }
0x12a: {  	s0 =	sshra.s32 s0, $0x2  }
0x12b: {  	[tilespmem:s0+$0x108] =	vst.add.f32.msk $0xffff, v1  }
0x12c: {  	v1 =	vld [tilespmem:s25+$0xFFFFFFD0];
	_ =	sdelay $0x4  }
0x12d: {  	[tilespmem:s0+$0x118] =	vst.add.f32.msk $0xffff, v1  }
0x12e: {  	v1 =	vld [tilespmem:s25+$0xFFFFFFE0];
	_ =	sdelay $0x4  }
0x12f: {  	[tilespmem:s0+$0x128] =	vst.add.f32.msk $0xffff, v1  }
0x130: {  	v1 =	vld [tilespmem:s25+$0xFFFFFFF0];
	_ =	sdelay $0x4  }
0x131: {  	[tilespmem:s0+$0x138] =	vst.add.f32.msk $0xffff, v1  }
0x132: {  	v1 =	vld [tilespmem:s25+$0x0];
	_ =	sdelay $0x4  }
0x133: {  	[tilespmem:s0+$0x148] =	vst.add.f32.msk $0xffff, v1  }
0x134: {  	v1 =	vld [tilespmem:s25+$0x10];
	_ =	sdelay $0x4  }
0x135: {  	[tilespmem:s0+$0x158] =	vst.add.f32.msk $0xffff, v1  }
0x136: {  	v1 =	vld [tilespmem:s25+$0x20];
	_ =	sdelay $0x4  }
0x137: {  	[tilespmem:s0+$0x168] =	vst.add.f32.msk $0xffff, v1  }
0x138: {  	v1 =	vld [tilespmem:s25+$0x30];
	_ =	sdelay $0x4  }
0x139: {  	[tilespmem:s0+$0x178] =	vst.add.f32.msk $0xffff, v1  }
.LBB3_17:
0x13a: {  	s26 =	sadd.s32 $0x1, s26  }
0x13b: {  	p1 =	seq.s32 s26, $0x0  }
.Ltmp19:
0x13c: {  	_ = 	snop;
	(pc) =	sbr.rel @p1 .LBB3_18-.Ltmp19, $2  }
0x13d: {  	_ =	sdelay $0x2  }
0x13e: {  	s23 =	sadd.s32 $0x1, s23;
	s25 =	sadd.s32 $0x80, s25;
	s29 =	smov.u32 s30  }
.LBB3_12:
0x13f: {  	v1 =	vld.msk [tilespmem:s23+$0x0], $0x1;
	_ =	sdelay $0x4  }
0x140: {  	(v2sf) =	vpush v1, $0x0;
	_ =	sdelay $0xe  }
0x141: {  	s30 =	spop (v2sf)  }
0x142: {  	p1 =	sne.s32 s29, s30  }
.Ltmp20:
0x143: {  	_ = 	snop;
	(pc) =	sbr.rel @!p1 .LBB3_13-.Ltmp20, $2  }
0x144: {  	_ =	sdelay $0x2  }
0x145: {  	s0 =	sshll.u32 s22, $0x9  }
0x146: {  	p1 =	seq.s32 s29, s24  }
.Ltmp21:
0x147: {  	_ = 	snop;
	(pc) =	sbr.rel @!p1 .LBB3_15-.Ltmp21, $1  }
0x148: {  	_ =	sdelay $0x3  }
0x149: {  	s0 =	sshra.s32 s0, $0x2  }
.Ltmp22:
0x14a: {  	s0 =	sadd.s32 $0x108, s0;
	(pc) =	sbr.rel .LBB3_16-.Ltmp22, $4  }
0x14b: {  	[spmem:s16] =	stream.linear.scatter [tilespmem:s0], [sflag:$0x1], $0x80, $0x38;
	[tilespmem:$0x1F6F8] =	vst v63  }
0x14c: {  	_ =	swait.ge [sflag:s12], $0x80  }
0x14d: {  	[sflag:s12] =	ssyncset.done $0x0  }
0x14e: {  	[sflag:s12] =	ssyncadd.s32 $0xFFFFFF80  }
.LBB3_15:
0x14f: {  	s2 =	sshll.u32 s28, $0x9  }
0x150: {  	s2 =	sshra.s32 s2, $0x2  }
0x151: {  	v1 =	vld [tilespmem:s2+$0x7988];
	_ =	sdelay $0x3  }
0x152: {  	s0 =	sshra.s32 s0, $0x2  }
0x153: {  	[tilespmem:s0+$0x108] =	vst.add.f32.msk $0xffff, v1  }
0x154: {  	v1 =	vld [tilespmem:s2+$0x7998];
	_ =	sdelay $0x4  }
0x155: {  	[tilespmem:s0+$0x118] =	vst.add.f32.msk $0xffff, v1  }
0x156: {  	v1 =	vld [tilespmem:s2+$0x79A8];
	_ =	sdelay $0x4  }
0x157: {  	[tilespmem:s0+$0x128] =	vst.add.f32.msk $0xffff, v1  }
0x158: {  	v1 =	vld [tilespmem:s2+$0x79B8];
	_ =	sdelay $0x4  }
0x159: {  	[tilespmem:s0+$0x138] =	vst.add.f32.msk $0xffff, v1  }
0x15a: {  	v1 =	vld [tilespmem:s2+$0x79C8];
	_ =	sdelay $0x4  }
0x15b: {  	[tilespmem:s0+$0x148] =	vst.add.f32.msk $0xffff, v1  }
0x15c: {  	v1 =	vld [tilespmem:s2+$0x79D8];
	_ =	sdelay $0x4  }
0x15d: {  	[tilespmem:s0+$0x158] =	vst.add.f32.msk $0xffff, v1  }
0x15e: {  	v1 =	vld [tilespmem:s2+$0x79E8];
	_ =	sdelay $0x4  }
0x15f: {  	[tilespmem:s0+$0x168] =	vst.add.f32.msk $0xffff, v1  }
0x160: {  	v1 =	vld [tilespmem:s2+$0x79F8];
	_ =	sdelay $0x2  }
0x161: {  	p1 =	sgt.u32 s29, $0x270F0  }
0x162: {  	s2 =	sand.u32 @!p1 $0x3FFF8, s29  }
0x163: {  	s3 =	sadd.s32 $0x108, s0;
	[tilespmem:s0+$0x178] =	vst.add.f32.msk $0xffff, v1;
	s0 =	sadd.s32 @!p1 s1, s2;
	s2 =	sand.u32 @!p1 $0x7, s29  }
0x164: {  	[hbm4b:s0+s2] =	stream.linear.scatter @!p1 [tilespmem:s3], [sflag:$0xC], $0x80, $0x38;
	[tilespmem:$0x1F6F8] =	vst v63  }
0x165: {  	s0 =	simm.s32 $0x0  }
0x166: {  	s0 =	simm.s32 @!p1 $0x200  }
0x167: {  	s31 =	sadd.s32 s0, s31  }
.LBB3_16:
0x168: {  	s0 =	sadd.s32 $0x1, s22  }
0x169: {  	s2 =	smulhi.u32 $0x88888889, s0;
	_ =	sdelay $0x1  }
0x16a: {  	v1 =	vld [tilespmem:s25+$0xFFFFFFC0];
	s2 =	sshrl.u32 s2, $0x7  }
0x16b: {  	s2 =	smul.u32 $0xF0, s2;
	_ =	sdelay $0x1  }
0x16c: {  	s22 =	ssub.s32 s0, s2  }
0x16d: {  	s0 =	sshll.u32 s22, $0x7  }
0x16e: {  	[tilespmem:s0+$0x108] =	vst v1  }
0x16f: {  	v1 =	vld [tilespmem:s25+$0xFFFFFFD0];
	_ =	sdelay $0x4  }
0x170: {  	[tilespmem:s0+$0x118] =	vst v1  }
0x171: {  	v1 =	vld [tilespmem:s25+$0xFFFFFFE0];
	_ =	sdelay $0x4  }
0x172: {  	[tilespmem:s0+$0x128] =	vst v1  }
0x173: {  	v1 =	vld [tilespmem:s25+$0xFFFFFFF0];
	_ =	sdelay $0x4  }
0x174: {  	[tilespmem:s0+$0x138] =	vst v1  }
0x175: {  	v1 =	vld [tilespmem:s25+$0x0];
	_ =	sdelay $0x4  }
0x176: {  	[tilespmem:s0+$0x148] =	vst v1  }
0x177: {  	v1 =	vld [tilespmem:s25+$0x10];
	_ =	sdelay $0x4  }
0x178: {  	[tilespmem:s0+$0x158] =	vst v1  }
0x179: {  	v1 =	vld [tilespmem:s25+$0x20];
	_ =	sdelay $0x4  }
0x17a: {  	[tilespmem:s0+$0x168] =	vst v1  }
0x17b: {  	v1 =	vld [tilespmem:s25+$0x30]  }
.Ltmp23:
0x17c: {  	_ = 	snop;
	(pc) =	sbr.rel .LBB3_17-.Ltmp23, $2  }
0x17d: {  	_ =	sdelay $0x2  }
0x17e: {  	s28 =	sadd.s32 $0x1, s28;
	[tilespmem:s0+$0x178] =	vst v1  }
.LBB3_19:
.Ltmp24:
0x17f: {  	(pc) =	sbr.rel .LBB3_20-.Ltmp24, $4  }
0x180: {  	_ = 	snop  }
0x181: {  	s0 =	simm.s32 $0x2  }
0x182: {  	_ =	swait.ge [sflag:s0], $0x0  }
0x183: {  	s30 =	smov.u32 s29;
	[sflag:s0] =	ssyncset.done $0x0;
	s0 =	simm.s32 $0x0  }
.LBB3_22:
0x184: {  	_ =	sfence.sel $0x180000  }
0x185: {  	s0 =	simm.s32 $0x9;
	[bflag:$0x0] =	sbarrier.arrive $0xFFFF  }
0x186: {  	s24 =	simm.s32 $0xA;
	[sflag:s0] =	ssyncpa.u1 $0x1  }
0x187: {  	s25 =	simm.s32 $0xB;
	[sflag:s24] =	ssyncpa.u1 $0x1  }
0x188: {  	s26 =	simm.s32 $0x2;
	[sflag:s25] =	ssyncpa.u1 $0x1  }
0x189: {  	[sflag:s26] =	ssyncpa.u1 $0x1  }
0x18a: {  	v0 =	vld [tilespmem:$0xF208];
	_ =	sdelay $0x4  }
0x18b: {  	(v2sf) =	vpush v0, $0x0  }
0x18c: {  	(v2sf) =	vpush v0, $0x1;
	_ =	sdelay $0x1  }
0x18d: {  	(v2sf) =	vpush v0, $0x2;
	_ =	sdelay $0xb  }
0x18e: {  	s0 =	spop (v2sf)  }
0x18f: {  	s2 =	spop (v2sf)  }
0x190: {  	s3 =	smov.u32 s0;
	p0 =	sne.s32 s0, s2  }
0x191: {  	s4 =	spop (v2sf);
	s3 =	simm.s32 @!p0 $0xFFFFFFFF  }
0x192: {  	v2 =	vimm.s32 $0x1;
	v3 =	vlaneseq.u32;
	p0 =	seq.s32 s4, $0xFFFFFFFF;
	v1 =	vmov s3  }
0x193: {  	s16 =	stileid.u32;
	v0 =	vperm.xlane v0, v2;
	p1 =	sne.s32 @!p0 s0, s2;
	v1 =	vperm.xlane v1, v3  }
0x194: {  	vm0 =	vcmask $0x3F04;
	s6 =	simm.s32 $0xF208;
	s0 =	simm.s32 @!p0 $0x1;
	p1 =	por !p1, p0  }
0x195: {  	s3 =	sshll.u32 s16, $0x1;
	s2 =	sshll.u32 @!p0 s4, $0x9;
	s0 =	simm.s32 @p1 $0x0;
	v0 =	vsel vm0, v1, v0  }
0x196: {  	s5 =	sor.u32 $0x1000, s3;
	s2 =	sshra.s32 @!p0 s2, $0x2;
	s0 =	sor.u32 @!p0 s0, s3;
	[tilespmem:$0xF208] =	vst v0  }
0x197: {  	[spmem:s5] =	stream.linear.scatter [tilespmem:s6], [sflag:$0x1], $0x2, $0x38;
	[tilespmem:$0x1F6F8] =	vst v63  }
0x198: {  	s2 =	sadd.s32 @!p0 $0x108, s2;
	s0 =	sshll.u32 @!p0 s0, $0x7  }
0x199: {  	[spmem:s0] =	stream.linear.scatter @!p0 [tilespmem:s2], [sflag:$0x1], $0x80, $0x38;
	[tilespmem:$0x1F6F8] =	vst v63  }
0x19a: {  	s0 =	simm.s32 @!p0 $0x82  }
0x19b: {  	s28 =	simm.s32 $0x1;
	s0 =	simm.s32 @p0 $0x2  }
0x19c: {  	_ =	swait.ge [sflag:s28], s0  }
0x19d: {  	s0 =	ssub.s32 $0x0, s0;
	[sflag:s28] =	ssyncset.done $0x0  }
0x19e: {  	p0 =	sne.s32 s16, $0x0;
	[sflag:s28] =	ssyncadd.s32 s0  }
.Ltmp25:
0x19f: {  	_ =	sfence.stream.spmem;
	(pc) =	sbr.rel @p0 .LBB3_39-.Ltmp25, $4  }
0x1a0: {  	s29 =	simm.s32 $0x3;
	[bflag:$0x0] =	sbarrier.arrive $0xFFFF  }
0x1a1: {  	s30 =	simm.s32 $0x4;
	[sflag:s29] =	ssyncpa.u1 $0x1  }
0x1a2: {  	s31 =	simm.s32 $0x3C;
	[sflag:s30] =	ssyncpa.u1 $0x1  }
0x1a3: {  	s15 =	rddreg [dreg:$0x4];
	[sflag:s31] =	ssyncpa.u1 $0x1  }
0x1a4: {  	_ =	sfence.stream.spmem;
	s0 =	simm.s32 $0x5  }
0x1a5: {  	s2 =	simm.s32 $0x1000;
	s3 =	simm.s32 $0xF218;
	[sflag:s0] =	ssyncpa.u1 $0x0  }
0x1a6: {  	[tilespmem:s3], [sflag:$0x5] =	stream.linear.gather [spmem:s2], $0x20, $0x38;
	[tilespmem:$0x1F6F8] =	vst v63  }
0x1a7: {  	s26 =	simm.s32 $0x0;
	s28 =	simm.s32 $0xF238  }
0x1a8: {  	[tilespmem:s28], [sflag:$0x5] =	stream.linear.gather [spmem:s26], $0x1000, $0x38;
	[tilespmem:$0x1F6F8] =	vst v63  }
0x1a9: {  	_ =	swait.ge [sflag:s0], $0x1020  }
0x1aa: {  	[sflag:s0] =	ssyncset.done $0x0  }
0x1ab: {  	s29 =	simm.s32 $0x0;
	[sflag:s0] =	ssyncadd.s32 $0xFFFFEFE0  }
0x1ac: {  	v0 =	vld.msk [tilespmem:s29+$0xF218], $0x1;
	_ =	sdelay $0x1  }
0x1ad: {  	s30 =	simm.s32 $0x1  }
0x1ae: {  	v1 =	vld.msk [tilespmem:s30+$0xF218], $0x1;
	_ =	sdelay $0x1  }
0x1af: {  	(v2sf) =	vpush v0, $0x0;
	_ =	sdelay $0x2  }
0x1b0: {  	(v2sf) =	vpush v1, $0x0;
	_ =	sdelay $0x2  }
0x1b1: {  	s31 =	simm.s32 $0x2  }
0x1b2: {  	v0 =	vld.msk [tilespmem:s31+$0xF218], $0x1;
	_ =	sdelay $0x2  }
0x1b3: {  	s4 =	simm.s32 $0xFFFFFFFF;
	s5 =	simm.s32 $0xFFFFFFFF;
	s0 =	simm.s32 $0xC  }
.LBB3_24:
0x1b4: {  	s2 =	smov.u32 s5;
	s3 =	smov.u32 s4  }
0x1b5: {  	s4 =	sshra.s32 s0, $0x2;
	p1 =	sne.s32 s0, $0x7C;
	s0 =	sadd.s32 $0x4, s0;
	(v2sf) =	vpush v0, $0x0  }
0x1b6: {  	v0 =	vld.msk [tilespmem:s4+$0xF218], $0x1  }
.Ltmp26:
0x1b7: {  	(pc) =	sbr.rel @p1 .LBB3_24-.Ltmp26, $4  }
0x1b8: {  	s5 =	spop (v2sf)  }
0x1b9: {  	p2 =	sne.s32 s3, $0xFFFFFFFF;
	s4 =	smov.u32 s5  }
0x1ba: {  	p3 =	seq.s32 s5, $0xFFFFFFFF;
	s4 =	smov.u32 @p2 s3  }
0x1bb: {  	s5 =	smov.u32 @p3 s2;
	s4 =	smov.u32 @p3 s3  }
0x1bc: {  	(v2sf) =	vpush v0, $0x0;
	_ =	sdelay $0x8  }
0x1bd: {  	s0 =	spop (v2sf)  }
0x1be: {  	p1 =	sne.s32 s4, $0xFFFFFFFF;
	s2 =	smov.u32 s0  }
0x1bf: {  	s9 =	simm.s32 $0x6;
	p2 =	seq.s32 s0, $0xFFFFFFFF;
	s2 =	smov.u32 @p1 s4  }
0x1c0: {  	s6 =	simm.s32 $0x0;
	s2 =	smov.u32 @p2 s4;
	s3 =	spop (v2sf)  }
0x1c1: {  	s0 =	smov.u32 @p2 s5;
	p1 =	sne.s32 s2, $0xFFFFFFFF;
	s4 =	smov.u32 s3  }
.Ltmp27:
0x1c2: {  	p2 =	seq.s32 s3, $0xFFFFFFFF;
	s4 =	smov.u32 @p1 s2;
	(pc) =	sbr.rel .LBB3_26-.Ltmp27, $4  }
0x1c3: {  	s10 =	simm.s32 $0xF188;
	s4 =	smov.u32 @p2 s2;
	s7 =	spop (v2sf)  }
0x1c4: {  	s11 =	simm.s32 $0x0;
	p1 =	sne.s32 s4, $0xFFFFFFFF;
	s8 =	smov.u32 s7  }
0x1c5: {  	s3 =	smov.u32 @p2 s0;
	p2 =	seq.s32 s7, $0xFFFFFFFF;
	s8 =	smov.u32 @p1 s4  }
0x1c6: {  	[sflag:s9] =	ssyncpa.u1 $0x0;
	s7 =	smov.u32 @p2 s3;
	s8 =	smov.u32 @p2 s4  }
.LBB3_32:
0x1c7: {  	p1 =	sgt.u32 s12, $0x270F0  }
0x1c8: {  	p2 =	seq.s32 @!p1 s12, s8  }
0x1c9: {  	p1 =	por p1, p2  }
0x1ca: {  	p2 =	sne.s32 @!p1 s12, s7  }
0x1cb: {  	p1 =	por p1, !p2  }
0x1cc: {  	s0 =	sshll.u32 @p1 s11, $0x9  }
0x1cd: {  	s0 =	sand.u32 @!p1 $0x3FFF8, s12  }
0x1ce: {  	s2 =	sand.u32 @!p1 $0x7, s12;
	s0 =	sadd.s32 @!p1 s1, s0  }
0x1cf: {  	[tilespmem:s10], [sflag:$0x6] =	stream.linear.gather @!p1 [hbm4b:s0+s2], $0x80, $0x38;
	[tilespmem:$0x1F6F8] =	vst v63  }
0x1d0: {  	_ =	swait.ge @!p1 [sflag:s9], $0x80  }
0x1d1: {  	[sflag:s9] =	ssyncset.done @!p1 $0x0  }
0x1d2: {  	[sflag:s9] =	ssyncadd.s32 @!p1 $0xFFFFFF80  }
0x1d3: {  	v1 =	vld @!p1 [tilespmem:$0xF188];
	_ =	sdelay $0x2  }
0x1d4: {  	s0 =	sshll.u32 @!p1 s11, $0x9  }
0x1d5: {  	s2 =	sshrl.u32 @!p1 s0, $0x2  }
0x1d6: {  	[tilespmem:s2+$0xF238] =	vst.add.f32.msk @!p1 $0xffff, v1  }
0x1d7: {  	v1 =	vld @!p1 [tilespmem:$0xF198];
	_ =	sdelay $0x4  }
0x1d8: {  	[tilespmem:s2+$0xF248] =	vst.add.f32.msk @!p1 $0xffff, v1  }
0x1d9: {  	v1 =	vld @!p1 [tilespmem:$0xF1A8];
	_ =	sdelay $0x4  }
0x1da: {  	[tilespmem:s2+$0xF258] =	vst.add.f32.msk @!p1 $0xffff, v1  }
0x1db: {  	v1 =	vld @!p1 [tilespmem:$0xF1B8];
	_ =	sdelay $0x4  }
0x1dc: {  	[tilespmem:s2+$0xF268] =	vst.add.f32.msk @!p1 $0xffff, v1  }
0x1dd: {  	v1 =	vld @!p1 [tilespmem:$0xF1C8];
	_ =	sdelay $0x4  }
0x1de: {  	[tilespmem:s2+$0xF278] =	vst.add.f32.msk @!p1 $0xffff, v1  }
0x1df: {  	v1 =	vld @!p1 [tilespmem:$0xF1D8];
	_ =	sdelay $0x4  }
0x1e0: {  	[tilespmem:s2+$0xF288] =	vst.add.f32.msk @!p1 $0xffff, v1  }
0x1e1: {  	v1 =	vld @!p1 [tilespmem:$0xF1E8];
	_ =	sdelay $0x4  }
0x1e2: {  	[tilespmem:s2+$0xF298] =	vst.add.f32.msk @!p1 $0xffff, v1  }
0x1e3: {  	v1 =	vld @!p1 [tilespmem:$0xF1F8];
	_ =	sdelay $0x4  }
0x1e4: {  	[tilespmem:s2+$0xF2A8] =	vst.add.f32.msk @!p1 $0xffff, v1  }
0x1e5: {  	s0 =	sshrl.u32 s0, $0x2;
	[tilespmem:s6+$0xF218] =	vst.msk $0x1, v0  }
0x1e6: {  	v0 =	vld [tilespmem:s0+$0xF238];
	_ =	sdelay $0x2  }
0x1e7: {  	s31 =	sshll.u32 s6, $0x9  }
0x1e8: {  	s2 =	sshra.s32 s31, $0x2  }
0x1e9: {  	[tilespmem:s2+$0xF238] =	vst v0  }
0x1ea: {  	v0 =	vld [tilespmem:s0+$0xF248];
	_ =	sdelay $0x4  }
0x1eb: {  	[tilespmem:s2+$0xF248] =	vst v0  }
0x1ec: {  	v0 =	vld [tilespmem:s0+$0xF258];
	_ =	sdelay $0x4  }
0x1ed: {  	[tilespmem:s2+$0xF258] =	vst v0  }
0x1ee: {  	v0 =	vld [tilespmem:s0+$0xF268];
	_ =	sdelay $0x4  }
0x1ef: {  	[tilespmem:s2+$0xF268] =	vst v0  }
0x1f0: {  	v0 =	vld [tilespmem:s0+$0xF278];
	_ =	sdelay $0x4  }
0x1f1: {  	[tilespmem:s2+$0xF278] =	vst v0  }
0x1f2: {  	v0 =	vld [tilespmem:s0+$0xF288];
	_ =	sdelay $0x4  }
0x1f3: {  	[tilespmem:s2+$0xF288] =	vst v0  }
0x1f4: {  	v0 =	vld [tilespmem:s0+$0xF298];
	_ =	sdelay $0x4  }
0x1f5: {  	[tilespmem:s2+$0xF298] =	vst v0  }
0x1f6: {  	v0 =	vld [tilespmem:s0+$0xF2A8];
	_ =	sdelay $0x4  }
0x1f7: {  	s6 =	sadd.s32 $0x1, s6;
	[tilespmem:s2+$0xF2A8] =	vst v0  }
.LBB3_33:
0x1f8: {  	s11 =	sadd.s32 $0x1, s11  }
0x1f9: {  	p1 =	sne.s32 s11, $0x20  }
.Ltmp28:
0x1fa: {  	_ = 	snop;
	(pc) =	sbr.rel @!p1 .LBB3_34-.Ltmp28, $1  }
0x1fb: {  	_ =	sdelay $0x3  }
.LBB3_26:
0x1fc: {  	v0 =	vld.msk [tilespmem:s11+$0xF218], $0x1;
	_ =	sdelay $0x4  }
0x1fd: {  	(v2sf) =	vpush v0, $0x0;
	_ =	sdelay $0xe  }
0x1fe: {  	s12 =	spop (v2sf)  }
0x1ff: {  	p1 =	seq.s32 s12, $0xFFFFFFFF  }
.Ltmp29:
0x200: {  	_ = 	snop;
	(pc) =	sbr.rel @p1 .LBB3_33-.Ltmp29, $1  }
0x201: {  	_ =	sdelay $0x3  }
0x202: {  	p1 =	slt.s32 s6, $0x1  }
.Ltmp30:
0x203: {  	_ = 	snop;
	(pc) =	sbr.rel @p1 .LBB3_32-.Ltmp30, $1  }
0x204: {  	_ =	sdelay $0x3  }
0x205: {  	s13 =	simm.s32 $0xF218;
	p1 =	por $0x0, $0x0  }
0x206: {  	v1 =	vld.msk @!p1 [tilespmem:s13+$0x0], $0x1;
	_ =	sdelay $0x4  }
0x207: {  	(v2sf) =	vpush @!p1 v1, $0x0;
	_ =	sdelay $0xd  }
0x208: {  	p3 =	sne.s32 s6, $0x1  }
.Ltmp31:
0x209: {  	s0 =	spop @!p1 (v2sf);
	(pc) =	sbr.rel @!p3 .LBB3_30-.Ltmp31, $4  }
0x20a: {  	p2 =	seq.s32 @!p1 s12, s0  }
0x20b: {  	s14 =	simm.s32 $0x0;
	p2 =	por !p2, p1  }
0x20c: {  	s2 =	simm.s32 $0xFFFFFFFF;
	s14 =	simm.s32 @p2 $0xFFFFFFFF  }
0x20d: {  	s0 =	simm.s32 $0x1;
	s14 =	smov.u32 @p1 s2  }
.LBB3_29:
0x20e: {  	s2 =	smov.u32 s14;
	p1 =	sne.s32 s14, $0xFFFFFFFF  }
0x20f: {  	s13 =	sadd.s32 $0x1, s13;
	s14 =	smov.u32 s0;
	s0 =	sadd.s32 $0x1, s0  }
0x210: {  	p2 =	sne.s32 s6, s0;
	v1 =	vld.msk @!p1 [tilespmem:s13+$0x0], $0x1;
	_ =	sdelay $0x4  }
0x211: {  	(v2sf) =	vpush @!p1 v1, $0x0;
	_ =	sdelay $0xe  }
.Ltmp32:
0x212: {  	s3 =	spop @!p1 (v2sf);
	(pc) =	sbr.rel @p2 .LBB3_29-.Ltmp32, $4  }
0x213: {  	p3 =	seq.s32 @!p1 s12, s3  }
0x214: {  	p3 =	por !p3, p1  }
0x215: {  	s14 =	simm.s32 @p3 $0xFFFFFFFF  }
0x216: {  	s14 =	smov.u32 @p1 s2  }
.LBB3_30:
0x217: {  	p1 =	seq.s32 s14, $0xFFFFFFFF  }
.Ltmp33:
0x218: {  	_ = 	snop;
	(pc) =	sbr.rel @p1 .LBB3_32-.Ltmp33, $1  }
0x219: {  	_ =	sdelay $0x3  }
0x21a: {  	s0 =	sshll.u32 s11, $0x7  }
0x21b: {  	s0 =	sand.u32 $0x3FFFFF80, s0  }
0x21c: {  	v0 =	vld [tilespmem:s0+$0xF238];
	_ =	sdelay $0x2  }
0x21d: {  	s2 =	sshll.u32 s14, $0x9  }
0x21e: {  	s2 =	sshra.s32 s2, $0x2  }
0x21f: {  	[tilespmem:s2+$0xF238] =	vst.add.f32.msk $0xffff, v0  }
0x220: {  	v0 =	vld [tilespmem:s0+$0xF248];
	_ =	sdelay $0x4  }
0x221: {  	[tilespmem:s2+$0xF248] =	vst.add.f32.msk $0xffff, v0  }
0x222: {  	v0 =	vld [tilespmem:s0+$0xF258];
	_ =	sdelay $0x4  }
0x223: {  	[tilespmem:s2+$0xF258] =	vst.add.f32.msk $0xffff, v0  }
0x224: {  	v0 =	vld [tilespmem:s0+$0xF268];
	_ =	sdelay $0x4  }
0x225: {  	[tilespmem:s2+$0xF268] =	vst.add.f32.msk $0xffff, v0  }
0x226: {  	v0 =	vld [tilespmem:s0+$0xF278];
	_ =	sdelay $0x4  }
0x227: {  	[tilespmem:s2+$0xF278] =	vst.add.f32.msk $0xffff, v0  }
0x228: {  	v0 =	vld [tilespmem:s0+$0xF288];
	_ =	sdelay $0x4  }
0x229: {  	[tilespmem:s2+$0xF288] =	vst.add.f32.msk $0xffff, v0  }
0x22a: {  	v0 =	vld [tilespmem:s0+$0xF298];
	_ =	sdelay $0x4  }
0x22b: {  	[tilespmem:s2+$0xF298] =	vst.add.f32.msk $0xffff, v0  }
0x22c: {  	v0 =	vld [tilespmem:s0+$0xF2A8]  }
.Ltmp34:
0x22d: {  	_ = 	snop;
	(pc) =	sbr.rel .LBB3_33-.Ltmp34, $2  }
0x22e: {  	_ =	sdelay $0x2  }
0x22f: {  	[tilespmem:s2+$0xF2A8] =	vst.add.f32.msk $0xffff, v0  }
.LBB3_34:
0x230: {  	s0 =	simm.s32 $0x6;
	p1 =	seq.s32 s6, $0x0  }
0x231: {  	[sflag:s0] =	ssyncpa.u1 $0x1;
	v0 =	vimm.s32 @p1 $0xFFFFFFFF  }
0x232: {  	s9 =	sadd.s32 $0xFFFFFFFF, s6;
	[tilespmem:$0x10238] =	vst @p1 v0  }
0x233: {  	v0 =	vld.msk @!p1 [tilespmem:s9+$0xF218], $0x1;
	_ =	sdelay $0x1  }
0x234: {  	v1 =	vld.msk @!p1 [tilespmem:$0xF218], $0x1;
	_ =	sdelay $0x2  }
0x235: {  	p2 =	seq.s32 @!p1 s9, $0x0;
	v0 =	vbroadcast @!p1 v0, $0x0  }
0x236: {  	vm0 =	vmmov @!p1 $0x1;
	p2 =	por !p2, p1  }
0x237: {  	v1 =	vnsel @!p1 vm0, $0xFFFFFFFF, v1;
	vm0 =	vcmask @!p1 $0x308;
	v0 =	vpsel !p2, $0xFFFFFFFF, v0  }
0x238: {  	p2 =	sne.s32 @!p1 s8, s7;
	v0 =	vsel @!p1 vm0, v1, v0  }
0x239: {  	s0 =	simm.s32 @!p1 $0xF238;
	s2 =	simm.s32 @!p1 $0x0;
	p3 =	por !p2, p1;
	[tilespmem:$0x10238] =	vst @!p1 v0  }
0x23a: {  	[spmem:s2] =	stream.linear.scatter @!p1 [tilespmem:s0], [sflag:$0x1], $0x80, $0x38;
	[tilespmem:$0x1F6F8] =	vst v63  }
0x23b: {  	s0 =	sshll.u32 @!p3 s9, $0x9  }
0x23c: {  	s0 =	sshra.s32 @!p3 s0, $0x2  }
0x23d: {  	s2 =	simm.s32 @!p3 $0x80;
	s0 =	sadd.s32 @!p3 $0xF238, s0  }
0x23e: {  	[spmem:s2] =	stream.linear.scatter @!p3 [tilespmem:s0], [sflag:$0x1], $0x80, $0x38;
	[tilespmem:$0x1F6F8] =	vst v63  }
0x23f: {  	s0 =	simm.s32 @!p3 $0x1  }
0x240: {  	_ =	swait.ge @!p3 [sflag:s0], $0x100  }
0x241: {  	p1 =	por p2, p1;
	[sflag:s0] =	ssyncset.done @!p3 $0x0  }
0x242: {  	[sflag:s0] =	ssyncadd.s32 @!p3 $0xFFFFFF00;
	s0 =	simm.s32 @!p1 $0x1  }
0x243: {  	_ =	swait.ge @!p1 [sflag:s0], $0x80  }
0x244: {  	s29 =	simm.s32 $0x10238;
	[sflag:s0] =	ssyncset.done @!p1 $0x0  }
0x245: {  	s30 =	simm.s32 $0x1000;
	s31 =	simm.s32 $0x1;
	[sflag:s0] =	ssyncadd.s32 @!p1 $0xFFFFFF80  }
0x246: {  	[spmem:s30] =	stream.linear.scatter [tilespmem:s29], [sflag:$0x1], $0x10, $0x38;
	[tilespmem:$0x1F6F8] =	vst v63  }
0x247: {  	_ =	swait.ge [sflag:s31], $0x10  }
0x248: {  	[sflag:s31] =	ssyncset.done $0x0  }
0x249: {  	p1 =	seq.s32 s15, $0x0;
	s8 =	rddreg [dreg:$0x1];
	[sflag:s31] =	ssyncadd.s32 $0xFFFFFFF0  }
0x24a: {  	s2 =	sshll.u32 @p1 s8, $0xE;
	s7 =	rddreg [dreg:$0x2]  }
0x24b: {  	s0 =	sadd.s32 @p1 $0x15C3C, s2;
	s2 =	sshll.u32 @p1 s7, $0x11  }
0x24c: {  	_ =	sfence.stream.spmem;
	s0 =	sor.u32 @p1 s2, s0  }
0x24d: {  	[sflag:s0] =	ssyncadd.remote.s32 @p1 $0x1;
	s0 =	simm.s32 @p1 $0x4  }
0x24e: {  	s3 =	simm.s32 @!p1 $0x3C;
	s2 =	sand.u32 $0xFFFFFFFE, s8;
	_ =	swait.ge @p1 [sflag:s0], $0x22  }
0x24f: {  	s4 =	simm.s32 @!p1 $0x0;
	s2 =	sadd.s32 @!p1 $0x4, s2;
	[sflag:s0] =	ssyncset.done @p1 $0x0  }
0x250: {  	s5 =	simm.s32 @!p1 $0x100;
	[sflag:s0] =	ssyncadd.s32 @p1 $0xFFFFFFDE;
	s0 =	sshll.u32 @!p1 s2, $0x1A  }
0x251: {  	s2 =	sshll.u32 @!p1 s2, $0xD;
	s0 =	sor.u32 @!p1 s0, s7;
	_ =	swait.eq @!p1 [sflag:s3], $0x1  }
0x252: {  	s2 =	sor.u32 @!p1 $0x1C04, s2;
	s3 =	simm.s32 @!p1 $0x1C03;
	s0 =	sor.u32 @!p1 $0x80004000, s0  }
0x253: {  	[spmem:s5], [sflag:s2] =	dma.general @!p1 [spmem:s4], [sflag:s3], length:$0x20, [dreg:$0x0], stride_count:$0x0, ici_dest:s0, dma_misc:DstOpCode:WRITE  }
0x254: {  	p2 =	slt.s32 s9, $0x2;
	s4 =	simm.s32 @!p1 $0x200;
	s5 =	simm.s32 @!p1 $0x202  }
0x255: {  	[spmem:s5], [sflag:s2] =	dma.general @!p1 [spmem:s4], [sflag:s3], length:$0x2, [dreg:$0x0], stride_count:$0x0, ici_dest:s0, dma_misc:DstOpCode:WRITE  }
.Ltmp35:
0x256: {  	s0 =	simm.s32 @!p1 $0x3;
	(pc) =	sbr.rel @p2 .LBB3_38-.Ltmp35, $4  }
0x257: {  	s2 =	sshll.u32 @!p1 s8, $0xE;
	_ =	swait.ge @!p1 [sflag:s0], $0x22  }
0x258: {  	s3 =	sshll.u32 @!p1 s7, $0x11;
	s2 =	sadd.s32 @!p1 $0x11C3C, s2;
	[sflag:s0] =	ssyncset.done @!p1 $0x0  }
0x259: {  	[sflag:s0] =	ssyncadd.s32 @!p1 $0xFFFFFFDE;
	s0 =	sor.u32 @!p1 s3, s2  }
0x25a: {  	[sflag:s0] =	ssyncadd.remote.s32 @!p1 $0xFFFFFFFF;
	s0 =	simm.s32 $0x0  }
0x25b: {  	s0 =	simm.s32 $0xF219  }
0x25c: {  	v0 =	vld.msk [tilespmem:s0+$0x0], $0x1;
	_ =	sdelay $0x4  }
0x25d: {  	(v2sf) =	vpush v0, $0x0;
	_ =	sdelay $0xb  }
0x25e: {  	s31 =	sadd.s32 $0xFFFFFFFE, s6  }
0x25f: {  	s0 =	sadd.s32 $0xFFFFFFFF, s31  }
0x260: {  	p2 =	sne.s32 s0, $0x0  }
.Ltmp36:
0x261: {  	s2 =	spop (v2sf);
	(pc) =	sbr.rel @!p2 .LBB3_37-.Ltmp36, $4  }
0x262: {  	s4 =	simm.s32 $0xF2B8;
	s7 =	simm.s32 $0x0;
	p1 =	sgt.u32 s2, $0x270F0  }
0x263: {  	s5 =	simm.s32 $0x0;
	s6 =	simm.s32 $0xF21A;
	s3 =	sand.u32 @!p1 $0x3FFF8, s2  }
0x264: {  	s2 =	sand.u32 @!p1 $0x7, s2;
	s7 =	simm.s32 @!p1 $0x200;
	s3 =	sadd.s32 @!p1 s1, s3  }
0x265: {  	[hbm4b:s3+s2] =	stream.linear.scatter @!p1 [tilespmem:s4], [sflag:$0x5], $0x80, $0x38;
	[tilespmem:$0x1F6F8] =	vst v63  }
.LBB3_36:
0x266: {  	v0 =	vld.msk [tilespmem:s6+$0x0], $0x1;
	s0 =	sadd.s32 $0xFFFFFFFF, s0;
	s5 =	sadd.s32 s5, s7  }
0x267: {  	p1 =	sne.s32 s0, $0x0;
	_ =	sdelay $0x3  }
0x268: {  	(v2sf) =	vpush v0, $0x0;
	_ =	sdelay $0xe  }
.Ltmp37:
0x269: {  	s2 =	spop (v2sf);
	(pc) =	sbr.rel @p1 .LBB3_36-.Ltmp37, $4  }
0x26a: {  	s7 =	simm.s32 $0x0;
	p2 =	sgt.u32 s2, $0x270F0  }
0x26b: {  	s4 =	sadd.s32 $0x80, s4;
	s7 =	simm.s32 @!p2 $0x200;
	s3 =	sand.u32 @!p2 $0x3FFF8, s2  }
0x26c: {  	s6 =	sadd.s32 $0x1, s6;
	s2 =	sand.u32 @!p2 $0x7, s2;
	s3 =	sadd.s32 @!p2 s1, s3  }
0x26d: {  	[hbm4b:s3+s2] =	stream.linear.scatter @!p2 [tilespmem:s4], [sflag:$0x5], $0x80, $0x38;
	[tilespmem:$0x1F6F8] =	vst v63  }
.LBB3_37:
0x26e: {  	s0 =	sadd.s32 s5, s7  }
0x26f: {  	s0 =	sshrl.u32 s0, $0x2  }
.LBB3_38:
0x270: {  	s2 =	simm.s32 $0x5  }
0x271: {  	_ =	swait.ge [sflag:s2], s0  }
0x272: {  	s31 =	ssub.s32 $0x0, s0;
	[sflag:s2] =	ssyncset.done $0x0  }
0x273: {  	[sflag:s2] =	ssyncadd.s32 s31  }
0x274: {  	[sflag:s2] =	ssyncpa.u1 $0x1  }
.LBB3_39:
0x275: {  	s0 =	sor.u32 s15, s16  }
0x276: {  	p1 =	sne.s32 s0, $0x0  }
.Ltmp38:
0x277: {  	_ = 	snop;
	(pc) =	sbr.rel @p1 .LBB3_54-.Ltmp38, $3  }
0x278: {  	_ =	sdelay $0x1  }
0x279: {  	[bflag:$0x0] =	sbarrier.arrive $0xFFFF  }
0x27a: {  	_ =	sfence  }
0x27b: {  	s0 =	simm.s32 $0x7  }
0x27c: {  	s2 =	simm.s32 $0x1000;
	s3 =	simm.s32 $0xF218;
	[sflag:s0] =	ssyncpa.u1 $0x0  }
0x27d: {  	[tilespmem:s3], [sflag:$0x7] =	stream.linear.gather [spmem:s2], $0x20, $0x38;
	[tilespmem:$0x1F6F8] =	vst v63  }
0x27e: {  	s30 =	simm.s32 $0xF238;
	s2 =	simm.s32 $0x0  }
0x27f: {  	[tilespmem:s30], [sflag:$0x7] =	stream.linear.gather [spmem:s2], $0x1000, $0x38;
	[tilespmem:$0x1F6F8] =	vst v63  }
.Ltmp39:
0x280: {  	_ = 	snop;
	(pc) =	sbr.rel .LBB3_41-.Ltmp39, $4  }
0x281: {  	_ =	swait.ge [sflag:s0], $0x1020  }
0x282: {  	[sflag:s0] =	ssyncset.done $0x0  }
0x283: {  	s31 =	simm.s32 $0x8;
	[sflag:s0] =	ssyncadd.s32 $0xFFFFEFE0  }
0x284: {  	s3 =	simm.s32 $0x0;
	[sflag:s31] =	ssyncpa.u1 $0x0  }
.LBB3_47:
0x285: {  	p1 =	slt.u32 s4, $0x270F1  }
0x286: {  	s0 =	sand.u32 @p1 $0x3FFF8, s4  }
0x287: {  	s4 =	sand.u32 @p1 $0x7, s4;
	s5 =	simm.s32 @p1 $0xF188;
	s0 =	sadd.s32 @p1 s1, s0  }
0x288: {  	[tilespmem:s5], [sflag:$0x8] =	stream.linear.gather @p1 [hbm4b:s0+s4], $0x80, $0x38;
	[tilespmem:$0x1F6F8] =	vst v63  }
0x289: {  	s0 =	simm.s32 @p1 $0x8  }
0x28a: {  	_ =	swait.ge @p1 [sflag:s0], $0x80  }
0x28b: {  	[sflag:s0] =	ssyncset.done @p1 $0x0  }
0x28c: {  	[sflag:s0] =	ssyncadd.s32 @p1 $0xFFFFFF80  }
0x28d: {  	v1 =	vld @p1 [tilespmem:$0xF188];
	_ =	sdelay $0x2  }
0x28e: {  	s0 =	sshll.u32 @p1 s3, $0x9  }
0x28f: {  	s4 =	sshrl.u32 @p1 s0, $0x2  }
0x290: {  	[tilespmem:s4+$0xF238] =	vst.add.f32.msk @p1 $0xffff, v1  }
0x291: {  	v1 =	vld @p1 [tilespmem:$0xF198];
	_ =	sdelay $0x4  }
0x292: {  	[tilespmem:s4+$0xF248] =	vst.add.f32.msk @p1 $0xffff, v1  }
0x293: {  	v1 =	vld @p1 [tilespmem:$0xF1A8];
	_ =	sdelay $0x4  }
0x294: {  	[tilespmem:s4+$0xF258] =	vst.add.f32.msk @p1 $0xffff, v1  }
0x295: {  	v1 =	vld @p1 [tilespmem:$0xF1B8];
	_ =	sdelay $0x4  }
0x296: {  	[tilespmem:s4+$0xF268] =	vst.add.f32.msk @p1 $0xffff, v1  }
0x297: {  	v1 =	vld @p1 [tilespmem:$0xF1C8];
	_ =	sdelay $0x4  }
0x298: {  	[tilespmem:s4+$0xF278] =	vst.add.f32.msk @p1 $0xffff, v1  }
0x299: {  	v1 =	vld @p1 [tilespmem:$0xF1D8];
	_ =	sdelay $0x4  }
0x29a: {  	[tilespmem:s4+$0xF288] =	vst.add.f32.msk @p1 $0xffff, v1  }
0x29b: {  	v1 =	vld @p1 [tilespmem:$0xF1E8];
	_ =	sdelay $0x4  }
0x29c: {  	[tilespmem:s4+$0xF298] =	vst.add.f32.msk @p1 $0xffff, v1  }
0x29d: {  	v1 =	vld @p1 [tilespmem:$0xF1F8];
	_ =	sdelay $0x3  }
0x29e: {  	s5 =	sshll.u32 @!p1 s3, $0x9  }
0x29f: {  	s5 =	smov.u32 @p1 s0;
	[tilespmem:s4+$0xF2A8] =	vst.add.f32.msk @p1 $0xffff, v1  }
0x2a0: {  	s0 =	sshrl.u32 s5, $0x2;
	[tilespmem:s2+$0xF218] =	vst.msk $0x1, v0  }
0x2a1: {  	v0 =	vld [tilespmem:s0+$0xF238];
	_ =	sdelay $0x2  }
0x2a2: {  	s31 =	sshll.u32 s2, $0x9  }
0x2a3: {  	s4 =	sshra.s32 s31, $0x2  }
0x2a4: {  	[tilespmem:s4+$0xF238] =	vst v0  }
0x2a5: {  	v0 =	vld [tilespmem:s0+$0xF248];
	_ =	sdelay $0x4  }
0x2a6: {  	[tilespmem:s4+$0xF248] =	vst v0  }
0x2a7: {  	v0 =	vld [tilespmem:s0+$0xF258];
	_ =	sdelay $0x4  }
0x2a8: {  	[tilespmem:s4+$0xF258] =	vst v0  }
0x2a9: {  	v0 =	vld [tilespmem:s0+$0xF268];
	_ =	sdelay $0x4  }
0x2aa: {  	[tilespmem:s4+$0xF268] =	vst v0  }
0x2ab: {  	v0 =	vld [tilespmem:s0+$0xF278];
	_ =	sdelay $0x4  }
0x2ac: {  	[tilespmem:s4+$0xF278] =	vst v0  }
0x2ad: {  	v0 =	vld [tilespmem:s0+$0xF288];
	_ =	sdelay $0x4  }
0x2ae: {  	[tilespmem:s4+$0xF288] =	vst v0  }
0x2af: {  	v0 =	vld [tilespmem:s0+$0xF298];
	_ =	sdelay $0x4  }
0x2b0: {  	[tilespmem:s4+$0xF298] =	vst v0  }
0x2b1: {  	v0 =	vld [tilespmem:s0+$0xF2A8];
	_ =	sdelay $0x4  }
0x2b2: {  	s2 =	sadd.s32 $0x1, s2;
	[tilespmem:s4+$0xF2A8] =	vst v0  }
.LBB3_48:
0x2b3: {  	s3 =	sadd.s32 $0x1, s3  }
0x2b4: {  	p1 =	sne.s32 s3, $0x20  }
.Ltmp40:
0x2b5: {  	_ = 	snop;
	(pc) =	sbr.rel @!p1 .LBB3_49-.Ltmp40, $1  }
0x2b6: {  	_ =	sdelay $0x3  }
.LBB3_41:
0x2b7: {  	v0 =	vld.msk [tilespmem:s3+$0xF218], $0x1;
	_ =	sdelay $0x4  }
0x2b8: {  	(v2sf) =	vpush v0, $0x0;
	_ =	sdelay $0xe  }
0x2b9: {  	s4 =	spop (v2sf)  }
0x2ba: {  	p1 =	seq.s32 s4, $0xFFFFFFFF  }
.Ltmp41:
0x2bb: {  	_ = 	snop;
	(pc) =	sbr.rel @p1 .LBB3_48-.Ltmp41, $1  }
0x2bc: {  	_ =	sdelay $0x3  }
0x2bd: {  	p1 =	slt.s32 s2, $0x1  }
.Ltmp42:
0x2be: {  	_ = 	snop;
	(pc) =	sbr.rel @p1 .LBB3_47-.Ltmp42, $1  }
0x2bf: {  	_ =	sdelay $0x3  }
0x2c0: {  	s5 =	simm.s32 $0xF218;
	p1 =	por $0x0, $0x0  }
0x2c1: {  	v1 =	vld.msk @!p1 [tilespmem:s5+$0x0], $0x1;
	_ =	sdelay $0x4  }
0x2c2: {  	(v2sf) =	vpush @!p1 v1, $0x0;
	_ =	sdelay $0xd  }
0x2c3: {  	p3 =	sne.s32 s2, $0x1  }
.Ltmp43:
0x2c4: {  	s0 =	spop @!p1 (v2sf);
	(pc) =	sbr.rel @!p3 .LBB3_45-.Ltmp43, $4  }
0x2c5: {  	p2 =	seq.s32 @!p1 s4, s0  }
0x2c6: {  	s6 =	simm.s32 $0x0;
	p2 =	por !p2, p1  }
0x2c7: {  	s7 =	simm.s32 $0xFFFFFFFF;
	s6 =	simm.s32 @p2 $0xFFFFFFFF  }
0x2c8: {  	s0 =	simm.s32 $0x1;
	s6 =	smov.u32 @p1 s7  }
.LBB3_44:
0x2c9: {  	s7 =	smov.u32 s6;
	p1 =	sne.s32 s6, $0xFFFFFFFF  }
0x2ca: {  	s5 =	sadd.s32 $0x1, s5;
	s6 =	smov.u32 s0;
	s0 =	sadd.s32 $0x1, s0  }
0x2cb: {  	p2 =	sne.s32 s2, s0;
	v1 =	vld.msk @!p1 [tilespmem:s5+$0x0], $0x1;
	_ =	sdelay $0x4  }
0x2cc: {  	(v2sf) =	vpush @!p1 v1, $0x0;
	_ =	sdelay $0xe  }
.Ltmp44:
0x2cd: {  	s8 =	spop @!p1 (v2sf);
	(pc) =	sbr.rel @p2 .LBB3_44-.Ltmp44, $4  }
0x2ce: {  	p3 =	seq.s32 @!p1 s4, s8  }
0x2cf: {  	p3 =	por !p3, p1  }
0x2d0: {  	s6 =	simm.s32 @p3 $0xFFFFFFFF  }
0x2d1: {  	s6 =	smov.u32 @p1 s7  }
.LBB3_45:
0x2d2: {  	p1 =	seq.s32 s6, $0xFFFFFFFF  }
.Ltmp45:
0x2d3: {  	_ = 	snop;
	(pc) =	sbr.rel @p1 .LBB3_47-.Ltmp45, $1  }
0x2d4: {  	_ =	sdelay $0x3  }
0x2d5: {  	s0 =	sshll.u32 s3, $0x7  }
0x2d6: {  	s0 =	sand.u32 $0x3FFFFF80, s0  }
0x2d7: {  	v0 =	vld [tilespmem:s0+$0xF238];
	_ =	sdelay $0x2  }
0x2d8: {  	s4 =	sshll.u32 s6, $0x9  }
0x2d9: {  	s4 =	sshra.s32 s4, $0x2  }
0x2da: {  	[tilespmem:s4+$0xF238] =	vst.add.f32.msk $0xffff, v0  }
0x2db: {  	v0 =	vld [tilespmem:s0+$0xF248];
	_ =	sdelay $0x4  }
0x2dc: {  	[tilespmem:s4+$0xF248] =	vst.add.f32.msk $0xffff, v0  }
0x2dd: {  	v0 =	vld [tilespmem:s0+$0xF258];
	_ =	sdelay $0x4  }
0x2de: {  	[tilespmem:s4+$0xF258] =	vst.add.f32.msk $0xffff, v0  }
0x2df: {  	v0 =	vld [tilespmem:s0+$0xF268];
	_ =	sdelay $0x4  }
0x2e0: {  	[tilespmem:s4+$0xF268] =	vst.add.f32.msk $0xffff, v0  }
0x2e1: {  	v0 =	vld [tilespmem:s0+$0xF278];
	_ =	sdelay $0x4  }
0x2e2: {  	[tilespmem:s4+$0xF278] =	vst.add.f32.msk $0xffff, v0  }
0x2e3: {  	v0 =	vld [tilespmem:s0+$0xF288];
	_ =	sdelay $0x4  }
0x2e4: {  	[tilespmem:s4+$0xF288] =	vst.add.f32.msk $0xffff, v0  }
0x2e5: {  	v0 =	vld [tilespmem:s0+$0xF298];
	_ =	sdelay $0x4  }
0x2e6: {  	[tilespmem:s4+$0xF298] =	vst.add.f32.msk $0xffff, v0  }
0x2e7: {  	v0 =	vld [tilespmem:s0+$0xF2A8]  }
.Ltmp46:
0x2e8: {  	_ = 	snop;
	(pc) =	sbr.rel .LBB3_48-.Ltmp46, $2  }
0x2e9: {  	_ =	sdelay $0x2  }
0x2ea: {  	[tilespmem:s4+$0xF2A8] =	vst.add.f32.msk $0xffff, v0  }
.LBB3_49:
0x2eb: {  	p1 =	slt.s32 s2, $0x1  }
.Ltmp47:
0x2ec: {  	_ = 	snop;
	(pc) =	sbr.rel @p1 .LBB3_53-.Ltmp47, $3  }
0x2ed: {  	_ =	sdelay $0x1  }
0x2ee: {  	s0 =	simm.s32 $0x8  }
0x2ef: {  	s3 =	simm.s32 $0x0;
	[sflag:s0] =	ssyncpa.u1 $0x1  }
0x2f0: {  	s0 =	simm.s32 $0xF218  }
0x2f1: {  	v0 =	vld.msk [tilespmem:s0+$0x0], $0x1;
	_ =	sdelay $0x4  }
0x2f2: {  	(v2sf) =	vpush v0, $0x0;
	_ =	sdelay $0xe  }
0x2f3: {  	s0 =	sadd.s32 $0xFFFFFFFF, s2;
	s5 =	spop (v2sf)  }
0x2f4: {  	p2 =	sne.s32 s0, $0x0;
	p1 =	sgt.u32 s5, $0x270F0  }
.Ltmp48:
0x2f5: {  	s6 =	sand.u32 @!p1 $0x3FFF8, s5;
	(pc) =	sbr.rel @!p2 .LBB3_52-.Ltmp48, $4  }
0x2f6: {  	s4 =	simm.s32 $0xF238;
	s5 =	sand.u32 @!p1 $0x7, s5;
	s2 =	sadd.s32 @!p1 s1, s6  }
0x2f7: {  	[hbm4b:s2+s5] =	stream.linear.scatter @!p1 [tilespmem:s4], [sflag:$0x7], $0x80, $0x38;
	[tilespmem:$0x1F6F8] =	vst v63  }
0x2f8: {  	s5 =	simm.s32 $0x0  }
0x2f9: {  	s2 =	simm.s32 $0xF219;
	s5 =	simm.s32 @!p1 $0x200  }
.LBB3_51:
0x2fa: {  	v0 =	vld.msk [tilespmem:s2+$0x0], $0x1;
	s0 =	sadd.s32 $0xFFFFFFFF, s0;
	s3 =	sadd.s32 s3, s5  }
0x2fb: {  	p1 =	sne.s32 s0, $0x0;
	_ =	sdelay $0x3  }
0x2fc: {  	(v2sf) =	vpush v0, $0x0;
	_ =	sdelay $0xe  }
.Ltmp49:
0x2fd: {  	s6 =	spop (v2sf);
	(pc) =	sbr.rel @p1 .LBB3_51-.Ltmp49, $4  }
0x2fe: {  	s5 =	simm.s32 $0x0;
	p2 =	sgt.u32 s6, $0x270F0  }
0x2ff: {  	s4 =	sadd.s32 $0x80, s4;
	s5 =	simm.s32 @!p2 $0x200;
	s7 =	sand.u32 @!p2 $0x3FFF8, s6  }
0x300: {  	s2 =	sadd.s32 $0x1, s2;
	s6 =	sand.u32 @!p2 $0x7, s6;
	s7 =	sadd.s32 @!p2 s1, s7  }
0x301: {  	[hbm4b:s7+s6] =	stream.linear.scatter @!p2 [tilespmem:s4], [sflag:$0x7], $0x80, $0x38;
	[tilespmem:$0x1F6F8] =	vst v63  }
.LBB3_52:
0x302: {  	s0 =	sadd.s32 s3, s5  }
0x303: {  	s3 =	sshrl.u32 s0, $0x2  }
.LBB3_53:
0x304: {  	s0 =	simm.s32 $0x7  }
0x305: {  	_ =	swait.ge [sflag:s0], s3  }
0x306: {  	s1 =	ssub.s32 $0x0, s3;
	[sflag:s0] =	ssyncset.done $0x0  }
0x307: {  	[sflag:s0] =	ssyncadd.s32 s1  }
0x308: {  	[sflag:s0] =	ssyncpa.u1 $0x1  }
.LBB3_54:
0x309: {  	_ =	sfence;
	s0 =	simm.s32 $0x1  }
0x30a: {  	[sflag:s0] =	ssyncpa.u1 $0x1  }
0x30b: {  	_ =	strace $0x90000053  }
0x30c: {  	[bflag:$0x2] =	sbarrier.arrive $0xFFFF  }
0x30d: {  	s0 =	rddreg [dreg:$0x3]  }
0x30e: {  	s0 =	sadd.s32 @!p0 $0x100000, s0  }
0x30f: {  	[sflag:s0] =	ssyncadd.tile.s32 @!p0 $0x1;
	_ =	shalt  }
.Lfunc_end3:
_tile_overlayer_lowered:
.L_overlay_start_3:
0x310: {  	(tag) =	ssettag $0x3  }
0x311: {  	s0 =	rddreg [dreg:$0x0];
	s2 =	stileid.u32  }
0x312: {  	s1 =	rddreg [dreg:$0x1];
	p0 =	sne.s32 s2, $0x0  }
0x313: {  	s3 =	rddreg [dreg:$0x2];
	[bflag:$0x3] =	sbarrier.arrive $0xFFFF;
	s2 =	simm.s32 @!p0 $0x1C01  }
0x314: {  	[timem:s3], [sflag:s2] =	dma.local @!p0 [hbm:s0], s1  }
0x315: {  	s0 =	simm.s32 @!p0 $0x1  }
0x316: {  	_ =	swait.ge @!p0 [sflag:s0], s1  }
0x317: {  	s1 =	ssub.s32 @!p0 $0x0, s1;
	[sflag:s0] =	ssyncset.done @!p0 $0x0  }
0x318: {  	[sflag:s0] =	ssyncadd.s32 @!p0 s1  }
0x319: {  	[bflag:$0x3] =	sbarrier.arrive $0xFFFF  }
0x31a: {  	_ =	shalt  }

// kernel: scatter_offload_async_start
scs
__scs_entry_jumppad:
0x0: {  	(pc) =	sbr.rel $0x88, $3  }
0x1: {  	(tag) =	ssettag $0x0;
	lr =	simm.s32 $0x1  }
0x2: {  	[smem:$0x3F8B] =	sst lr;
	_ =	strace $0xD0000000  }
0x3: {  	_ = 	snop  }
0x4: {  	_ = 	snop  }
0x5: {  	_ = 	snop  }
0x6: {  	_ = 	snop  }
0x7: {  	_ = 	snop  }
__scs_overlays_trampoline_lowered:
0x8: {  	[smem:$0x3F9A] =	sst s0  }
0x9: {  	[smem:$0x3F9B] =	sst s1  }
0xa: {  	[smem:$0x3F9C] =	sst s2  }
0xb: {  	[smem:$0x3F9D] =	sst s3  }
0xc: {  	[smem:$0x3F9E] =	sst s4  }
0xd: {  	[smem:$0x3F9F] =	sst s5  }
0xe: {  	[smem:$0x3FA0] =	sst s6  }
0xf: {  	[smem:$0x3FA1] =	sst s7  }
0x10: {  	[smem:$0x3FA2] =	sst s8  }
0x11: {  	[smem:$0x3FA3] =	sst s9;
	s0 =	simm.s32 @!p0 $0x0  }
0x12: {  	s1 =	sld [smem:$0x3F89];
	s0 =	simm.s32 @p0 $0x1  }
0x13: {  	[smem:$0x3FA4] =	sst s0;
	s0 =	simm.s32 @!p1 $0x0  }
0x14: {  	s2 =	sld [smem:$0x3F88];
	s0 =	simm.s32 @p1 $0x1  }
0x15: {  	[smem:$0x3FA5] =	sst s0;
	s0 =	simm.s32 @!p2 $0x0  }
0x16: {  	s3 =	sld [smem:$0x3FDB];
	s0 =	simm.s32 @p2 $0x1  }
0x17: {  	s4 =	simm.s32 $0x1BF5;
	[smem:$0x3FA7] =	sst s0  }
0x18: {  	s0 =	sld [smem:$0x3F8A];
	_ =	swait.ge [sflag:s4], $0x0  }
0x19: {  	s7 =	sld [smem:$0x3F8B]  }
0x1a: {  	s8 =	sadd.s32 $0xFFFFE003, lr  }
0x1b: {  	s9 =	sadd.s32 $0xFFFFFEF7, lr;
	s5 =	simm.s32 $0xFFFFFFFF;
	p2 =	slt.u32 s8, $0xFFFFF086  }
0x1c: {  	p1 =	slt.u32 s9, $0xF7A;
	s5 =	simm.s32 @!p2 $0x0  }
0x1d: {  	s5 =	simm.s32 @p1 $0x1;
	p0 =	seq.s32 s7, s2  }
0x1e: {  	s7 =	smul.u32 @!p0 $0xF7A, s2;
	p2 =	seq.s32 @!p0 s5, $0x0  }
0x1f: {  	s9 =	smul.u32 $0xF7A, s1;
	s8 =	simm.s32 @!p0 $0x1BF5;
	p2 =	por !p2, p0  }
0x20: {  	[sflag:s8] =	ssyncset.s32 @!p0 $0xFFFFF086;
	s6 =	sadd.s32 @!p0 s3, s7;
	s7 =	simm.s32 @!p0 $0x108  }
0x21: {  	s3 =	sadd.s32 s3, s9;
	s6 =	sadd.s32 @!p0 $0x88, s6;
	s7 =	simm.s32 @p2 $0x1082  }
0x22: {  	[simem:s7], [sflag:s8] =	dma.local @!p0 [hbm:s6], $0xF7A  }
0x23: {  	s9 =	sor.u32 $0xD0000000, s2;
	s6 =	simm.s32 $0x108;
	_ =	swait.ge @!p0 [sflag:s8], $0x0  }
0x24: {  	s3 =	sadd.s32 $0x88, s3;
	s6 =	simm.s32 @!p1 $0x1082;
	[sflag:s4] =	ssyncset.s32 $0xFFFFF086  }
0x25: {  	[simem:s6], [sflag:s4] =	dma.local [hbm:s3], $0xF7A  }
0x26: {  	[smem:$0x3F8B] =	sst s1;
	(tag) =	ssettag s2;
	_ =	strace s9  }
0x27: {  	s1 =	sld [smem:$0x3F9B]  }
0x28: {  	s2 =	sld [smem:$0x3F9C]  }
0x29: {  	s4 =	sld [smem:$0x3F9E]  }
0x2a: {  	p0 =	seq.s32 s5, $0x0;
	s5 =	sld [smem:$0x3F9F]  }
0x2b: {  	s6 =	sld [smem:$0x3FA0]  }
0x2c: {  	s7 =	sld [smem:$0x3FA1]  }
0x2d: {  	s3 =	simm.s32 $0x108;
	s8 =	sld [smem:$0x3FA2]  }
0x2e: {  	s3 =	simm.s32 @!p0 $0x1082;
	s9 =	sld [smem:$0x3FA3]  }
0x2f: {  	lr =	sadd.s32 s0, s3;
	s0 =	sld [smem:$0x3F9A]  }
0x30: {  	s3 =	sld [smem:$0x3F9D]  }
0x31: {  	[smem:$0x3FA6] =	sst s10  }
0x32: {  	s10 =	sld [smem:$0x3FA4];
	_ =	sdelay $0x3  }
0x33: {  	p0 =	seq.s32 s10, $0x1;
	s10 =	sld [smem:$0x3FA6];
	_ =	sdelay $0x3  }
0x34: {  	[smem:$0x3FA6] =	sst s10  }
0x35: {  	s10 =	sld [smem:$0x3FA5];
	_ =	sdelay $0x3  }
0x36: {  	p1 =	seq.s32 s10, $0x1;
	s10 =	sld [smem:$0x3FA6];
	_ =	sdelay $0x3  }
0x37: {  	[smem:$0x3FA6] =	sst s10  }
0x38: {  	s10 =	sld [smem:$0x3FA7]  }
0x39: {  	_ = 	snop;
	(pc) =	sbr.ind lr, $3  }
0x3a: {  	_ = 	snop  }
0x3b: {  	_ = 	snop  }
0x3c: {  	p2 =	seq.s32 s10, $0x1;
	s10 =	sld [smem:$0x3FA6]  }
0x3d: {  	_ =	shalt  }
0x3e: {  	_ =	shalt  }
0x3f: {  	_ =	shalt  }
0x40: {  	_ =	shalt  }
0x41: {  	_ =	shalt  }
0x42: {  	_ =	shalt  }
0x43: {  	_ =	shalt  }
0x44: {  	_ =	shalt  }
0x45: {  	_ =	shalt  }
0x46: {  	_ =	shalt  }
0x47: {  	_ =	shalt  }
0x48: {  	_ =	shalt  }
0x49: {  	_ =	shalt  }
0x4a: {  	_ =	shalt  }
0x4b: {  	_ =	shalt  }
0x4c: {  	_ =	shalt  }
0x4d: {  	_ =	shalt  }
0x4e: {  	_ =	shalt  }
0x4f: {  	_ =	shalt  }
0x50: {  	_ =	shalt  }
0x51: {  	_ =	shalt  }
0x52: {  	_ =	shalt  }
0x53: {  	_ =	shalt  }
0x54: {  	_ =	shalt  }
0x55: {  	_ =	shalt  }
0x56: {  	_ =	shalt  }
0x57: {  	_ =	shalt  }
0x58: {  	_ =	shalt  }
0x59: {  	_ =	shalt  }
0x5a: {  	_ =	shalt  }
0x5b: {  	_ =	shalt  }
0x5c: {  	_ =	shalt  }
0x5d: {  	_ =	shalt  }
0x5e: {  	_ =	shalt  }
0x5f: {  	_ =	shalt  }
0x60: {  	_ =	shalt  }
0x61: {  	_ =	shalt  }
0x62: {  	_ =	shalt  }
0x63: {  	_ =	shalt  }
0x64: {  	_ =	shalt  }
0x65: {  	_ =	shalt  }
0x66: {  	_ =	shalt  }
0x67: {  	_ =	shalt  }
0x68: {  	_ =	shalt  }
0x69: {  	_ =	shalt  }
0x6a: {  	_ =	shalt  }
0x6b: {  	_ =	shalt  }
0x6c: {  	_ =	shalt  }
0x6d: {  	_ =	shalt  }
0x6e: {  	_ =	shalt  }
0x6f: {  	_ =	shalt  }
0x70: {  	_ =	shalt  }
0x71: {  	_ =	shalt  }
0x72: {  	_ =	shalt  }
0x73: {  	_ =	shalt  }
0x74: {  	_ =	shalt  }
0x75: {  	_ =	shalt  }
0x76: {  	_ =	shalt  }
0x77: {  	_ =	shalt  }
0x78: {  	_ =	shalt  }
0x79: {  	_ =	shalt  }
0x7a: {  	_ =	shalt  }
0x7b: {  	_ =	shalt  }
0x7c: {  	_ =	shalt  }
0x7d: {  	_ =	shalt  }
0x7e: {  	_ =	shalt  }
0x7f: {  	_ =	shalt  }
0x80: {  	_ =	shalt  }
0x81: {  	_ =	shalt  }
0x82: {  	_ =	shalt  }
0x83: {  	_ =	shalt  }
0x84: {  	_ =	shalt  }
0x85: {  	_ =	shalt  }
0x86: {  	_ =	shalt  }
0x87: {  	_ =	shalt  }
.Lfunc_end0:
.L_simem_size_0:
called_computation_lowered:
.L_overlay_start_0:
0x88: {  	s2 =	sld [smem:$0x3FD9]  }
0x89: {  	s3 =	sld [smem:$0x3FFE];
	_ =	sdelay $0x1  }
0x8a: {  	s1 =	srdreg.scid  }
0x8b: {  	s0 =	sand.u32 $0x1, s1  }
0x8c: {  	s12 =	sshll.u32 s0, $0xA;
	s2 =	sadd.s32 s3, s2  }
0x8d: {  	s2 =	sadd.s32 s2, s12  }
0x8e: {  	[smem:$0x3FB2] =	sst s2  }
0x8f: {  	_ = 	snop  }
0x90: {  	(tm) =	ssettm $0x1  }
0x91: {  	s13 =	sld [smem:$0x3FFB];
	_ =	sdelay $0x3  }
0x92: {  	_ =	strace s13  }
0x93: {  	s2 =	sld [smem:$0x3FFC];
	_ =	sdelay $0x3  }
0x94: {  	_ =	strace s2  }
0x95: {  	s2 =	sld [smem:$0x3FFD];
	_ =	sdelay $0x3  }
0x96: {  	_ =	strace s2  }
0x97: {  	_ =	strace $0x8FFFFFFF  }
0x98: {  	s14 =	sld [smem:$0x3FDB];
	_ =	sdelay $0x1  }
0x99: {  	s15 =	simm.s32 $_scs_section_size  }
0x9a: {  	s4 =	simm.s32 $_size__tile_overlayer_lowered;
	s5 =	simm.s32 $_tile_overlayer_lowered  }
0x9b: {  	s19 =	simm.s32 $0x1BFF;
	s17 =	sshll.u32 s5, $0x1;
	s6 =	sadd.s32 s15, s14  }
0x9c: {  	s20 =	simm.s32 $0x0;
	s16 =	sshll.u32 s4, $0x1;
	s18 =	sadd.s32 s17, s6  }
0x9d: {  	[timem:s20], [sflag:s19] =	dma.local [hbm:s18], s16  }
0x9e: {  	_ =	swait.ge [sflag:s19], s16  }
0x9f: {  	s3 =	ssub.s32 $0x0, s16;
	[sflag:s19] =	ssyncset.done $0x0  }
0xa0: {  	[sflag:s19] =	ssyncadd.s32 s3;
	_ =	sdelay $0x1  }
0xa1: {  	s21 =	simm.s32 $0x1B8B  }
0xa2: {  	_ =	swait.ge [sflag:s21], $0x1  }
0xa3: {  	[sflag:s21] =	ssyncset.done $0x0  }
0xa4: {  	[sflag:s21] =	ssyncadd.s32 $0xFFFFFFFF  }
0xa5: {  	s3 =	sld [smem:$0x0]  }
0xa6: {  	s4 =	sand.u32 $0xFFFFFFFE, s1  }
0xa7: {  	p0 =	sne.s32 s1, s4  }
0xa8: {  	s4 =	sshll.u32 @p0 s4, $0xE  }
0xa9: {  	s5 =	sadd.s32 @p0 $0x11B8D, s4;
	s7 =	sshll.u32 @p0 s3, $0x11  }
0xaa: {  	s5 =	sor.u32 @p0 s7, s5  }
0xab: {  	[sflag:s5] =	ssyncadd.remote.s32 @p0 $0x1;
	_ =	sdelay $0x1  }
0xac: {  	s5 =	simm.s32 @p0 $0x1B8D  }
0xad: {  	_ =	swait.eq @p0 [sflag:s5], $0x1  }
0xae: {  	[sflag:s5] =	ssyncadd.s32 @p0 $0xFFFFFFFF  }
0xaf: {  	s7 =	sshll.u32 @!p0 s1, $0xE  }
0xb0: {  	s7 =	sor.u32 @!p0 $0x4000, s7;
	s5 =	simm.s32 @!p0 $0x1B8D  }
0xb1: {  	s9 =	sshll.u32 @!p0 s3, $0x11;
	s8 =	sadd.s32 @!p0 $0x11B8D, s7;
	_ =	swait.eq @!p0 [sflag:s5], $0x1  }
0xb2: {  	[sflag:s5] =	ssyncadd.s32 @!p0 $0xFFFFFFFF;
	s5 =	sor.u32 @!p0 s9, s8  }
0xb3: {  	s23 =	simm.s32 $0x1B8E;
	s22 =	sld [smem:$0x3FFE];
	[sflag:s5] =	ssyncadd.remote.s32 @!p0 $0x1  }
0xb4: {  	s24 =	simm.s32 $execute0_lowered;
	[smem:$0x3FD2] =	sst s23  }
0xb5: {  	s8 =	sshll.u32 s24, $0x1;
	_ =	strace $0x80000049;
	[dreg:$0x1] =	wrdreg $0xFFFFFFFF  }
0xb6: {  	s25 =	simm.s32 $_size_execute0_lowered;
	s8 =	sadd.s32 s6, s8;
	[dreg:$0x0] =	wrdreg $0x0  }
0xb7: {  	s9 =	sshll.u32 s25, $0x1;
	[dreg:$0x2] =	wrdreg s8  }
0xb8: {  	[dreg:$0x3] =	wrdreg s9  }
0xb9: {  	[dreg:$0x4] =	wrdreg $0xC0  }
0xba: {  	s26 =	simm.s32 $execute1_lowered;
	_ =	task [dreg:s20], $0x5FFFF  }
0xbb: {  	s8 =	sshll.u32 s26, $0x1;
	[dreg:$0x1] =	wrdreg $0xFFFFFFFF  }
0xbc: {  	s6 =	sadd.s32 s6, s8;
	[dreg:$0x0] =	wrdreg $0x60  }
0xbd: {  	[dreg:$0x2] =	wrdreg s6  }
0xbe: {  	[dreg:$0x3] =	wrdreg s22  }
0xbf: {  	[dreg:$0x4] =	wrdreg $0x9  }
0xc0: {  	_ =	task.clear_ibuf [dreg:s20], $0x5FFFF;
	_ =	strace $0x90000049  }
0xc1: {  	s28 =	simm.s32 $0x9;
	_ =	strace $0x8000004B  }
0xc2: {  	_ =	swait.ge [sflag:s28], $0x1  }
0xc3: {  	[sflag:s28] =	ssyncadd.s32 $0xFFFFFFFF  }
0xc4: {  	_ =	strace $0x9000004B  }
0xc5: {  	s6 =	sld [smem:$0x0];
	_ =	sdelay $0x3  }
0xc6: {  	s4 =	sadd.s32 @p0 $0x11BF3, s4;
	s8 =	sshll.u32 @p0 s6, $0x11  }
0xc7: {  	s4 =	sor.u32 @p0 s8, s4  }
0xc8: {  	[sflag:s4] =	ssyncadd.remote.s32 @p0 $0x1;
	_ =	sdelay $0x1  }
0xc9: {  	s4 =	simm.s32 @p0 $0x1BF3  }
0xca: {  	_ =	swait.eq @p0 [sflag:s4], $0x1  }
0xcb: {  	[sflag:s4] =	ssyncadd.s32 @p0 $0xFFFFFFFF;
	_ =	sdelay $0x1  }
0xcc: {  	s4 =	simm.s32 @!p0 $0x1BF3  }
0xcd: {  	s7 =	sadd.s32 @!p0 $0x11BF3, s7;
	s6 =	sshll.u32 @!p0 s6, $0x11;
	_ =	swait.eq @!p0 [sflag:s4], $0x1  }
0xce: {  	[sflag:s4] =	ssyncadd.s32 @!p0 $0xFFFFFFFF;
	s4 =	sor.u32 @!p0 s6, s7  }
0xcf: {  	[sflag:s4] =	ssyncadd.remote.s32 @!p0 $0x1  }
0xd0: {  	_ =	strace $0x8000004C;
	[dreg:$0x1] =	wrdreg $0xFFFFFFFF  }
0xd1: {  	[dreg:$0x0] =	wrdreg $0x2030  }
0xd2: {  	[dreg:$0x2] =	wrdreg s22  }
0xd3: {  	[dreg:$0x3] =	wrdreg s1  }
0xd4: {  	[dreg:$0x4] =	wrdreg s3  }
0xd5: {  	[dreg:$0x5] =	wrdreg $0xA  }
0xd6: {  	_ =	task.clear_ibuf [dreg:s20], $0x6FFFF;
	_ =	strace $0x9000004C  }
0xd7: {  	s29 =	simm.s32 $0xA;
	_ =	strace $0x8000004E  }
0xd8: {  	_ =	swait.ge [sflag:s29], $0x1  }
0xd9: {  	[sflag:s29] =	ssyncadd.s32 $0xFFFFFFFF  }
0xda: {  	_ =	strace $0x9000004E  }
0xdb: {  	_ =	sfence  }
0xdc: {  	s30 =	sld [smem:$0x0];
	_ =	sdelay $0x2  }
0xdd: {  	s31 =	sshll.u32 s1, $0xD;
	s1 =	sshrl.u32 s1, $0x2  }
0xde: {  	s4 =	sand.u32 $0x4000, s31;
	s1 =	sadd.s32 s1, s30  }
0xdf: {  	s0 =	sor.u32 s4, s0;
	s1 =	sshll.u32 s1, $0x11  }
0xe0: {  	s0 =	sor.u32 s1, s0  }
0xe1: {  	s0 =	sadd.s32 $0x8F2B, s0  }
0xe2: {  	[sflag:s0] =	ssyncadd.remote.s32 $0x1  }
0xe3: {  	_ =	sfence.sel $0xFFFF  }
0xe4: {  	[dreg:$0x0] =	wrdreg $0xFFFFFFFF;
	(pc) =	sbr.abs _section_cstart, $3  }
0xe5: {  	[dreg:$0x1] =	wrdreg $0xFFFFFFFF  }
0xe6: {  	_ =	task.clear_ibuf [dreg:s20], $0x2FFFF;
	_ =	strace $0x9FFFFFFF  }
0xe7: {  	(tm) =	ssettm $0x7FFFFFFF  }
tec
execute0_lowered:
.L_overlay_start_1:
0x0: {  	(tag) =	ssettag $0x1  }
0x1: {  	s2 =	rddreg [dreg:$0x0]  }
0x2: {  	s4 =	rddreg [dreg:$0x1]  }
0x3: {  	s0 =	rddreg [dreg:$0x2];
	s3 =	stileid.u32  }
0x4: {  	[bflag:$0x3] =	sbarrier.arrive $0xFFFF;
	s1 =	simm.s32 $_size_execute1_lowered;
	s29 =	srdreg.scid  }
0x5: {  	s7 =	simm.s32 $0x2;
	s8 =	simm.s32 $0x0;
	p0 =	sne.s32 s3, $0x0  }
0x6: {  	s1 =	sshll.u32 s1, $0x1;
	s5 =	simm.s32 @!p0 $0x1C3F;
	s6 =	simm.s32 @!p0 $0x4060  }
0x7: {  	[timem:s6], [sflag:s5] =	dma.local @!p0 [hbm:s2], s1  }
0x8: {  	s12 =	simm.s32 $0x0;
	s10 =	simm.s32 $0x0;
	s2 =	sshll.u32 s29, $0x7  }
.Ltmp0:
0x9: {  	s3 =	sshll.u32 s3, $0x8;
	s30 =	sand.u32 $0x80, s2;
	(pc) =	sbr.rel .LBB2_1-.Ltmp0, $4  }
0xa: {  	s11 =	simm.s32 $0x0;
	_ =	strace $0x8000004A;
	s3 =	sor.u32 s3, s30  }
0xb: {  	s5 =	simm.s32 $0x1;
	s2 =	sadd.s32 $0x516800, s4;
	s31 =	ssub.s32 $0x2700, s3  }
0xc: {  	s4 =	sadd.s32 $0x53DA00, s4;
	[sflag:s5] =	ssyncpa.u1 $0x0;
	s6 =	sshrl.u32 s31, $0xC  }
0xd: {  	[sflag:s7] =	ssyncpa.u1 $0x0;
	s9 =	smov.u32 s3;
	s7 =	sadd.s32 $0x2, s6  }
.LBB2_4:
0xe: {  	_ = 	snop  }
.LBB2_7:
0xf: {  	_ =	sdelay $0x3  }
0x10: {  	[tilespmem:v0+s16+$0x0 ss:$0x1] =	vst.idx.msk @p1 $0xffff, v2  }
0x11: {  	v56 =	vld.idx.msk [tilespmem:v1+s15+$0x0 ss:$0x1], $0xffff;
	s24 =	sor.u32 $0x70, s15;
	[tilespmem:v0+s17+$0x0 ss:$0x1] =	vst.idx.msk @p1 $0xffff, v4  }
0x12: {  	s25 =	sor.u32 $0x10, s15;
	[tilespmem:v0+s18+$0x0 ss:$0x1] =	vst.idx.msk @p1 $0xffff, v3;
	v57 =	vld.idx.msk [tilespmem:v1+s24+$0x0 ss:$0x1], $0xffff  }
0x13: {  	s26 =	sor.u32 $0x20, s15;
	[tilespmem:v0+s19+$0x0 ss:$0x1] =	vst.idx.msk @p1 $0xffff, v5;
	v58 =	vld.idx.msk [tilespmem:v1+s25+$0x0 ss:$0x1], $0xffff  }
0x14: {  	s28 =	sor.u32 $0x30, s15;
	[tilespmem:v0+s20+$0x0 ss:$0x1] =	vst.idx.msk @p1 $0xffff, v6;
	v59 =	vld.idx.msk [tilespmem:v1+s26+$0x0 ss:$0x1], $0xffff  }
0x15: {  	s29 =	sor.u32 $0x40, s15;
	[tilespmem:v0+s21+$0x0 ss:$0x1] =	vst.idx.msk @p1 $0xffff, v7;
	v60 =	vld.idx.msk [tilespmem:v1+s28+$0x0 ss:$0x1], $0xffff  }
0x16: {  	s30 =	sor.u32 $0x50, s15;
	v61 =	vld.idx.msk [tilespmem:v1+s29+$0x0 ss:$0x1], $0xffff;
	[tilespmem:v0+s15+$0x0 ss:$0x1] =	vst.idx.msk $0xffff, v56  }
0x17: {  	s31 =	sor.u32 $0x60, s15;
	v62 =	vld.idx.msk [tilespmem:v1+s30+$0x0 ss:$0x1], $0xffff;
	[tilespmem:v0+s24+$0x0 ss:$0x1] =	vst.idx.msk $0xffff, v57  }
0x18: {  	v63 =	vld.idx.msk [tilespmem:v1+s31+$0x0 ss:$0x1], $0xffff;
	[tilespmem:v0+s25+$0x0 ss:$0x1] =	vst.idx.msk $0xffff, v58  }
0x19: {  	[tilespmem:v0+s26+$0x0 ss:$0x1] =	vst.idx.msk $0xffff, v59  }
0x1a: {  	[tilespmem:v0+s28+$0x0 ss:$0x1] =	vst.idx.msk $0xffff, v60  }
0x1b: {  	[tilespmem:v0+s29+$0x0 ss:$0x1] =	vst.idx.msk $0xffff, v61  }
0x1c: {  	[tilespmem:v0+s30+$0x0 ss:$0x1] =	vst.idx.msk $0xffff, v62  }
0x1d: {  	[tilespmem:v0+s31+$0x0 ss:$0x1] =	vst.idx.msk $0xffff, v63  }
.LBB2_8:
0x1e: {  	s15 =	sand.u32 $0x1FFFFFF, s10  }
0x1f: {  	s16 =	smulhi.u32 $0x1A36E2F, s15;
	_ =	sdelay $0x1  }
0x20: {  	s16 =	sshrl.u32 s16, $0x6  }
0x21: {  	s16 =	smul.u32 $0x2710, s16;
	_ =	sdelay $0x1  }
0x22: {  	s15 =	ssub.s32 s15, s16  }
0x23: {  	s15 =	sshll.u32 s15, $0x4  }
0x24: {  	s15 =	sadd.s32 s4, s15  }
0x25: {  	[hbm4b:s15+s8] =	stream.linear.scatter [tilespmem:s14], [sflag:$0x2], s13, $0x38;
	[tilespmem:$0x10000] =	vst v63  }
.LBB2_9:
0x26: {  	p1 =	slt.u32 s11, $0x2  }
0x27: {  	p2 =	sgt.s32 @!p1 s12, $0x2690  }
0x28: {  	s13 =	smov.u32 s12;
	s14 =	sshra.s32 @!p1 s12, $0x1F;
	p2 =	por !p2, p1  }
0x29: {  	s12 =	sand.u32 @!p1 s14, s12;
	s13 =	simm.s32 @p2 $0x2690  }
0x2a: {  	s12 =	ssub.s32 @!p1 s13, s12  }
0x2b: {  	s12 =	sadd.s32 @!p1 $0xFFFFD970, s12  }
0x2c: {  	s13 =	sshll.u32 @!p1 s12, $0x9  }
0x2d: {  	p2 =	sgt.s32 @!p1 s12, $0x7F;
	s12 =	ssub.s32 @!p1 $0x10000, s13  }
0x2e: {  	s14 =	sadd.s32 $0x1000, s9;
	p2 =	por !p2, p1;
	s12 =	sshrl.u32 @!p1 s12, $0x2  }
0x2f: {  	s12 =	simm.s32 @!p2 $0x0;
	p2 =	sgt.s32 s14, $0x270F  }
0x30: {  	s14 =	smov.u32 @p2 s3;
	p2 =	sne.s32 s11, s7  }
.Ltmp1:
0x31: {  	_ = 	snop;
	(pc) =	sbr.rel @!p2 .LBB2_10-.Ltmp1, $4  }
0x32: {  	s13 =	simm.s32 @!p1 $0x2  }
0x33: {  	_ =	swait.ge @!p1 [sflag:s13], s12;
	s15 =	ssub.s32 @!p1 $0x0, s12  }
0x34: {  	s12 =	smov.u32 s10;
	s11 =	sadd.s32 $0x1, s11;
	[sflag:s13] =	ssyncset.done @!p1 $0x0  }
0x35: {  	s10 =	smov.u32 s9;
	s9 =	smov.u32 s14;
	[sflag:s13] =	ssyncadd.s32 @!p1 s15  }
.LBB2_1:
0x36: {  	p1 =	sgt.u32 s11, s6  }
0x37: {  	s13 =	sand.u32 @!p1 $0x1FFFFFF, s9  }
0x38: {  	p2 =	sgt.s32 @!p1 s9, $0x2690;
	s14 =	smulhi.u32 @!p1 $0x1A36E2F, s13  }
0x39: {  	s15 =	smov.u32 s9;
	s16 =	sshra.s32 @!p1 s9, $0x1F;
	p2 =	por !p2, p1  }
0x3a: {  	s16 =	sand.u32 @!p1 s16, s9;
	s15 =	simm.s32 @p2 $0x2690;
	s14 =	sshrl.u32 @!p1 s14, $0x6  }
0x3b: {  	s15 =	ssub.s32 @!p1 s15, s16;
	s14 =	smul.u32 @!p1 $0x2710, s14  }
0x3c: {  	s16 =	sxor.u32 @!p1 $0xFFFFFFFF, s11;
	s15 =	sadd.s32 @!p1 $0xFFFFD970, s15  }
0x3d: {  	s16 =	sshll.u32 @!p1 s16, $0xE;
	s13 =	ssub.s32 @!p1 s13, s14;
	s14 =	sshll.u32 @!p1 s15, $0x9  }
0x3e: {  	s16 =	sand.u32 @!p1 $0x4000, s16;
	p2 =	sgt.s32 @!p1 s15, $0x7F;
	s14 =	ssub.s32 @!p1 $0x10000, s14  }
0x3f: {  	p2 =	por !p2, p1;
	s13 =	sshll.u32 @!p1 s13, $0x4;
	s14 =	sshrl.u32 @!p1 s14, $0x2  }
0x40: {  	s15 =	simm.s32 @!p1 $0x0;
	s13 =	sadd.s32 @!p1 s2, s13;
	s14 =	simm.s32 @!p2 $0x0  }
0x41: {  	[tilespmem:s16], [sflag:$0x1] =	stream.linear.gather @!p1 [hbm4b:s13+s15], s14, $0x38;
	[tilespmem:$0x10000] =	vst v63  }
0x42: {  	p1 =	seq.s32 s11, $0x0  }
0x43: {  	p2 =	sge.u32 @!p1 s11, s7  }
0x44: {  	p1 =	por p1, p2  }
.Ltmp2:
0x45: {  	_ = 	snop;
	(pc) =	sbr.rel @p1 .LBB2_9-.Ltmp2, $1  }
0x46: {  	_ =	sdelay $0x3  }
0x47: {  	p1 =	sgt.s32 s10, $0x2690;
	s13 =	smov.u32 s10;
	s14 =	sshra.s32 s10, $0x1F  }
0x48: {  	s13 =	simm.s32 @!p1 $0x2690;
	s14 =	sand.u32 s14, s10  }
0x49: {  	s13 =	ssub.s32 s13, s14  }
0x4a: {  	s13 =	sadd.s32 $0xFFFFD970, s13  }
0x4b: {  	s31 =	sshll.u32 s13, $0x9  }
0x4c: {  	s14 =	ssub.s32 $0x10000, s31  }
0x4d: {  	p1 =	sgt.s32 s13, $0x7F;
	s13 =	sshrl.u32 s14, $0x2;
	s14 =	sadd.s32 $0x80, s10  }
0x4e: {  	s13 =	simm.s32 @p1 $0x0;
	p1 =	slt.s32 s14, $0x2710  }
0x4f: {  	s14 =	simm.s32 @!p1 $0x2710  }
0x50: {  	s16 =	ssub.s32 s14, s10  }
0x51: {  	p1 =	slt.s32 s16, $0x1  }
.Ltmp3:
0x52: {  	_ = 	snop;
	(pc) =	sbr.rel @p1 .LBB2_8-.Ltmp3, $4  }
0x53: {  	_ = 	snop  }
0x54: {  	s15 =	sshll.u32 s11, $0xE;
	_ =	swait.ge [sflag:s5], s13  }
0x55: {  	s15 =	sand.u32 $0x4000, s15;
	s17 =	ssub.s32 $0x0, s13;
	[sflag:s5] =	ssyncset.done $0x0  }
0x56: {  	s14 =	sor.u32 $0x8000, s15;
	[sflag:s5] =	ssyncadd.s32 s17  }
0x57: {  	p2 =	sne.s32 s16, $0x1  }
.Ltmp4:
0x58: {  	v1 =	vmov s15;
	v0 =	vmov s14;
	(pc) =	sbr.rel @!p2 .LBB2_4-.Ltmp4, $3  }
0x59: {  	_ =	sdelay $0x1  }
0x5a: {  	s17 =	simm.s32 $0x0  }
0x5b: {  	s23 =	sadd.s32 $0xFFFFFFFF, s16;
	p1 =	por $0x0, $0x0;
	s15 =	sand.u32 $0x3F80, s17  }
0x5c: {  	_ =	sdelay $0x3  }
0x5d: {  	v6 =	vld.idx.msk [tilespmem:v1+s15+$0x0 ss:$0x1], $0xffff;
	s24 =	sor.u32 $0x70, s15  }
0x5e: {  	s16 =	sor.u32 $0x10, s15;
	v8 =	vld.idx.msk [tilespmem:v1+s24+$0x0 ss:$0x1], $0xffff  }
0x5f: {  	s17 =	sor.u32 $0x20, s15;
	p2 =	sne.s32 s23, $0x1;
	v2 =	vld.idx.msk [tilespmem:v1+s16+$0x0 ss:$0x1], $0xffff  }
.Ltmp5:
0x60: {  	s18 =	sor.u32 $0x30, s15;
	v4 =	vld.idx.msk [tilespmem:v1+s17+$0x0 ss:$0x1], $0xffff;
	(pc) =	sbr.rel @!p2 .LBB2_7-.Ltmp5, $4  }
0x61: {  	s19 =	sor.u32 $0x40, s15;
	v3 =	vld.idx.msk [tilespmem:v1+s18+$0x0 ss:$0x1], $0xffff  }
0x62: {  	s21 =	sor.u32 $0x60, s15;
	v5 =	vld.idx.msk [tilespmem:v1+s19+$0x0 ss:$0x1], $0xffff  }
0x63: {  	s20 =	sor.u32 $0x50, s15;
	s22 =	simm.s32 $0x80;
	v7 =	vld.idx.msk [tilespmem:v1+s21+$0x0 ss:$0x1], $0xffff;
	[tilespmem:v0+s15+$0x0 ss:$0x1] =	vst.idx.msk $0xffff, v6  }
0x64: {  	s23 =	sadd.s32 $0xFFFFFFFF, s23;
	p1 =	por $0x1, $0x1;
	v6 =	vld.idx.msk [tilespmem:v1+s20+$0x0 ss:$0x1], $0xffff;
	s15 =	sand.u32 $0x3F80, s22;
	[tilespmem:v0+s24+$0x0 ss:$0x1] =	vst.idx.msk $0xffff, v8  }
.LBB2_6:
0x65: {  	p2 =	sne.s32 s23, $0x1;
	v8 =	vld.idx.msk [tilespmem:v1+s15+$0x0 ss:$0x1], $0xffff;
	s24 =	sor.u32 $0x70, s15;
	[tilespmem:v0+s16+$0x0 ss:$0x1] =	vst.idx.msk $0xffff, v2;
	s16 =	sor.u32 $0x10, s15  }
0x66: {  	s25 =	sor.u32 $0x30, s15;
	s26 =	sor.u32 $0x40, s15;
	v9 =	vld.idx.msk [tilespmem:v1+s24+$0x0 ss:$0x1], $0xffff;
	[tilespmem:v0+s17+$0x0 ss:$0x1] =	vst.idx.msk $0xffff, v4;
	s17 =	sor.u32 $0x20, s15  }
0x67: {  	s28 =	sor.u32 $0x50, s15;
	s29 =	sor.u32 $0x60, s15;
	v2 =	vld.idx.msk [tilespmem:v1+s16+$0x0 ss:$0x1], $0xffff;
	[tilespmem:v0+s18+$0x0 ss:$0x1] =	vst.idx.msk $0xffff, v3;
	s18 =	smov.u32 s25  }
.Ltmp6:
0x68: {  	v4 =	vld.idx.msk [tilespmem:v1+s17+$0x0 ss:$0x1], $0xffff;
	[tilespmem:v0+s19+$0x0 ss:$0x1] =	vst.idx.msk $0xffff, v5;
	s19 =	smov.u32 s26;
	(pc) =	sbr.rel @p2 .LBB2_6-.Ltmp6, $4  }
0x69: {  	v3 =	vld.idx.msk [tilespmem:v1+s18+$0x0 ss:$0x1], $0xffff;
	[tilespmem:v0+s20+$0x0 ss:$0x1] =	vst.idx.msk $0xffff, v6;
	s20 =	smov.u32 s28  }
0x6a: {  	v5 =	vld.idx.msk [tilespmem:v1+s19+$0x0 ss:$0x1], $0xffff;
	[tilespmem:v0+s21+$0x0 ss:$0x1] =	vst.idx.msk $0xffff, v7;
	s21 =	smov.u32 s29  }
0x6b: {  	s22 =	sadd.s32 $0x80, s22;
	[tilespmem:v0+s15+$0x0 ss:$0x1] =	vst.idx.msk $0xffff, v8;
	v6 =	vld.idx.msk [tilespmem:v1+s20+$0x0 ss:$0x1], $0xffff  }
0x6c: {  	s23 =	sadd.s32 $0xFFFFFFFF, s23;
	s15 =	sand.u32 $0x3F80, s22;
	v7 =	vld.idx.msk [tilespmem:v1+s21+$0x0 ss:$0x1], $0xffff;
	[tilespmem:v0+s24+$0x0 ss:$0x1] =	vst.idx.msk $0xffff, v9  }
.Ltmp7:
0x6d: {  	_ = 	snop;
	(pc) =	sbr.rel .LBB2_7-.Ltmp7, $1  }
0x6e: {  	_ =	sdelay $0x3  }
.LBB2_10:
0x6f: {  	_ =	sfence.sel $0x180000  }
0x70: {  	s2 =	simm.s32 $0x1;
	[bflag:$0x0] =	sbarrier.arrive $0xFFFF  }
0x71: {  	s31 =	simm.s32 $0x2;
	[sflag:s2] =	ssyncpa.u1 $0x1  }
0x72: {  	[sflag:s31] =	ssyncpa.u1 $0x1  }
0x73: {  	_ =	strace $0x9000004A  }
0x74: {  	s0 =	sadd.s32 @!p0 $0x100000, s0;
	[bflag:$0x2] =	sbarrier.arrive $0xFFFF  }
0x75: {  	[sflag:s0] =	ssyncadd.tile.s32 @!p0 $0x1;
	s0 =	simm.s32 @!p0 $0x3F  }
0x76: {  	_ =	swait.ge @!p0 [sflag:s0], s1  }
0x77: {  	s1 =	ssub.s32 @!p0 $0x0, s1;
	[sflag:s0] =	ssyncset.done @!p0 $0x0  }
0x78: {  	[sflag:s0] =	ssyncadd.s32 @!p0 s1  }
0x79: {  	[bflag:$0x3] =	sbarrier.arrive $0xFFFF  }
0x7a: {  	_ =	shalt  }
.Lfunc_end2:
execute1_lowered:
.L_overlay_start_2:
0x7b: {  	(tag) =	ssettag $0x2  }
0x7c: {  	s2 =	rddreg [dreg:$0x0]  }
0x7d: {  	s3 =	rddreg [dreg:$0x1];
	_ =	strace $0x8000004D;
	s0 =	simm.s32 $0x1  }
0x7e: {  	v0 =	vimm.s32 $0x0;
	[sflag:s0] =	ssyncpa.u1 $0x0;
	s0 =	simm.s32 $0x108  }
0x7f: {  	[tilespmem:s0+$0x70] =	vst v0  }
0x80: {  	[tilespmem:s0+$0x60] =	vst v0  }
0x81: {  	[tilespmem:s0+$0x50] =	vst v0  }
0x82: {  	[tilespmem:s0+$0x40] =	vst v0  }
0x83: {  	[tilespmem:s0+$0x30] =	vst v0  }
0x84: {  	s1 =	sadd.s32 $0x53DA00, s2;
	s15 =	sadd.s32 $0xC800, s2;
	s6 =	sadd.s32 $0x34200, s2;
	[tilespmem:s0+$0x20] =	vst v0  }
0x85: {  	s14 =	sadd.s32 $0x16600, s2;
	s5 =	sand.u32 $0x1, s3;
	s3 =	simm.s32 $0x40;
	[tilespmem:s0+$0x10] =	vst v0  }
.LBB3_1:
0x86: {  	s3 =	sadd.s32 $0x40, s3;
	[tilespmem:s0+$0x0] =	vst v0;
	s0 =	sadd.s32 $0x80, s0  }
0x87: {  	p0 =	slt.u32 s3, $0x3C40;
	[tilespmem:s0+$0x70] =	vst v0  }
0x88: {  	[tilespmem:s0+$0x60] =	vst v0  }
.Ltmp8:
0x89: {  	[tilespmem:s0+$0x50] =	vst v0;
	(pc) =	sbr.rel @p0 .LBB3_1-.Ltmp8, $4  }
0x8a: {  	[tilespmem:s0+$0x40] =	vst v0  }
0x8b: {  	[tilespmem:s0+$0x30] =	vst v0  }
0x8c: {  	[tilespmem:s0+$0x20] =	vst v0  }
0x8d: {  	[tilespmem:s0+$0x10] =	vst v0  }
0x8e: {  	s9 =	stileid.u32  }
0x8f: {  	s2 =	smul.u32 $0x29, s9  }
0x90: {  	s3 =	smin.u32 s9, $0xB  }
0x91: {  	s2 =	sadd.s32 s3, s2  }
0x92: {  	p0 =	slt.u32 s9, $0xB;
	s7 =	smul.u32 $0xF0, s2;
	s2 =	simm.s32 $0x2760  }
0x93: {  	s2 =	simm.s32 @!p0 $0x2670  }
0x94: {  	s2 =	sadd.s32 s2, s7  }
0x95: {  	s8 =	smin.u32 s2, $0x27100  }
0x96: {  	s2 =	ssub.s32 s8, s7  }
0x97: {  	p0 =	sgt.s32 s2, $0x0  }
0x98: {  	s29 =	simm.s32 $0x2;
	s10 =	simm.s32 $0x9;
	s2 =	simm.s32 @!p0 $0x0  }
0x99: {  	s4 =	simm.s32 $0xA;
	s11 =	simm.s32 $0xB;
	s28 =	smulhi.u32 $0x88888889, s2  }
0x9a: {  	[dreg:$0x4] =	wrdreg s5;
	s31 =	smul.u32 $0x4E20, s5;
	s12 =	simm.s32 $0x1  }
0x9b: {  	s22 =	simm.s32 $0x0;
	s18 =	simm.s32 $0xC;
	s30 =	sshrl.u32 s28, $0x7  }
0x9c: {  	s20 =	simm.s32 $0x0;
	s21 =	simm.s32 $0x0;
	s3 =	smul.u32 $0xF0, s30  }
.Ltmp9:
0x9d: {  	[tilespmem:s0+$0x0] =	vst v0;
	v0 =	vimm.s32 $0xFFFFFFFF;
	[sflag:s29] =	ssyncpa.u1 $0x0;
	s16 =	sshll.u32 s9, $0x8;
	(pc) =	sbr.rel .LBB3_3-.Ltmp9, $4  }
0x9e: {  	[tilespmem:$0xF208] =	vst v0;
	[sflag:s10] =	ssyncpa.u1 $0x0;
	p0 =	sne.s32 s2, s3;
	s2 =	simm.s32 $0x1  }
0x9f: {  	s14 =	sadd.s32 s31, s14;
	[sflag:s4] =	ssyncpa.u1 $0x0;
	s2 =	simm.s32 @!p0 $0x0  }
0xa0: {  	s15 =	sadd.s32 s31, s15;
	[sflag:s11] =	ssyncpa.u1 $0x0;
	s13 =	sadd.s32 s2, s30  }
0xa1: {  	v0 =	vlaneseq.u32;
	s19 =	smov.u32 s7;
	p0 =	por $0x0, $0x0;
	s17 =	sadd.s32 $0x1, s13  }
.LBB3_18:
0xa2: {  	s0 =	sshrl.u32 s31, $0x2  }
.LBB3_20:
0xa3: {  	_ =	swait.ge [sflag:s18], s0  }
0xa4: {  	s31 =	ssub.s32 $0x0, s0;
	v1 =	vmov s24;
	vm0 =	veq.s32 v0, $0x0;
	[sflag:s18] =	ssyncset.done $0x0  }
0xa5: {  	vm15 =	veq.s32 v0, $0x2;
	v1 =	vsel vm0, s30, v1;
	[sflag:s18] =	ssyncadd.s32 s31  }
0xa6: {  	v1 =	vsel vm15, s22, v1;
	[sflag:s18] =	ssyncpa.u1 $0x1  }
0xa7: {  	[tilespmem:$0xF208] =	vst v1  }
.LBB3_21:
0xa8: {  	s0 =	sadd.s32 $0xF0, s19  }
0xa9: {  	s2 =	smov.u32 s7;
	p1 =	slt.s32 s0, s8  }
0xaa: {  	s2 =	smov.u32 @p1 s0;
	p1 =	sne.s32 s21, s17  }
.Ltmp10:
0xab: {  	_ = 	snop;
	(pc) =	sbr.rel @!p1 .LBB3_22-.Ltmp10, $3  }
0xac: {  	_ =	sdelay $0x1  }
0xad: {  	s22 =	smov.u32 s20;
	s31 =	sadd.s32 $0x1, s21;
	s20 =	smov.u32 s19  }
0xae: {  	p0 =	por !p0, !p0;
	s21 =	smov.u32 s31;
	s19 =	smov.u32 s2  }
.LBB3_3:
0xaf: {  	p1 =	sge.u32 s21, s13  }
0xb0: {  	s0 =	smulhi.u32 @!p1 $0xAAAAAAAB, s21  }
0xb1: {  	s2 =	smov.u32 s19;
	p2 =	sgt.s32 @!p1 s19, $0x27010  }
0xb2: {  	s3 =	sshra.s32 @!p1 s19, $0x1F;
	p2 =	por !p2, p1;
	s0 =	sshrl.u32 @!p1 s0, $0x1  }
0xb3: {  	s3 =	sand.u32 @!p1 s3, s19;
	s2 =	simm.s32 @p2 $0x27010;
	s0 =	smul.u32 @!p1 $0x3, s0  }
0xb4: {  	s2 =	ssub.s32 @!p1 s2, s3  }
0xb5: {  	s2 =	sadd.s32 @!p1 $0xFFFD8FF0, s2;
	s0 =	ssub.s32 @!p1 s21, s0  }
0xb6: {  	s3 =	sshll.u32 @!p1 s2, $0x2;
	p2 =	sgt.s32 @!p1 s2, $0xEF;
	s0 =	smul.u32 @!p1 $0x3C0, s0  }
0xb7: {  	s4 =	sand.u32 @!p1 $0x7, s19;
	s2 =	ssub.s32 @!p1 $0x3C0, s3;
	p2 =	por !p2, p1  }
0xb8: {  	s3 =	sshrl.u32 @!p1 s19, $0x3;
	s2 =	sshrl.u32 @!p1 s2, $0x2;
	s0 =	sshrl.u32 @!p1 s0, $0x2  }
0xb9: {  	s3 =	sadd.s32 @!p1 s3, s14;
	s2 =	simm.s32 @!p2 $0x0;
	s0 =	sadd.s32 @!p1 $0x10248, s0  }
0xba: {  	[tilespmem:s0], [sflag:$0xA] =	stream.linear.gather @!p1 [hbm4b:s3+s4], s2, $0x38;
	[tilespmem:$0x1F6F8] =	vst v63  }
0xbb: {  	s0 =	sadd.s32 $0xFFFFFFFF, s21  }
0xbc: {  	p1 =	sge.u32 s0, s13  }
0xbd: {  	p2 =	sgt.s32 @!p1 s20, $0x27010  }
0xbe: {  	s2 =	smov.u32 s20;
	s3 =	sshra.s32 @!p1 s20, $0x1F;
	p2 =	por !p2, p1  }
0xbf: {  	s3 =	sand.u32 @!p1 s3, s20;
	s2 =	simm.s32 @p2 $0x27010  }
0xc0: {  	s2 =	ssub.s32 @!p1 s2, s3  }
0xc1: {  	s2 =	sadd.s32 @!p1 $0xFFFD8FF0, s2  }
0xc2: {  	s4 =	sand.u32 @!p1 $0x1, s0;
	s3 =	sshll.u32 @!p1 s2, $0x2  }
0xc3: {  	p2 =	sgt.s32 @!p1 s2, $0xEF;
	s2 =	ssub.s32 @!p1 $0x3C0, s3;
	s3 =	smulhi.u32 @!p1 $0xAAAAAAAB, s0  }
0xc4: {  	s23 =	smul.u32 @!p1 $0x3C0, s4;
	p2 =	por !p2, p1;
	s2 =	sshrl.u32 @!p1 s2, $0x2  }
0xc5: {  	s5 =	simm.s32 @!p1 $0xA;
	s2 =	simm.s32 @!p2 $0x0;
	s3 =	sshrl.u32 @!p1 s3, $0x1  }
0xc6: {  	s23 =	sshrl.u32 @!p1 s23, $0x2;
	_ =	swait.ge @!p1 [sflag:s5], s2;
	s3 =	smul.u32 @!p1 $0x3, s3  }
0xc7: {  	s23 =	sadd.s32 @!p1 $0x10518, s23;
	s24 =	ssub.s32 @!p1 $0x0, s2;
	[sflag:s5] =	ssyncset.done @!p1 $0x0  }
0xc8: {  	[sflag:s5] =	ssyncadd.s32 @!p1 s24;
	s5 =	sshrl.u32 @!p1 s20, $0x3;
	s0 =	ssub.s32 @!p1 s0, s3  }
0xc9: {  	s24 =	sand.u32 @!p1 $0x7, s20;
	s5 =	sadd.s32 @!p1 s5, s15;
	s0 =	smul.u32 @!p1 $0x3C0, s0  }
0xca: {  	[tilespmem:s23], [sflag:$0xB] =	stream.linear.gather @!p1 [hbm4b:s5+s24], s2, $0x38;
	[tilespmem:$0x1F6F8] =	vst v63  }
0xcb: {  	s3 =	ssub.s32 @!p1 $0x27100, s20;
	s2 =	smul.u32 @!p1 $0x1E000, s4  }
0xcc: {  	p2 =	slt.s32 @!p1 s3, $0xF0  }
0xcd: {  	p2 =	por !p2, p1;
	s0 =	sshrl.u32 @!p1 s0, $0x2;
	s2 =	sshrl.u32 @!p1 s2, $0x2  }
0xce: {  	s3 =	simm.s32 @p2 $0xF0;
	s0 =	sadd.s32 @!p1 $0x10248, s0;
	s2 =	sor.u32 @!p1 $0x106F8, s2  }
0xcf: {  	[tilespmem:s2], [sflag:$0x9] =	stream.indirect.gather @!p1 [hbm4b:s6+s3], $0x80, s0, s3, $0xb8;
	[tilespmem:$0x1F6F8] =	vst v63  }
0xd0: {  	p1 =	slt.u32 s21, $0x2  }
.Ltmp11:
0xd1: {  	_ = 	snop;
	(pc) =	sbr.rel @p1 .LBB3_21-.Ltmp11, $1  }
0xd2: {  	_ =	sdelay $0x3  }
0xd3: {  	p1 =	sgt.s32 s22, $0x27010  }
0xd4: {  	s0 =	smov.u32 s22;
	s2 =	sshra.s32 s22, $0x1F;
	s3 =	ssub.s32 $0x27100, s22  }
0xd5: {  	s0 =	simm.s32 @!p1 $0x27010;
	s2 =	sand.u32 s2, s22;
	p1 =	slt.s32 s3, $0xF0  }
0xd6: {  	s0 =	ssub.s32 s0, s2;
	s3 =	simm.s32 @!p1 $0xF0  }
0xd7: {  	s0 =	sadd.s32 $0xFFFD8FF0, s0;
	s25 =	sshll.u32 s3, $0x7  }
0xd8: {  	s26 =	sshll.u32 s0, $0x2;
	s2 =	sand.u32 $0x3FFFFF80, s25  }
0xd9: {  	p1 =	sgt.s32 s0, $0xEF;
	s29 =	ssub.s32 $0x3C0, s26;
	_ =	swait.ge [sflag:s10], s2  }
0xda: {  	s2 =	ssub.s32 $0x0, s2;
	[sflag:s10] =	ssyncset.done $0x0;
	s0 =	sshrl.u32 s29, $0x2  }
0xdb: {  	[sflag:s10] =	ssyncadd.s32 s2;
	s0 =	simm.s32 @p1 $0x0  }
0xdc: {  	_ =	swait.ge [sflag:s11], s0  }
0xdd: {  	s0 =	ssub.s32 $0x0, s0;
	[sflag:s11] =	ssyncset.done $0x0  }
0xde: {  	[sflag:s11] =	ssyncadd.s32 s0  }
0xdf: {  	v1 =	vld [tilespmem:$0xF208];
	_ =	sdelay $0x4  }
0xe0: {  	(v2sf) =	vpush v1, $0x0  }
0xe1: {  	(v2sf) =	vpush v1, $0x1  }
0xe2: {  	(v2sf) =	vpush v1, $0x2;
	_ =	sdelay $0x3  }
0xe3: {  	s0 =	sadd.s32 $0xF0, s22  }
0xe4: {  	s2 =	ssub.s32 $0x4E200, s22;
	p1 =	slt.s32 s8, s0  }
0xe5: {  	s0 =	smov.u32 @p1 s8;
	p1 =	sgt.s32 s2, $0x0  }
0xe6: {  	s26 =	ssub.s32 s0, s22;
	s2 =	simm.s32 @!p1 $0x0  }
0xe7: {  	p1 =	slt.s32 s2, s26  }
0xe8: {  	s26 =	smov.u32 @p1 s2  }
0xe9: {  	s25 =	simm.s32 $0x1;
	p1 =	slt.s32 s26, $0x1  }
.Ltmp12:
0xea: {  	s25 =	simm.s32 @!p0 $0x0;
	(pc) =	sbr.rel @p1 .LBB3_8-.Ltmp12, $4  }
0xeb: {  	s31 =	smul.u32 $0x3C0, s25  }
0xec: {  	s28 =	spop (v2sf)  }
0xed: {  	s0 =	sshrl.u32 s31, $0x2;
	s30 =	spop (v2sf)  }
0xee: {  	s23 =	sadd.s32 $0x10518, s0;
	s22 =	spop (v2sf)  }
0xef: {  	s0 =	smin.u32 s26, $0x10  }
0xf0: {  	v1 =	vmov s0  }
0xf1: {  	p2 =	sgt.s32 s26, $0x10;
	vm1 =	vgt.u32 v1, v0  }
.Ltmp13:
0xf2: {  	_ = 	snop;
	(pc) =	sbr.rel @!p2 .LBB3_7-.Ltmp13, $2  }
0xf3: {  	_ =	sdelay $0x2  }
0xf4: {  	s4 =	simm.s32 $0x10;
	s24 =	sadd.s32 $0xFFFFFFF0, s26;
	s0 =	smov.u32 s23;
	vm0 =	vmmov vm1  }
.LBB3_6:
0xf5: {  	s2 =	smin.u32 s24, $0x10;
	s4 =	sadd.s32 $0x10, s4;
	v1 =	vld.msk [tilespmem:s0+$0x0 ss:$0x1], vm1  }
0xf6: {  	v2 =	vmov s2;
	p2 =	slt.s32 s4, s26  }
0xf7: {  	vm1 =	vgt.u32 v2, v0  }
.Ltmp14:
0xf8: {  	(pc) =	sbr.rel @p2 .LBB3_6-.Ltmp14, $3  }
0xf9: {  	_ =	sdelay $0x1  }
0xfa: {  	v1 =	vshll.u32 v1, $0x4  }
0xfb: {  	s24 =	sadd.s32 $0xFFFFFFF0, s24;
	[tilespmem:s0+$0x0] =	vst.msk vm0, v1;
	s0 =	sadd.s32 $0x10, s0;
	vm0 =	vmmov vm1  }
.LBB3_7:
0xfc: {  	_ =	sdelay $0x4  }
0xfd: {  	v1 =	vld.msk [tilespmem:s0+$0x0 ss:$0x1], vm1;
	_ =	sdelay $0x4  }
0xfe: {  	v1 =	vshll.u32 v1, $0x4  }
0xff: {  	[tilespmem:s0+$0x0] =	vst.msk vm0, v1  }
.LBB3_8:
0x100: {  	s0 =	sand.u32 $0x1, s21  }
0x101: {  	s0 =	smul.u32 $0xF0, s0  }
0x102: {  	p2 =	sne.s32 s30, $0xFFFFFFFF  }
0x103: {  	v1 =	vld.msk @!p2 [tilespmem:s0+$0x10518], $0x1;
	_ =	sdelay $0x4  }
0x104: {  	(v2sf) =	vpush @!p2 v1, $0x0;
	_ =	sdelay $0xc  }
.Ltmp15:
0x105: {  	_ = 	snop;
	(pc) =	sbr.rel @p1 .LBB3_19-.Ltmp15, $4  }
0x106: {  	_ = 	snop  }
0x107: {  	s29 =	spop @!p2 (v2sf)  }
0x108: {  	s22 =	simm.s32 @!p2 $0x0;
	s24 =	smov.u32 s29  }
0x109: {  	[sflag:s18] =	ssyncpa.u1 $0x0;
	s29 =	smov.u32 @p2 s28;
	s24 =	smov.u32 @p2 s30  }
0x10a: {  	v1 =	vld.msk [tilespmem:s23+$0x0], $0x1;
	_ =	sdelay $0x4  }
0x10b: {  	(v2sf) =	vpush v1, $0x0;
	_ =	sdelay $0xe  }
0x10c: {  	s2 =	smul.u32 $0x1E000, s25;
	s0 =	spop (v2sf)  }
0x10d: {  	s26 =	ssub.s32 $0x0, s26;
	p1 =	seq.s32 s29, s0  }
0x10e: {  	s30 =	sadd.s32 $0x1, s26;
	s2 =	sshrl.u32 s2, $0x2;
	p2 =	sgt.s32 @!p1 s29, $0x0  }
0x10f: {  	s25 =	sor.u32 $0x10738, s2;
	s2 =	smov.u32 s29;
	p2 =	por !p2, p1  }
0x110: {  	s2 =	simm.s32 @p2 $0x0;
	p2 =	seq.s32 s30, $0x0  }
.Ltmp16:
0x111: {  	_ = 	snop;
	(pc) =	sbr.rel @p2 .LBB3_11-.Ltmp16, $4  }
0x112: {  	_ = 	snop  }
0x113: {  	s28 =	simm.s32 $0x0;
	s31 =	sadd.s32 $0x1, s23;
	s2 =	smin.u32 @!p1 s2, $0x270F0  }
0x114: {  	s4 =	simm.s32 @!p1 $0x1;
	s5 =	simm.s32 @!p1 $0x7988;
	s3 =	sand.u32 @!p1 $0x3FFF8, s2  }
0x115: {  	s4 =	smov.u32 @p1 s28;
	s2 =	sand.u32 @!p1 $0x7, s2;
	s3 =	sadd.s32 @!p1 s1, s3  }
.LBB3_10:
0x116: {  	s9 =	smov.u32 s4  }
0x117: {  	[tilespmem:s5], [sflag:$0x2] =	stream.linear.gather @!p1 [hbm4b:s3+s2], $0x80, $0x38;
	[tilespmem:$0x1F6F8] =	vst v63  }
0x118: {  	s30 =	sadd.s32 $0x1, s30;
	s2 =	smov.u32 s0;
	v1 =	vld.msk [tilespmem:s31+$0x0], $0x1  }
0x119: {  	p2 =	seq.s32 s30, $0x0;
	_ =	sdelay $0x3  }
0x11a: {  	(v2sf) =	vpush v1, $0x0;
	_ =	sdelay $0xe  }
0x11b: {  	s0 =	spop (v2sf)  }
0x11c: {  	p1 =	seq.s32 s2, s0  }
0x11d: {  	p3 =	sgt.s32 @!p1 s2, $0x0;
	s3 =	sshll.u32 @!p1 s4, $0x9;
	s4 =	sadd.s32 @!p1 $0x1, s4  }
.Ltmp17:
0x11e: {  	p3 =	por !p3, p1;
	s3 =	sshra.s32 @!p1 s3, $0x2;
	(pc) =	sbr.rel @!p2 .LBB3_10-.Ltmp17, $4  }
0x11f: {  	s4 =	smov.u32 @p1 s9;
	s2 =	simm.s32 @p3 $0x0;
	s5 =	sadd.s32 @!p1 $0x7988, s3  }
0x120: {  	s2 =	smin.u32 @!p1 s2, $0x270F0  }
0x121: {  	s3 =	sand.u32 @!p1 $0x3FFF8, s2;
	s2 =	sand.u32 @!p1 $0x7, s2  }
0x122: {  	s31 =	sadd.s32 $0x1, s31;
	s3 =	sadd.s32 @!p1 s1, s3  }
.LBB3_11:
0x123: {  	[tilespmem:s5], [sflag:$0x2] =	stream.linear.gather @!p1 [hbm4b:s3+s2], $0x80, $0x38;
	[tilespmem:$0x1F6F8] =	vst v63  }
.Ltmp18:
0x124: {  	s0 =	sshll.u32 s4, $0x7;
	(pc) =	sbr.rel .LBB3_12-.Ltmp18, $4  }
0x125: {  	s30 =	simm.s32 $0x2;
	s0 =	sand.u32 $0x3FFFFF80, s0  }
0x126: {  	_ =	swait.ge [sflag:s30], s0  }
0x127: {  	s0 =	ssub.s32 $0x0, s0;
	[sflag:s30] =	ssyncset.done $0x0  }
0x128: {  	s31 =	simm.s32 $0x0;
	[sflag:s30] =	ssyncadd.s32 s0  }
.LBB3_13:
0x129: {  	v1 =	vld [tilespmem:s25+$0xFFFFFFC0];
	_ =	sdelay $0x3  }
0x12a: {  	s0 =	sshra.s32 s0, $0x2  }
0x12b: {  	[tilespmem:s0+$0x108] =	vst.add.f32.msk $0xffff, v1  }
0x12c: {  	v1 =	vld [tilespmem:s25+$0xFFFFFFD0];
	_ =	sdelay $0x4  }
0x12d: {  	[tilespmem:s0+$0x118] =	vst.add.f32.msk $0xffff, v1  }
0x12e: {  	v1 =	vld [tilespmem:s25+$0xFFFFFFE0];
	_ =	sdelay $0x4  }
0x12f: {  	[tilespmem:s0+$0x128] =	vst.add.f32.msk $0xffff, v1  }
0x130: {  	v1 =	vld [tilespmem:s25+$0xFFFFFFF0];
	_ =	sdelay $0x4  }
0x131: {  	[tilespmem:s0+$0x138] =	vst.add.f32.msk $0xffff, v1  }
0x132: {  	v1 =	vld [tilespmem:s25+$0x0];
	_ =	sdelay $0x4  }
0x133: {  	[tilespmem:s0+$0x148] =	vst.add.f32.msk $0xffff, v1  }
0x134: {  	v1 =	vld [tilespmem:s25+$0x10];
	_ =	sdelay $0x4  }
0x135: {  	[tilespmem:s0+$0x158] =	vst.add.f32.msk $0xffff, v1  }
0x136: {  	v1 =	vld [tilespmem:s25+$0x20];
	_ =	sdelay $0x4  }
0x137: {  	[tilespmem:s0+$0x168] =	vst.add.f32.msk $0xffff, v1  }
0x138: {  	v1 =	vld [tilespmem:s25+$0x30];
	_ =	sdelay $0x4  }
0x139: {  	[tilespmem:s0+$0x178] =	vst.add.f32.msk $0xffff, v1  }
.LBB3_17:
0x13a: {  	s26 =	sadd.s32 $0x1, s26  }
0x13b: {  	p1 =	seq.s32 s26, $0x0  }
.Ltmp19:
0x13c: {  	_ = 	snop;
	(pc) =	sbr.rel @p1 .LBB3_18-.Ltmp19, $2  }
0x13d: {  	_ =	sdelay $0x2  }
0x13e: {  	s23 =	sadd.s32 $0x1, s23;
	s25 =	sadd.s32 $0x80, s25;
	s29 =	smov.u32 s30  }
.LBB3_12:
0x13f: {  	v1 =	vld.msk [tilespmem:s23+$0x0], $0x1;
	_ =	sdelay $0x4  }
0x140: {  	(v2sf) =	vpush v1, $0x0;
	_ =	sdelay $0xe  }
0x141: {  	s30 =	spop (v2sf)  }
0x142: {  	p1 =	sne.s32 s29, s30  }
.Ltmp20:
0x143: {  	_ = 	snop;
	(pc) =	sbr.rel @!p1 .LBB3_13-.Ltmp20, $2  }
0x144: {  	_ =	sdelay $0x2  }
0x145: {  	s0 =	sshll.u32 s22, $0x9  }
0x146: {  	p1 =	seq.s32 s29, s24  }
.Ltmp21:
0x147: {  	_ = 	snop;
	(pc) =	sbr.rel @!p1 .LBB3_15-.Ltmp21, $1  }
0x148: {  	_ =	sdelay $0x3  }
0x149: {  	s0 =	sshra.s32 s0, $0x2  }
.Ltmp22:
0x14a: {  	s0 =	sadd.s32 $0x108, s0;
	(pc) =	sbr.rel .LBB3_16-.Ltmp22, $4  }
0x14b: {  	[spmem:s16] =	stream.linear.scatter [tilespmem:s0], [sflag:$0x1], $0x80, $0x38;
	[tilespmem:$0x1F6F8] =	vst v63  }
0x14c: {  	_ =	swait.ge [sflag:s12], $0x80  }
0x14d: {  	[sflag:s12] =	ssyncset.done $0x0  }
0x14e: {  	[sflag:s12] =	ssyncadd.s32 $0xFFFFFF80  }
.LBB3_15:
0x14f: {  	s2 =	sshll.u32 s28, $0x9  }
0x150: {  	s2 =	sshra.s32 s2, $0x2  }
0x151: {  	v1 =	vld [tilespmem:s2+$0x7988];
	_ =	sdelay $0x3  }
0x152: {  	s0 =	sshra.s32 s0, $0x2  }
0x153: {  	[tilespmem:s0+$0x108] =	vst.add.f32.msk $0xffff, v1  }
0x154: {  	v1 =	vld [tilespmem:s2+$0x7998];
	_ =	sdelay $0x4  }
0x155: {  	[tilespmem:s0+$0x118] =	vst.add.f32.msk $0xffff, v1  }
0x156: {  	v1 =	vld [tilespmem:s2+$0x79A8];
	_ =	sdelay $0x4  }
0x157: {  	[tilespmem:s0+$0x128] =	vst.add.f32.msk $0xffff, v1  }
0x158: {  	v1 =	vld [tilespmem:s2+$0x79B8];
	_ =	sdelay $0x4  }
0x159: {  	[tilespmem:s0+$0x138] =	vst.add.f32.msk $0xffff, v1  }
0x15a: {  	v1 =	vld [tilespmem:s2+$0x79C8];
	_ =	sdelay $0x4  }
0x15b: {  	[tilespmem:s0+$0x148] =	vst.add.f32.msk $0xffff, v1  }
0x15c: {  	v1 =	vld [tilespmem:s2+$0x79D8];
	_ =	sdelay $0x4  }
0x15d: {  	[tilespmem:s0+$0x158] =	vst.add.f32.msk $0xffff, v1  }
0x15e: {  	v1 =	vld [tilespmem:s2+$0x79E8];
	_ =	sdelay $0x4  }
0x15f: {  	[tilespmem:s0+$0x168] =	vst.add.f32.msk $0xffff, v1  }
0x160: {  	v1 =	vld [tilespmem:s2+$0x79F8];
	_ =	sdelay $0x2  }
0x161: {  	p1 =	sgt.u32 s29, $0x270F0  }
0x162: {  	s2 =	sand.u32 @!p1 $0x3FFF8, s29  }
0x163: {  	s3 =	sadd.s32 $0x108, s0;
	[tilespmem:s0+$0x178] =	vst.add.f32.msk $0xffff, v1;
	s0 =	sadd.s32 @!p1 s1, s2;
	s2 =	sand.u32 @!p1 $0x7, s29  }
0x164: {  	[hbm4b:s0+s2] =	stream.linear.scatter @!p1 [tilespmem:s3], [sflag:$0xC], $0x80, $0x38;
	[tilespmem:$0x1F6F8] =	vst v63  }
0x165: {  	s0 =	simm.s32 $0x0  }
0x166: {  	s0 =	simm.s32 @!p1 $0x200  }
0x167: {  	s31 =	sadd.s32 s0, s31  }
.LBB3_16:
0x168: {  	s0 =	sadd.s32 $0x1, s22  }
0x169: {  	s2 =	smulhi.u32 $0x88888889, s0;
	_ =	sdelay $0x1  }
0x16a: {  	v1 =	vld [tilespmem:s25+$0xFFFFFFC0];
	s2 =	sshrl.u32 s2, $0x7  }
0x16b: {  	s2 =	smul.u32 $0xF0, s2;
	_ =	sdelay $0x1  }
0x16c: {  	s22 =	ssub.s32 s0, s2  }
0x16d: {  	s0 =	sshll.u32 s22, $0x7  }
0x16e: {  	[tilespmem:s0+$0x108] =	vst v1  }
0x16f: {  	v1 =	vld [tilespmem:s25+$0xFFFFFFD0];
	_ =	sdelay $0x4  }
0x170: {  	[tilespmem:s0+$0x118] =	vst v1  }
0x171: {  	v1 =	vld [tilespmem:s25+$0xFFFFFFE0];
	_ =	sdelay $0x4  }
0x172: {  	[tilespmem:s0+$0x128] =	vst v1  }
0x173: {  	v1 =	vld [tilespmem:s25+$0xFFFFFFF0];
	_ =	sdelay $0x4  }
0x174: {  	[tilespmem:s0+$0x138] =	vst v1  }
0x175: {  	v1 =	vld [tilespmem:s25+$0x0];
	_ =	sdelay $0x4  }
0x176: {  	[tilespmem:s0+$0x148] =	vst v1  }
0x177: {  	v1 =	vld [tilespmem:s25+$0x10];
	_ =	sdelay $0x4  }
0x178: {  	[tilespmem:s0+$0x158] =	vst v1  }
0x179: {  	v1 =	vld [tilespmem:s25+$0x20];
	_ =	sdelay $0x4  }
0x17a: {  	[tilespmem:s0+$0x168] =	vst v1  }
0x17b: {  	v1 =	vld [tilespmem:s25+$0x30]  }
.Ltmp23:
0x17c: {  	_ = 	snop;
	(pc) =	sbr.rel .LBB3_17-.Ltmp23, $2  }
0x17d: {  	_ =	sdelay $0x2  }
0x17e: {  	s28 =	sadd.s32 $0x1, s28;
	[tilespmem:s0+$0x178] =	vst v1  }
.LBB3_19:
.Ltmp24:
0x17f: {  	(pc) =	sbr.rel .LBB3_20-.Ltmp24, $4  }
0x180: {  	_ = 	snop  }
0x181: {  	s0 =	simm.s32 $0x2  }
0x182: {  	_ =	swait.ge [sflag:s0], $0x0  }
0x183: {  	s30 =	smov.u32 s29;
	[sflag:s0] =	ssyncset.done $0x0;
	s0 =	simm.s32 $0x0  }
.LBB3_22:
0x184: {  	_ =	sfence.sel $0x180000  }
0x185: {  	s0 =	simm.s32 $0x9;
	[bflag:$0x0] =	sbarrier.arrive $0xFFFF  }
0x186: {  	s24 =	simm.s32 $0xA;
	[sflag:s0] =	ssyncpa.u1 $0x1  }
0x187: {  	s25 =	simm.s32 $0xB;
	[sflag:s24] =	ssyncpa.u1 $0x1  }
0x188: {  	s26 =	simm.s32 $0x2;
	[sflag:s25] =	ssyncpa.u1 $0x1  }
0x189: {  	[sflag:s26] =	ssyncpa.u1 $0x1  }
0x18a: {  	v0 =	vld [tilespmem:$0xF208];
	_ =	sdelay $0x4  }
0x18b: {  	(v2sf) =	vpush v0, $0x0  }
0x18c: {  	(v2sf) =	vpush v0, $0x1;
	_ =	sdelay $0x1  }
0x18d: {  	(v2sf) =	vpush v0, $0x2;
	_ =	sdelay $0xb  }
0x18e: {  	s0 =	spop (v2sf)  }
0x18f: {  	s2 =	spop (v2sf)  }
0x190: {  	s3 =	smov.u32 s0;
	p0 =	sne.s32 s0, s2  }
0x191: {  	s4 =	spop (v2sf);
	s3 =	simm.s32 @!p0 $0xFFFFFFFF  }
0x192: {  	v2 =	vimm.s32 $0x1;
	v3 =	vlaneseq.u32;
	p0 =	seq.s32 s4, $0xFFFFFFFF;
	v1 =	vmov s3  }
0x193: {  	s16 =	stileid.u32;
	v0 =	vperm.xlane v0, v2;
	p1 =	sne.s32 @!p0 s0, s2;
	v1 =	vperm.xlane v1, v3  }
0x194: {  	vm0 =	vcmask $0x3F04;
	s6 =	simm.s32 $0xF208;
	s0 =	simm.s32 @!p0 $0x1;
	p1 =	por !p1, p0  }
0x195: {  	s3 =	sshll.u32 s16, $0x1;
	s2 =	sshll.u32 @!p0 s4, $0x9;
	s0 =	simm.s32 @p1 $0x0;
	v0 =	vsel vm0, v1, v0  }
0x196: {  	s5 =	sor.u32 $0x1000, s3;
	s2 =	sshra.s32 @!p0 s2, $0x2;
	s0 =	sor.u32 @!p0 s0, s3;
	[tilespmem:$0xF208] =	vst v0  }
0x197: {  	[spmem:s5] =	stream.linear.scatter [tilespmem:s6], [sflag:$0x1], $0x2, $0x38;
	[tilespmem:$0x1F6F8] =	vst v63  }
0x198: {  	s2 =	sadd.s32 @!p0 $0x108, s2;
	s0 =	sshll.u32 @!p0 s0, $0x7  }
0x199: {  	[spmem:s0] =	stream.linear.scatter @!p0 [tilespmem:s2], [sflag:$0x1], $0x80, $0x38;
	[tilespmem:$0x1F6F8] =	vst v63  }
0x19a: {  	s0 =	simm.s32 @!p0 $0x82  }
0x19b: {  	s28 =	simm.s32 $0x1;
	s0 =	simm.s32 @p0 $0x2  }
0x19c: {  	_ =	swait.ge [sflag:s28], s0  }
0x19d: {  	s0 =	ssub.s32 $0x0, s0;
	[sflag:s28] =	ssyncset.done $0x0  }
0x19e: {  	p0 =	sne.s32 s16, $0x0;
	[sflag:s28] =	ssyncadd.s32 s0  }
.Ltmp25:
0x19f: {  	_ =	sfence.stream.spmem;
	(pc) =	sbr.rel @p0 .LBB3_39-.Ltmp25, $4  }
0x1a0: {  	s29 =	simm.s32 $0x3;
	[bflag:$0x0] =	sbarrier.arrive $0xFFFF  }
0x1a1: {  	s30 =	simm.s32 $0x4;
	[sflag:s29] =	ssyncpa.u1 $0x1  }
0x1a2: {  	s31 =	simm.s32 $0x3C;
	[sflag:s30] =	ssyncpa.u1 $0x1  }
0x1a3: {  	s15 =	rddreg [dreg:$0x4];
	[sflag:s31] =	ssyncpa.u1 $0x1  }
0x1a4: {  	_ =	sfence.stream.spmem;
	s0 =	simm.s32 $0x5  }
0x1a5: {  	s2 =	simm.s32 $0x1000;
	s3 =	simm.s32 $0xF218;
	[sflag:s0] =	ssyncpa.u1 $0x0  }
0x1a6: {  	[tilespmem:s3], [sflag:$0x5] =	stream.linear.gather [spmem:s2], $0x20, $0x38;
	[tilespmem:$0x1F6F8] =	vst v63  }
0x1a7: {  	s26 =	simm.s32 $0x0;
	s28 =	simm.s32 $0xF238  }
0x1a8: {  	[tilespmem:s28], [sflag:$0x5] =	stream.linear.gather [spmem:s26], $0x1000, $0x38;
	[tilespmem:$0x1F6F8] =	vst v63  }
0x1a9: {  	_ =	swait.ge [sflag:s0], $0x1020  }
0x1aa: {  	[sflag:s0] =	ssyncset.done $0x0  }
0x1ab: {  	s29 =	simm.s32 $0x0;
	[sflag:s0] =	ssyncadd.s32 $0xFFFFEFE0  }
0x1ac: {  	v0 =	vld.msk [tilespmem:s29+$0xF218], $0x1;
	_ =	sdelay $0x1  }
0x1ad: {  	s30 =	simm.s32 $0x1  }
0x1ae: {  	v1 =	vld.msk [tilespmem:s30+$0xF218], $0x1;
	_ =	sdelay $0x1  }
0x1af: {  	(v2sf) =	vpush v0, $0x0;
	_ =	sdelay $0x2  }
0x1b0: {  	(v2sf) =	vpush v1, $0x0;
	_ =	sdelay $0x2  }
0x1b1: {  	s31 =	simm.s32 $0x2  }
0x1b2: {  	v0 =	vld.msk [tilespmem:s31+$0xF218], $0x1;
	_ =	sdelay $0x2  }
0x1b3: {  	s4 =	simm.s32 $0xFFFFFFFF;
	s5 =	simm.s32 $0xFFFFFFFF;
	s0 =	simm.s32 $0xC  }
.LBB3_24:
0x1b4: {  	s2 =	smov.u32 s5;
	s3 =	smov.u32 s4  }
0x1b5: {  	s4 =	sshra.s32 s0, $0x2;
	p1 =	sne.s32 s0, $0x7C;
	s0 =	sadd.s32 $0x4, s0;
	(v2sf) =	vpush v0, $0x0  }
0x1b6: {  	v0 =	vld.msk [tilespmem:s4+$0xF218], $0x1  }
.Ltmp26:
0x1b7: {  	(pc) =	sbr.rel @p1 .LBB3_24-.Ltmp26, $4  }
0x1b8: {  	s5 =	spop (v2sf)  }
0x1b9: {  	p2 =	sne.s32 s3, $0xFFFFFFFF;
	s4 =	smov.u32 s5  }
0x1ba: {  	p3 =	seq.s32 s5, $0xFFFFFFFF;
	s4 =	smov.u32 @p2 s3  }
0x1bb: {  	s5 =	smov.u32 @p3 s2;
	s4 =	smov.u32 @p3 s3  }
0x1bc: {  	(v2sf) =	vpush v0, $0x0;
	_ =	sdelay $0x8  }
0x1bd: {  	s0 =	spop (v2sf)  }
0x1be: {  	p1 =	sne.s32 s4, $0xFFFFFFFF;
	s2 =	smov.u32 s0  }
0x1bf: {  	s9 =	simm.s32 $0x6;
	p2 =	seq.s32 s0, $0xFFFFFFFF;
	s2 =	smov.u32 @p1 s4  }
0x1c0: {  	s6 =	simm.s32 $0x0;
	s2 =	smov.u32 @p2 s4;
	s3 =	spop (v2sf)  }
0x1c1: {  	s0 =	smov.u32 @p2 s5;
	p1 =	sne.s32 s2, $0xFFFFFFFF;
	s4 =	smov.u32 s3  }
.Ltmp27:
0x1c2: {  	p2 =	seq.s32 s3, $0xFFFFFFFF;
	s4 =	smov.u32 @p1 s2;
	(pc) =	sbr.rel .LBB3_26-.Ltmp27, $4  }
0x1c3: {  	s10 =	simm.s32 $0xF188;
	s4 =	smov.u32 @p2 s2;
	s7 =	spop (v2sf)  }
0x1c4: {  	s11 =	simm.s32 $0x0;
	p1 =	sne.s32 s4, $0xFFFFFFFF;
	s8 =	smov.u32 s7  }
0x1c5: {  	s3 =	smov.u32 @p2 s0;
	p2 =	seq.s32 s7, $0xFFFFFFFF;
	s8 =	smov.u32 @p1 s4  }
0x1c6: {  	[sflag:s9] =	ssyncpa.u1 $0x0;
	s7 =	smov.u32 @p2 s3;
	s8 =	smov.u32 @p2 s4  }
.LBB3_32:
0x1c7: {  	p1 =	sgt.u32 s12, $0x270F0  }
0x1c8: {  	p2 =	seq.s32 @!p1 s12, s8  }
0x1c9: {  	p1 =	por p1, p2  }
0x1ca: {  	p2 =	sne.s32 @!p1 s12, s7  }
0x1cb: {  	p1 =	por p1, !p2  }
0x1cc: {  	s0 =	sshll.u32 @p1 s11, $0x9  }
0x1cd: {  	s0 =	sand.u32 @!p1 $0x3FFF8, s12  }
0x1ce: {  	s2 =	sand.u32 @!p1 $0x7, s12;
	s0 =	sadd.s32 @!p1 s1, s0  }
0x1cf: {  	[tilespmem:s10], [sflag:$0x6] =	stream.linear.gather @!p1 [hbm4b:s0+s2], $0x80, $0x38;
	[tilespmem:$0x1F6F8] =	vst v63  }
0x1d0: {  	_ =	swait.ge @!p1 [sflag:s9], $0x80  }
0x1d1: {  	[sflag:s9] =	ssyncset.done @!p1 $0x0  }
0x1d2: {  	[sflag:s9] =	ssyncadd.s32 @!p1 $0xFFFFFF80  }
0x1d3: {  	v1 =	vld @!p1 [tilespmem:$0xF188];
	_ =	sdelay $0x2  }
0x1d4: {  	s0 =	sshll.u32 @!p1 s11, $0x9  }
0x1d5: {  	s2 =	sshrl.u32 @!p1 s0, $0x2  }
0x1d6: {  	[tilespmem:s2+$0xF238] =	vst.add.f32.msk @!p1 $0xffff, v1  }
0x1d7: {  	v1 =	vld @!p1 [tilespmem:$0xF198];
	_ =	sdelay $0x4  }
0x1d8: {  	[tilespmem:s2+$0xF248] =	vst.add.f32.msk @!p1 $0xffff, v1  }
0x1d9: {  	v1 =	vld @!p1 [tilespmem:$0xF1A8];
	_ =	sdelay $0x4  }
0x1da: {  	[tilespmem:s2+$0xF258] =	vst.add.f32.msk @!p1 $0xffff, v1  }
0x1db: {  	v1 =	vld @!p1 [tilespmem:$0xF1B8];
	_ =	sdelay $0x4  }
0x1dc: {  	[tilespmem:s2+$0xF268] =	vst.add.f32.msk @!p1 $0xffff, v1  }
0x1dd: {  	v1 =	vld @!p1 [tilespmem:$0xF1C8];
	_ =	sdelay $0x4  }
0x1de: {  	[tilespmem:s2+$0xF278] =	vst.add.f32.msk @!p1 $0xffff, v1  }
0x1df: {  	v1 =	vld @!p1 [tilespmem:$0xF1D8];
	_ =	sdelay $0x4  }
0x1e0: {  	[tilespmem:s2+$0xF288] =	vst.add.f32.msk @!p1 $0xffff, v1  }
0x1e1: {  	v1 =	vld @!p1 [tilespmem:$0xF1E8];
	_ =	sdelay $0x4  }
0x1e2: {  	[tilespmem:s2+$0xF298] =	vst.add.f32.msk @!p1 $0xffff, v1  }
0x1e3: {  	v1 =	vld @!p1 [tilespmem:$0xF1F8];
	_ =	sdelay $0x4  }
0x1e4: {  	[tilespmem:s2+$0xF2A8] =	vst.add.f32.msk @!p1 $0xffff, v1  }
0x1e5: {  	s0 =	sshrl.u32 s0, $0x2;
	[tilespmem:s6+$0xF218] =	vst.msk $0x1, v0  }
0x1e6: {  	v0 =	vld [tilespmem:s0+$0xF238];
	_ =	sdelay $0x2  }
0x1e7: {  	s31 =	sshll.u32 s6, $0x9  }
0x1e8: {  	s2 =	sshra.s32 s31, $0x2  }
0x1e9: {  	[tilespmem:s2+$0xF238] =	vst v0  }
0x1ea: {  	v0 =	vld [tilespmem:s0+$0xF248];
	_ =	sdelay $0x4  }
0x1eb: {  	[tilespmem:s2+$0xF248] =	vst v0  }
0x1ec: {  	v0 =	vld [tilespmem:s0+$0xF258];
	_ =	sdelay $0x4  }
0x1ed: {  	[tilespmem:s2+$0xF258] =	vst v0  }
0x1ee: {  	v0 =	vld [tilespmem:s0+$0xF268];
	_ =	sdelay $0x4  }
0x1ef: {  	[tilespmem:s2+$0xF268] =	vst v0  }
0x1f0: {  	v0 =	vld [tilespmem:s0+$0xF278];
	_ =	sdelay $0x4  }
0x1f1: {  	[tilespmem:s2+$0xF278] =	vst v0  }
0x1f2: {  	v0 =	vld [tilespmem:s0+$0xF288];
	_ =	sdelay $0x4  }
0x1f3: {  	[tilespmem:s2+$0xF288] =	vst v0  }
0x1f4: {  	v0 =	vld [tilespmem:s0+$0xF298];
	_ =	sdelay $0x4  }
0x1f5: {  	[tilespmem:s2+$0xF298] =	vst v0  }
0x1f6: {  	v0 =	vld [tilespmem:s0+$0xF2A8];
	_ =	sdelay $0x4  }
0x1f7: {  	s6 =	sadd.s32 $0x1, s6;
	[tilespmem:s2+$0xF2A8] =	vst v0  }
.LBB3_33:
0x1f8: {  	s11 =	sadd.s32 $0x1, s11  }
0x1f9: {  	p1 =	sne.s32 s11, $0x20  }
.Ltmp28:
0x1fa: {  	_ = 	snop;
	(pc) =	sbr.rel @!p1 .LBB3_34-.Ltmp28, $1  }
0x1fb: {  	_ =	sdelay $0x3  }
.LBB3_26:
0x1fc: {  	v0 =	vld.msk [tilespmem:s11+$0xF218], $0x1;
	_ =	sdelay $0x4  }
0x1fd: {  	(v2sf) =	vpush v0, $0x0;
	_ =	sdelay $0xe  }
0x1fe: {  	s12 =	spop (v2sf)  }
0x1ff: {  	p1 =	seq.s32 s12, $0xFFFFFFFF  }
.Ltmp29:
0x200: {  	_ = 	snop;
	(pc) =	sbr.rel @p1 .LBB3_33-.Ltmp29, $1  }
0x201: {  	_ =	sdelay $0x3  }
0x202: {  	p1 =	slt.s32 s6, $0x1  }
.Ltmp30:
0x203: {  	_ = 	snop;
	(pc) =	sbr.rel @p1 .LBB3_32-.Ltmp30, $1  }
0x204: {  	_ =	sdelay $0x3  }
0x205: {  	s13 =	simm.s32 $0xF218;
	p1 =	por $0x0, $0x0  }
0x206: {  	v1 =	vld.msk @!p1 [tilespmem:s13+$0x0], $0x1;
	_ =	sdelay $0x4  }
0x207: {  	(v2sf) =	vpush @!p1 v1, $0x0;
	_ =	sdelay $0xd  }
0x208: {  	p3 =	sne.s32 s6, $0x1  }
.Ltmp31:
0x209: {  	s0 =	spop @!p1 (v2sf);
	(pc) =	sbr.rel @!p3 .LBB3_30-.Ltmp31, $4  }
0x20a: {  	p2 =	seq.s32 @!p1 s12, s0  }
0x20b: {  	s14 =	simm.s32 $0x0;
	p2 =	por !p2, p1  }
0x20c: {  	s2 =	simm.s32 $0xFFFFFFFF;
	s14 =	simm.s32 @p2 $0xFFFFFFFF  }
0x20d: {  	s0 =	simm.s32 $0x1;
	s14 =	smov.u32 @p1 s2  }
.LBB3_29:
0x20e: {  	s2 =	smov.u32 s14;
	p1 =	sne.s32 s14, $0xFFFFFFFF  }
0x20f: {  	s13 =	sadd.s32 $0x1, s13;
	s14 =	smov.u32 s0;
	s0 =	sadd.s32 $0x1, s0  }
0x210: {  	p2 =	sne.s32 s6, s0;
	v1 =	vld.msk @!p1 [tilespmem:s13+$0x0], $0x1;
	_ =	sdelay $0x4  }
0x211: {  	(v2sf) =	vpush @!p1 v1, $0x0;
	_ =	sdelay $0xe  }
.Ltmp32:
0x212: {  	s3 =	spop @!p1 (v2sf);
	(pc) =	sbr.rel @p2 .LBB3_29-.Ltmp32, $4  }
0x213: {  	p3 =	seq.s32 @!p1 s12, s3  }
0x214: {  	p3 =	por !p3, p1  }
0x215: {  	s14 =	simm.s32 @p3 $0xFFFFFFFF  }
0x216: {  	s14 =	smov.u32 @p1 s2  }
.LBB3_30:
0x217: {  	p1 =	seq.s32 s14, $0xFFFFFFFF  }
.Ltmp33:
0x218: {  	_ = 	snop;
	(pc) =	sbr.rel @p1 .LBB3_32-.Ltmp33, $1  }
0x219: {  	_ =	sdelay $0x3  }
0x21a: {  	s0 =	sshll.u32 s11, $0x7  }
0x21b: {  	s0 =	sand.u32 $0x3FFFFF80, s0  }
0x21c: {  	v0 =	vld [tilespmem:s0+$0xF238];
	_ =	sdelay $0x2  }
0x21d: {  	s2 =	sshll.u32 s14, $0x9  }
0x21e: {  	s2 =	sshra.s32 s2, $0x2  }
0x21f: {  	[tilespmem:s2+$0xF238] =	vst.add.f32.msk $0xffff, v0  }
0x220: {  	v0 =	vld [tilespmem:s0+$0xF248];
	_ =	sdelay $0x4  }
0x221: {  	[tilespmem:s2+$0xF248] =	vst.add.f32.msk $0xffff, v0  }
0x222: {  	v0 =	vld [tilespmem:s0+$0xF258];
	_ =	sdelay $0x4  }
0x223: {  	[tilespmem:s2+$0xF258] =	vst.add.f32.msk $0xffff, v0  }
0x224: {  	v0 =	vld [tilespmem:s0+$0xF268];
	_ =	sdelay $0x4  }
0x225: {  	[tilespmem:s2+$0xF268] =	vst.add.f32.msk $0xffff, v0  }
0x226: {  	v0 =	vld [tilespmem:s0+$0xF278];
	_ =	sdelay $0x4  }
0x227: {  	[tilespmem:s2+$0xF278] =	vst.add.f32.msk $0xffff, v0  }
0x228: {  	v0 =	vld [tilespmem:s0+$0xF288];
	_ =	sdelay $0x4  }
0x229: {  	[tilespmem:s2+$0xF288] =	vst.add.f32.msk $0xffff, v0  }
0x22a: {  	v0 =	vld [tilespmem:s0+$0xF298];
	_ =	sdelay $0x4  }
0x22b: {  	[tilespmem:s2+$0xF298] =	vst.add.f32.msk $0xffff, v0  }
0x22c: {  	v0 =	vld [tilespmem:s0+$0xF2A8]  }
.Ltmp34:
0x22d: {  	_ = 	snop;
	(pc) =	sbr.rel .LBB3_33-.Ltmp34, $2  }
0x22e: {  	_ =	sdelay $0x2  }
0x22f: {  	[tilespmem:s2+$0xF2A8] =	vst.add.f32.msk $0xffff, v0  }
.LBB3_34:
0x230: {  	s0 =	simm.s32 $0x6;
	p1 =	seq.s32 s6, $0x0  }
0x231: {  	[sflag:s0] =	ssyncpa.u1 $0x1;
	v0 =	vimm.s32 @p1 $0xFFFFFFFF  }
0x232: {  	s9 =	sadd.s32 $0xFFFFFFFF, s6;
	[tilespmem:$0x10238] =	vst @p1 v0  }
0x233: {  	v0 =	vld.msk @!p1 [tilespmem:s9+$0xF218], $0x1;
	_ =	sdelay $0x1  }
0x234: {  	v1 =	vld.msk @!p1 [tilespmem:$0xF218], $0x1;
	_ =	sdelay $0x2  }
0x235: {  	p2 =	seq.s32 @!p1 s9, $0x0;
	v0 =	vbroadcast @!p1 v0, $0x0  }
0x236: {  	vm0 =	vmmov @!p1 $0x1;
	p2 =	por !p2, p1  }
0x237: {  	v1 =	vnsel @!p1 vm0, $0xFFFFFFFF, v1;
	vm0 =	vcmask @!p1 $0x308;
	v0 =	vpsel !p2, $0xFFFFFFFF, v0  }
0x238: {  	p2 =	sne.s32 @!p1 s8, s7;
	v0 =	vsel @!p1 vm0, v1, v0  }
0x239: {  	s0 =	simm.s32 @!p1 $0xF238;
	s2 =	simm.s32 @!p1 $0x0;
	p3 =	por !p2, p1;
	[tilespmem:$0x10238] =	vst @!p1 v0  }
0x23a: {  	[spmem:s2] =	stream.linear.scatter @!p1 [tilespmem:s0], [sflag:$0x1], $0x80, $0x38;
	[tilespmem:$0x1F6F8] =	vst v63  }
0x23b: {  	s0 =	sshll.u32 @!p3 s9, $0x9  }
0x23c: {  	s0 =	sshra.s32 @!p3 s0, $0x2  }
0x23d: {  	s2 =	simm.s32 @!p3 $0x80;
	s0 =	sadd.s32 @!p3 $0xF238, s0  }
0x23e: {  	[spmem:s2] =	stream.linear.scatter @!p3 [tilespmem:s0], [sflag:$0x1], $0x80, $0x38;
	[tilespmem:$0x1F6F8] =	vst v63  }
0x23f: {  	s0 =	simm.s32 @!p3 $0x1  }
0x240: {  	_ =	swait.ge @!p3 [sflag:s0], $0x100  }
0x241: {  	p1 =	por p2, p1;
	[sflag:s0] =	ssyncset.done @!p3 $0x0  }
0x242: {  	[sflag:s0] =	ssyncadd.s32 @!p3 $0xFFFFFF00;
	s0 =	simm.s32 @!p1 $0x1  }
0x243: {  	_ =	swait.ge @!p1 [sflag:s0], $0x80  }
0x244: {  	s29 =	simm.s32 $0x10238;
	[sflag:s0] =	ssyncset.done @!p1 $0x0  }
0x245: {  	s30 =	simm.s32 $0x1000;
	s31 =	simm.s32 $0x1;
	[sflag:s0] =	ssyncadd.s32 @!p1 $0xFFFFFF80  }
0x246: {  	[spmem:s30] =	stream.linear.scatter [tilespmem:s29], [sflag:$0x1], $0x10, $0x38;
	[tilespmem:$0x1F6F8] =	vst v63  }
0x247: {  	_ =	swait.ge [sflag:s31], $0x10  }
0x248: {  	[sflag:s31] =	ssyncset.done $0x0  }
0x249: {  	p1 =	seq.s32 s15, $0x0;
	s8 =	rddreg [dreg:$0x1];
	[sflag:s31] =	ssyncadd.s32 $0xFFFFFFF0  }
0x24a: {  	s2 =	sshll.u32 @p1 s8, $0xE;
	s7 =	rddreg [dreg:$0x2]  }
0x24b: {  	s0 =	sadd.s32 @p1 $0x15C3C, s2;
	s2 =	sshll.u32 @p1 s7, $0x11  }
0x24c: {  	_ =	sfence.stream.spmem;
	s0 =	sor.u32 @p1 s2, s0  }
0x24d: {  	[sflag:s0] =	ssyncadd.remote.s32 @p1 $0x1;
	s0 =	simm.s32 @p1 $0x4  }
0x24e: {  	s3 =	simm.s32 @!p1 $0x3C;
	s2 =	sand.u32 $0xFFFFFFFE, s8;
	_ =	swait.ge @p1 [sflag:s0], $0x22  }
0x24f: {  	s4 =	simm.s32 @!p1 $0x0;
	s2 =	sadd.s32 @!p1 $0x4, s2;
	[sflag:s0] =	ssyncset.done @p1 $0x0  }
0x250: {  	s5 =	simm.s32 @!p1 $0x100;
	[sflag:s0] =	ssyncadd.s32 @p1 $0xFFFFFFDE;
	s0 =	sshll.u32 @!p1 s2, $0x1A  }
0x251: {  	s2 =	sshll.u32 @!p1 s2, $0xD;
	s0 =	sor.u32 @!p1 s0, s7;
	_ =	swait.eq @!p1 [sflag:s3], $0x1  }
0x252: {  	s2 =	sor.u32 @!p1 $0x1C04, s2;
	s3 =	simm.s32 @!p1 $0x1C03;
	s0 =	sor.u32 @!p1 $0x80004000, s0  }
0x253: {  	[spmem:s5], [sflag:s2] =	dma.general @!p1 [spmem:s4], [sflag:s3], length:$0x20, [dreg:$0x0], stride_count:$0x0, ici_dest:s0, dma_misc:DstOpCode:WRITE  }
0x254: {  	p2 =	slt.s32 s9, $0x2;
	s4 =	simm.s32 @!p1 $0x200;
	s5 =	simm.s32 @!p1 $0x202  }
0x255: {  	[spmem:s5], [sflag:s2] =	dma.general @!p1 [spmem:s4], [sflag:s3], length:$0x2, [dreg:$0x0], stride_count:$0x0, ici_dest:s0, dma_misc:DstOpCode:WRITE  }
.Ltmp35:
0x256: {  	s0 =	simm.s32 @!p1 $0x3;
	(pc) =	sbr.rel @p2 .LBB3_38-.Ltmp35, $4  }
0x257: {  	s2 =	sshll.u32 @!p1 s8, $0xE;
	_ =	swait.ge @!p1 [sflag:s0], $0x22  }
0x258: {  	s3 =	sshll.u32 @!p1 s7, $0x11;
	s2 =	sadd.s32 @!p1 $0x11C3C, s2;
	[sflag:s0] =	ssyncset.done @!p1 $0x0  }
0x259: {  	[sflag:s0] =	ssyncadd.s32 @!p1 $0xFFFFFFDE;
	s0 =	sor.u32 @!p1 s3, s2  }
0x25a: {  	[sflag:s0] =	ssyncadd.remote.s32 @!p1 $0xFFFFFFFF;
	s0 =	simm.s32 $0x0  }
0x25b: {  	s0 =	simm.s32 $0xF219  }
0x25c: {  	v0 =	vld.msk [tilespmem:s0+$0x0], $0x1;
	_ =	sdelay $0x4  }
0x25d: {  	(v2sf) =	vpush v0, $0x0;
	_ =	sdelay $0xb  }
0x25e: {  	s31 =	sadd.s32 $0xFFFFFFFE, s6  }
0x25f: {  	s0 =	sadd.s32 $0xFFFFFFFF, s31  }
0x260: {  	p2 =	sne.s32 s0, $0x0  }
.Ltmp36:
0x261: {  	s2 =	spop (v2sf);
	(pc) =	sbr.rel @!p2 .LBB3_37-.Ltmp36, $4  }
0x262: {  	s4 =	simm.s32 $0xF2B8;
	s7 =	simm.s32 $0x0;
	p1 =	sgt.u32 s2, $0x270F0  }
0x263: {  	s5 =	simm.s32 $0x0;
	s6 =	simm.s32 $0xF21A;
	s3 =	sand.u32 @!p1 $0x3FFF8, s2  }
0x264: {  	s2 =	sand.u32 @!p1 $0x7, s2;
	s7 =	simm.s32 @!p1 $0x200;
	s3 =	sadd.s32 @!p1 s1, s3  }
0x265: {  	[hbm4b:s3+s2] =	stream.linear.scatter @!p1 [tilespmem:s4], [sflag:$0x5], $0x80, $0x38;
	[tilespmem:$0x1F6F8] =	vst v63  }
.LBB3_36:
0x266: {  	v0 =	vld.msk [tilespmem:s6+$0x0], $0x1;
	s0 =	sadd.s32 $0xFFFFFFFF, s0;
	s5 =	sadd.s32 s5, s7  }
0x267: {  	p1 =	sne.s32 s0, $0x0;
	_ =	sdelay $0x3  }
0x268: {  	(v2sf) =	vpush v0, $0x0;
	_ =	sdelay $0xe  }
.Ltmp37:
0x269: {  	s2 =	spop (v2sf);
	(pc) =	sbr.rel @p1 .LBB3_36-.Ltmp37, $4  }
0x26a: {  	s7 =	simm.s32 $0x0;
	p2 =	sgt.u32 s2, $0x270F0  }
0x26b: {  	s4 =	sadd.s32 $0x80, s4;
	s7 =	simm.s32 @!p2 $0x200;
	s3 =	sand.u32 @!p2 $0x3FFF8, s2  }
0x26c: {  	s6 =	sadd.s32 $0x1, s6;
	s2 =	sand.u32 @!p2 $0x7, s2;
	s3 =	sadd.s32 @!p2 s1, s3  }
0x26d: {  	[hbm4b:s3+s2] =	stream.linear.scatter @!p2 [tilespmem:s4], [sflag:$0x5], $0x80, $0x38;
	[tilespmem:$0x1F6F8] =	vst v63  }
.LBB3_37:
0x26e: {  	s0 =	sadd.s32 s5, s7  }
0x26f: {  	s0 =	sshrl.u32 s0, $0x2  }
.LBB3_38:
0x270: {  	s2 =	simm.s32 $0x5  }
0x271: {  	_ =	swait.ge [sflag:s2], s0  }
0x272: {  	s31 =	ssub.s32 $0x0, s0;
	[sflag:s2] =	ssyncset.done $0x0  }
0x273: {  	[sflag:s2] =	ssyncadd.s32 s31  }
0x274: {  	[sflag:s2] =	ssyncpa.u1 $0x1  }
.LBB3_39:
0x275: {  	s0 =	sor.u32 s15, s16  }
0x276: {  	p1 =	sne.s32 s0, $0x0  }
.Ltmp38:
0x277: {  	_ = 	snop;
	(pc) =	sbr.rel @p1 .LBB3_54-.Ltmp38, $3  }
0x278: {  	_ =	sdelay $0x1  }
0x279: {  	[bflag:$0x0] =	sbarrier.arrive $0xFFFF  }
0x27a: {  	_ =	sfence  }
0x27b: {  	s0 =	simm.s32 $0x7  }
0x27c: {  	s2 =	simm.s32 $0x1000;
	s3 =	simm.s32 $0xF218;
	[sflag:s0] =	ssyncpa.u1 $0x0  }
0x27d: {  	[tilespmem:s3], [sflag:$0x7] =	stream.linear.gather [spmem:s2], $0x20, $0x38;
	[tilespmem:$0x1F6F8] =	vst v63  }
0x27e: {  	s30 =	simm.s32 $0xF238;
	s2 =	simm.s32 $0x0  }
0x27f: {  	[tilespmem:s30], [sflag:$0x7] =	stream.linear.gather [spmem:s2], $0x1000, $0x38;
	[tilespmem:$0x1F6F8] =	vst v63  }
.Ltmp39:
0x280: {  	_ = 	snop;
	(pc) =	sbr.rel .LBB3_41-.Ltmp39, $4  }
0x281: {  	_ =	swait.ge [sflag:s0], $0x1020  }
0x282: {  	[sflag:s0] =	ssyncset.done $0x0  }
0x283: {  	s31 =	simm.s32 $0x8;
	[sflag:s0] =	ssyncadd.s32 $0xFFFFEFE0  }
0x284: {  	s3 =	simm.s32 $0x0;
	[sflag:s31] =	ssyncpa.u1 $0x0  }
.LBB3_47:
0x285: {  	p1 =	slt.u32 s4, $0x270F1  }
0x286: {  	s0 =	sand.u32 @p1 $0x3FFF8, s4  }
0x287: {  	s4 =	sand.u32 @p1 $0x7, s4;
	s5 =	simm.s32 @p1 $0xF188;
	s0 =	sadd.s32 @p1 s1, s0  }
0x288: {  	[tilespmem:s5], [sflag:$0x8] =	stream.linear.gather @p1 [hbm4b:s0+s4], $0x80, $0x38;
	[tilespmem:$0x1F6F8] =	vst v63  }
0x289: {  	s0 =	simm.s32 @p1 $0x8  }
0x28a: {  	_ =	swait.ge @p1 [sflag:s0], $0x80  }
0x28b: {  	[sflag:s0] =	ssyncset.done @p1 $0x0  }
0x28c: {  	[sflag:s0] =	ssyncadd.s32 @p1 $0xFFFFFF80  }
0x28d: {  	v1 =	vld @p1 [tilespmem:$0xF188];
	_ =	sdelay $0x2  }
0x28e: {  	s0 =	sshll.u32 @p1 s3, $0x9  }
0x28f: {  	s4 =	sshrl.u32 @p1 s0, $0x2  }
0x290: {  	[tilespmem:s4+$0xF238] =	vst.add.f32.msk @p1 $0xffff, v1  }
0x291: {  	v1 =	vld @p1 [tilespmem:$0xF198];
	_ =	sdelay $0x4  }
0x292: {  	[tilespmem:s4+$0xF248] =	vst.add.f32.msk @p1 $0xffff, v1  }
0x293: {  	v1 =	vld @p1 [tilespmem:$0xF1A8];
	_ =	sdelay $0x4  }
0x294: {  	[tilespmem:s4+$0xF258] =	vst.add.f32.msk @p1 $0xffff, v1  }
0x295: {  	v1 =	vld @p1 [tilespmem:$0xF1B8];
	_ =	sdelay $0x4  }
0x296: {  	[tilespmem:s4+$0xF268] =	vst.add.f32.msk @p1 $0xffff, v1  }
0x297: {  	v1 =	vld @p1 [tilespmem:$0xF1C8];
	_ =	sdelay $0x4  }
0x298: {  	[tilespmem:s4+$0xF278] =	vst.add.f32.msk @p1 $0xffff, v1  }
0x299: {  	v1 =	vld @p1 [tilespmem:$0xF1D8];
	_ =	sdelay $0x4  }
0x29a: {  	[tilespmem:s4+$0xF288] =	vst.add.f32.msk @p1 $0xffff, v1  }
0x29b: {  	v1 =	vld @p1 [tilespmem:$0xF1E8];
	_ =	sdelay $0x4  }
0x29c: {  	[tilespmem:s4+$0xF298] =	vst.add.f32.msk @p1 $0xffff, v1  }
0x29d: {  	v1 =	vld @p1 [tilespmem:$0xF1F8];
	_ =	sdelay $0x3  }
0x29e: {  	s5 =	sshll.u32 @!p1 s3, $0x9  }
0x29f: {  	s5 =	smov.u32 @p1 s0;
	[tilespmem:s4+$0xF2A8] =	vst.add.f32.msk @p1 $0xffff, v1  }
0x2a0: {  	s0 =	sshrl.u32 s5, $0x2;
	[tilespmem:s2+$0xF218] =	vst.msk $0x1, v0  }
0x2a1: {  	v0 =	vld [tilespmem:s0+$0xF238];
	_ =	sdelay $0x2  }
0x2a2: {  	s31 =	sshll.u32 s2, $0x9  }
0x2a3: {  	s4 =	sshra.s32 s31, $0x2  }
0x2a4: {  	[tilespmem:s4+$0xF238] =	vst v0  }
0x2a5: {  	v0 =	vld [tilespmem:s0+$0xF248];
	_ =	sdelay $0x4  }
0x2a6: {  	[tilespmem:s4+$0xF248] =	vst v0  }
0x2a7: {  	v0 =	vld [tilespmem:s0+$0xF258];
	_ =	sdelay $0x4  }
0x2a8: {  	[tilespmem:s4+$0xF258] =	vst v0  }
0x2a9: {  	v0 =	vld [tilespmem:s0+$0xF268];
	_ =	sdelay $0x4  }
0x2aa: {  	[tilespmem:s4+$0xF268] =	vst v0  }
0x2ab: {  	v0 =	vld [tilespmem:s0+$0xF278];
	_ =	sdelay $0x4  }
0x2ac: {  	[tilespmem:s4+$0xF278] =	vst v0  }
0x2ad: {  	v0 =	vld [tilespmem:s0+$0xF288];
	_ =	sdelay $0x4  }
0x2ae: {  	[tilespmem:s4+$0xF288] =	vst v0  }
0x2af: {  	v0 =	vld [tilespmem:s0+$0xF298];
	_ =	sdelay $0x4  }
0x2b0: {  	[tilespmem:s4+$0xF298] =	vst v0  }
0x2b1: {  	v0 =	vld [tilespmem:s0+$0xF2A8];
	_ =	sdelay $0x4  }
0x2b2: {  	s2 =	sadd.s32 $0x1, s2;
	[tilespmem:s4+$0xF2A8] =	vst v0  }
.LBB3_48:
0x2b3: {  	s3 =	sadd.s32 $0x1, s3  }
0x2b4: {  	p1 =	sne.s32 s3, $0x20  }
.Ltmp40:
0x2b5: {  	_ = 	snop;
	(pc) =	sbr.rel @!p1 .LBB3_49-.Ltmp40, $1  }
0x2b6: {  	_ =	sdelay $0x3  }
.LBB3_41:
0x2b7: {  	v0 =	vld.msk [tilespmem:s3+$0xF218], $0x1;
	_ =	sdelay $0x4  }
0x2b8: {  	(v2sf) =	vpush v0, $0x0;
	_ =	sdelay $0xe  }
0x2b9: {  	s4 =	spop (v2sf)  }
0x2ba: {  	p1 =	seq.s32 s4, $0xFFFFFFFF  }
.Ltmp41:
0x2bb: {  	_ = 	snop;
	(pc) =	sbr.rel @p1 .LBB3_48-.Ltmp41, $1  }
0x2bc: {  	_ =	sdelay $0x3  }
0x2bd: {  	p1 =	slt.s32 s2, $0x1  }
.Ltmp42:
0x2be: {  	_ = 	snop;
	(pc) =	sbr.rel @p1 .LBB3_47-.Ltmp42, $1  }
0x2bf: {  	_ =	sdelay $0x3  }
0x2c0: {  	s5 =	simm.s32 $0xF218;
	p1 =	por $0x0, $0x0  }
0x2c1: {  	v1 =	vld.msk @!p1 [tilespmem:s5+$0x0], $0x1;
	_ =	sdelay $0x4  }
0x2c2: {  	(v2sf) =	vpush @!p1 v1, $0x0;
	_ =	sdelay $0xd  }
0x2c3: {  	p3 =	sne.s32 s2, $0x1  }
.Ltmp43:
0x2c4: {  	s0 =	spop @!p1 (v2sf);
	(pc) =	sbr.rel @!p3 .LBB3_45-.Ltmp43, $4  }
0x2c5: {  	p2 =	seq.s32 @!p1 s4, s0  }
0x2c6: {  	s6 =	simm.s32 $0x0;
	p2 =	por !p2, p1  }
0x2c7: {  	s7 =	simm.s32 $0xFFFFFFFF;
	s6 =	simm.s32 @p2 $0xFFFFFFFF  }
0x2c8: {  	s0 =	simm.s32 $0x1;
	s6 =	smov.u32 @p1 s7  }
.LBB3_44:
0x2c9: {  	s7 =	smov.u32 s6;
	p1 =	sne.s32 s6, $0xFFFFFFFF  }
0x2ca: {  	s5 =	sadd.s32 $0x1, s5;
	s6 =	smov.u32 s0;
	s0 =	sadd.s32 $0x1, s0  }
0x2cb: {  	p2 =	sne.s32 s2, s0;
	v1 =	vld.msk @!p1 [tilespmem:s5+$0x0], $0x1;
	_ =	sdelay $0x4  }
0x2cc: {  	(v2sf) =	vpush @!p1 v1, $0x0;
	_ =	sdelay $0xe  }
.Ltmp44:
0x2cd: {  	s8 =	spop @!p1 (v2sf);
	(pc) =	sbr.rel @p2 .LBB3_44-.Ltmp44, $4  }
0x2ce: {  	p3 =	seq.s32 @!p1 s4, s8  }
0x2cf: {  	p3 =	por !p3, p1  }
0x2d0: {  	s6 =	simm.s32 @p3 $0xFFFFFFFF  }
0x2d1: {  	s6 =	smov.u32 @p1 s7  }
.LBB3_45:
0x2d2: {  	p1 =	seq.s32 s6, $0xFFFFFFFF  }
.Ltmp45:
0x2d3: {  	_ = 	snop;
	(pc) =	sbr.rel @p1 .LBB3_47-.Ltmp45, $1  }
0x2d4: {  	_ =	sdelay $0x3  }
0x2d5: {  	s0 =	sshll.u32 s3, $0x7  }
0x2d6: {  	s0 =	sand.u32 $0x3FFFFF80, s0  }
0x2d7: {  	v0 =	vld [tilespmem:s0+$0xF238];
	_ =	sdelay $0x2  }
0x2d8: {  	s4 =	sshll.u32 s6, $0x9  }
0x2d9: {  	s4 =	sshra.s32 s4, $0x2  }
0x2da: {  	[tilespmem:s4+$0xF238] =	vst.add.f32.msk $0xffff, v0  }
0x2db: {  	v0 =	vld [tilespmem:s0+$0xF248];
	_ =	sdelay $0x4  }
0x2dc: {  	[tilespmem:s4+$0xF248] =	vst.add.f32.msk $0xffff, v0  }
0x2dd: {  	v0 =	vld [tilespmem:s0+$0xF258];
	_ =	sdelay $0x4  }
0x2de: {  	[tilespmem:s4+$0xF258] =	vst.add.f32.msk $0xffff, v0  }
0x2df: {  	v0 =	vld [tilespmem:s0+$0xF268];
	_ =	sdelay $0x4  }
0x2e0: {  	[tilespmem:s4+$0xF268] =	vst.add.f32.msk $0xffff, v0  }
0x2e1: {  	v0 =	vld [tilespmem:s0+$0xF278];
	_ =	sdelay $0x4  }
0x2e2: {  	[tilespmem:s4+$0xF278] =	vst.add.f32.msk $0xffff, v0  }
0x2e3: {  	v0 =	vld [tilespmem:s0+$0xF288];
	_ =	sdelay $0x4  }
0x2e4: {  	[tilespmem:s4+$0xF288] =	vst.add.f32.msk $0xffff, v0  }
0x2e5: {  	v0 =	vld [tilespmem:s0+$0xF298];
	_ =	sdelay $0x4  }
0x2e6: {  	[tilespmem:s4+$0xF298] =	vst.add.f32.msk $0xffff, v0  }
0x2e7: {  	v0 =	vld [tilespmem:s0+$0xF2A8]  }
.Ltmp46:
0x2e8: {  	_ = 	snop;
	(pc) =	sbr.rel .LBB3_48-.Ltmp46, $2  }
0x2e9: {  	_ =	sdelay $0x2  }
0x2ea: {  	[tilespmem:s4+$0xF2A8] =	vst.add.f32.msk $0xffff, v0  }
.LBB3_49:
0x2eb: {  	p1 =	slt.s32 s2, $0x1  }
.Ltmp47:
0x2ec: {  	_ = 	snop;
	(pc) =	sbr.rel @p1 .LBB3_53-.Ltmp47, $3  }
0x2ed: {  	_ =	sdelay $0x1  }
0x2ee: {  	s0 =	simm.s32 $0x8  }
0x2ef: {  	s3 =	simm.s32 $0x0;
	[sflag:s0] =	ssyncpa.u1 $0x1  }
0x2f0: {  	s0 =	simm.s32 $0xF218  }
0x2f1: {  	v0 =	vld.msk [tilespmem:s0+$0x0], $0x1;
	_ =	sdelay $0x4  }
0x2f2: {  	(v2sf) =	vpush v0, $0x0;
	_ =	sdelay $0xe  }
0x2f3: {  	s0 =	sadd.s32 $0xFFFFFFFF, s2;
	s5 =	spop (v2sf)  }
0x2f4: {  	p2 =	sne.s32 s0, $0x0;
	p1 =	sgt.u32 s5, $0x270F0  }
.Ltmp48:
0x2f5: {  	s6 =	sand.u32 @!p1 $0x3FFF8, s5;
	(pc) =	sbr.rel @!p2 .LBB3_52-.Ltmp48, $4  }
0x2f6: {  	s4 =	simm.s32 $0xF238;
	s5 =	sand.u32 @!p1 $0x7, s5;
	s2 =	sadd.s32 @!p1 s1, s6  }
0x2f7: {  	[hbm4b:s2+s5] =	stream.linear.scatter @!p1 [tilespmem:s4], [sflag:$0x7], $0x80, $0x38;
	[tilespmem:$0x1F6F8] =	vst v63  }
0x2f8: {  	s5 =	simm.s32 $0x0  }
0x2f9: {  	s2 =	simm.s32 $0xF219;
	s5 =	simm.s32 @!p1 $0x200  }
.LBB3_51:
0x2fa: {  	v0 =	vld.msk [tilespmem:s2+$0x0], $0x1;
	s0 =	sadd.s32 $0xFFFFFFFF, s0;
	s3 =	sadd.s32 s3, s5  }
0x2fb: {  	p1 =	sne.s32 s0, $0x0;
	_ =	sdelay $0x3  }
0x2fc: {  	(v2sf) =	vpush v0, $0x0;
	_ =	sdelay $0xe  }
.Ltmp49:
0x2fd: {  	s6 =	spop (v2sf);
	(pc) =	sbr.rel @p1 .LBB3_51-.Ltmp49, $4  }
0x2fe: {  	s5 =	simm.s32 $0x0;
	p2 =	sgt.u32 s6, $0x270F0  }
0x2ff: {  	s4 =	sadd.s32 $0x80, s4;
	s5 =	simm.s32 @!p2 $0x200;
	s7 =	sand.u32 @!p2 $0x3FFF8, s6  }
0x300: {  	s2 =	sadd.s32 $0x1, s2;
	s6 =	sand.u32 @!p2 $0x7, s6;
	s7 =	sadd.s32 @!p2 s1, s7  }
0x301: {  	[hbm4b:s7+s6] =	stream.linear.scatter @!p2 [tilespmem:s4], [sflag:$0x7], $0x80, $0x38;
	[tilespmem:$0x1F6F8] =	vst v63  }
.LBB3_52:
0x302: {  	s0 =	sadd.s32 s3, s5  }
0x303: {  	s3 =	sshrl.u32 s0, $0x2  }
.LBB3_53:
0x304: {  	s0 =	simm.s32 $0x7  }
0x305: {  	_ =	swait.ge [sflag:s0], s3  }
0x306: {  	s1 =	ssub.s32 $0x0, s3;
	[sflag:s0] =	ssyncset.done $0x0  }
0x307: {  	[sflag:s0] =	ssyncadd.s32 s1  }
0x308: {  	[sflag:s0] =	ssyncpa.u1 $0x1  }
.LBB3_54:
0x309: {  	_ =	sfence;
	s0 =	simm.s32 $0x1  }
0x30a: {  	[sflag:s0] =	ssyncpa.u1 $0x1  }
0x30b: {  	_ =	strace $0x9000004D  }
0x30c: {  	[bflag:$0x2] =	sbarrier.arrive $0xFFFF  }
0x30d: {  	s0 =	rddreg [dreg:$0x3]  }
0x30e: {  	s0 =	sadd.s32 @!p0 $0x100000, s0  }
0x30f: {  	[sflag:s0] =	ssyncadd.tile.s32 @!p0 $0x1;
	_ =	shalt  }
.Lfunc_end3:
_tile_overlayer_lowered:
.L_overlay_start_3:
0x310: {  	(tag) =	ssettag $0x3  }
0x311: {  	s0 =	rddreg [dreg:$0x0];
	s2 =	stileid.u32  }
0x312: {  	s1 =	rddreg [dreg:$0x1];
	p0 =	sne.s32 s2, $0x0  }
0x313: {  	s3 =	rddreg [dreg:$0x2];
	[bflag:$0x3] =	sbarrier.arrive $0xFFFF;
	s2 =	simm.s32 @!p0 $0x1C01  }
0x314: {  	[timem:s3], [sflag:s2] =	dma.local @!p0 [hbm:s0], s1  }
0x315: {  	s0 =	simm.s32 @!p0 $0x1  }
0x316: {  	_ =	swait.ge @!p0 [sflag:s0], s1  }
0x317: {  	s1 =	ssub.s32 @!p0 $0x0, s1;
	[sflag:s0] =	ssyncset.done @!p0 $0x0  }
0x318: {  	[sflag:s0] =	ssyncadd.s32 @!p0 s1  }
0x319: {  	[bflag:$0x3] =	sbarrier.arrive $0xFFFF  }
0x31a: {  	_ =	shalt  }

</sc_bundles>
